<compile_context>
chip_gen: v7x
topology: tpu7x:2x2x1
jax: 0.10.2.dev20260603
libtpu: 0.0.44.dev20260713+nightly
codegen_flags: <defaults>
</compile_context>

<pallas_src>
import functools

import jax
import jax.numpy as jnp
from jax import lax
from jax.experimental import pallas as pl
from jax.experimental.pallas import tpu as pltpu
from jax.experimental.pallas import tpu_sc as plsc

_NUNIQUE = 1000
_BATCH = 16384
_NW = 32
_COLS_PER_W = _BATCH // _NW
_CHUNK = 128
_NCHUNK = _COLS_PER_W // _CHUNK
_L = 16
_H0 = 504
_H1 = _NUNIQUE - _H0

_mesh = plsc.VectorSubcoreMesh(core_axis_name="c", subcore_axis_name="s")


@functools.partial(
    pl.kernel,
    mesh=_mesh,
    compiler_params=pltpu.CompilerParams(
        needs_layout_passes=False, use_tc_tiling_on_sc=True
    ),
    out_type=jax.ShapeDtypeStruct((_NUNIQUE, _BATCH), jnp.float32),
    scratch_types=[
        pltpu.VMEM((_H0, _CHUNK), jnp.float32),
        pltpu.VMEM((_H1, _CHUNK), jnp.float32),
        pltpu.VMEM((_COLS_PER_W,), jnp.int32),
        pltpu.SemaphoreType.DMA,
        pltpu.SemaphoreType.DMA,
    ],
)
def _onehot_sc(x_hbm, out_hbm, buf0, buf1, idx_v, sem0, sem1):
    wid = lax.axis_index("s") * 2 + lax.axis_index("c")
    base_col = wid * _COLS_PER_W

    idx_copy = pltpu.async_copy(
        x_hbm.at[pl.ds(base_col * 1, _COLS_PER_W)], idx_v, sem0
    )

    zeros = jnp.zeros((_L,), jnp.float32)
    ones = jnp.ones((_L,), jnp.float32)
    lane = lax.iota(jnp.int32, _L)

    def zero_half(buf, nrows):
        def zero_body(i, carry):
            r = i * 8
            for u in range(8):
                for q in range(_CHUNK // _L):
                    buf[r + u, pl.ds(q * _L, _L)] = zeros
            return carry

        lax.fori_loop(0, nrows // 8, zero_body, 0)

    def scatter(c, half, val):
        buf, lo, n = (buf0, 0, _H0) if half == 0 else (buf1, _H0, _H1)
        for j in range(_CHUNK // _L):
            xv = idx_v[pl.ds(c * _CHUNK + j * _L, _L)]
            col = lane + j * _L
            if half == 0:
                mask = xv < _H0
                plsc.store_scatter(buf, [xv, col], val, mask=mask)
            else:
                mask = xv >= _H0
                plsc.store_scatter(buf, [xv - _H0, col], val, mask=mask)

    def dst(c, half):
        lo, n = (0, _H0) if half == 0 else (_H0, _H1)
        return out_hbm.at[pl.ds(lo, n), pl.ds(base_col + c * _CHUNK, _CHUNK)]

    bufs = (buf0, buf1)
    sems = (sem0, sem1)

    zero_half(buf0, _H0)
    idx_copy.wait()
    scatter(0, 0, ones)
    pltpu.async_copy(buf0, dst(0, 0), sem0)
    zero_half(buf1, _H1)
    scatter(0, 1, ones)
    pltpu.async_copy(buf1, dst(0, 1), sem1)

    for c in range(1, _NCHUNK):
        for half in (0, 1):
            pltpu.make_async_copy(bufs[half], dst(c - 1, half), sems[half]).wait()
            scatter(c - 1, half, zeros)
            scatter(c, half, ones)
            pltpu.async_copy(bufs[half], dst(c, half), sems[half])

    for half in (0, 1):
        pltpu.make_async_copy(
            bufs[half], dst(_NCHUNK - 1, half), sems[half]
        ).wait()


def kernel(x):
    return _onehot_sc(x.astype(jnp.int32)).T

# --- scband reference (transcript-rebuilt; emitter-appended) ---
"""Pipeline reference for scband-one-hot-encoder-77970836291811 (READ-ONLY COPY).

The authoritative reference and input builder live on the scoring server;
editing this copy changes nothing except your own understanding.
"""

import jax, jax.numpy as jnp
import numpy as np

NUNIQUE = 1000
BATCH = 16384


def setup_inputs(seed: int = 0) -> dict:
    key = jax.random.key(seed)
    x = jax.random.randint(key, (BATCH,), 0, NUNIQUE)
    return {"x": x}


def reference(x):
    # Faithful translation of:
    #   out_vec = torch.zeros((B, nunique))
    #   for i in range(nunique): out_vec[:, i] = (x == i).float()
    # Vectorized: column i is exactly (x == i).float(), so compare x against
    # jnp.arange(nunique) broadcast over the column dimension.
    cols = jnp.arange(NUNIQUE, dtype=x.dtype)
    out_vec = (x[:, None] == cols[None, :]).astype(jnp.float32)
    return out_vec

if __name__ == "__main__":
    import jax
    _d = setup_inputs()
    print(jax.jit(kernel)(*tuple(_d.values())))

</pallas_src>

<mosaic_0001>
#map = affine_map<(d0, d1) -> (0)>
#map1 = affine_map<(d0, d1) -> (0, 0)>
module attributes {stable_mosaic.version = 14 : i64} {
  func.func @_onehot_sc(%arg0: i32, %arg1: i32, %arg2: memref<16384xi32, #tpu.memory_space<hbm>>, %arg3: memref<1000x16384xf32, #tpu.memory_space<hbm>>, %arg4: memref<504x128xf32, #tpu.memory_space<vmem>>, %arg5: memref<496x128xf32, #tpu.memory_space<vmem>>, %arg6: memref<512xi32, #tpu.memory_space<vmem>>, %arg7: memref<!tpu.dma_semaphore, #tpu.memory_space<semaphore_mem>>, %arg8: memref<!tpu.dma_semaphore, #tpu.memory_space<semaphore_mem>>) attributes {dimension_semantics = [#tpu.dimension_semantics<core_parallel>, #tpu.dimension_semantics<subcore_parallel>], iteration_bounds = array<i64: 2, 16>, scalar_prefetch = 0 : i64, scratch_operands = 5 : i64, tpu.core_type = #tpu.core_type<sc_vector_subcore>, window_params = [{transform_indices = #map}, {transform_indices = #map1}]} {
    %mul3A = arith.constant 2 : i32
    %mul3A_0 = arith.muli %arg1, %mul3A : i32
    %add3A = arith.addi %mul3A_0, %arg0 : i32
    %mul3A_1 = arith.constant 512 : i32
    %mul3A_2 = arith.muli %add3A, %mul3A_1 : i32
    %mul3A_3 = arith.constant 1 : i32
    %mul3A_4 = arith.muli %mul3A_2, %mul3A_3 : i32
    %dma_start3A = tpu.memref_slice %arg2[%mul3A_4] : memref<16384xi32, #tpu.memory_space<hbm>> -> memref<512xi32, #tpu.memory_space<hbm>>
    %dma_start3A_5 = tpu.memref_slice %arg2[%mul3A_4] : memref<16384xi32, #tpu.memory_space<hbm>> -> memref<512xi32, #tpu.memory_space<hbm>>
    tpu.enqueue_dma source(%dma_start3A_5 : memref<512xi32, #tpu.memory_space<hbm>>) target(%arg6 : memref<512xi32, #tpu.memory_space<vmem>>) target_semaphore(%arg7 : memref<!tpu.dma_semaphore, #tpu.memory_space<semaphore_mem>>)
    %broadcast_in_dim3A = arith.constant 0.000000e+00 : f32
    %broadcast_in_dim3A_6 = vector.broadcast %broadcast_in_dim3A : f32 to vector<16xf32>
    %broadcast_in_dim3A_7 = arith.constant 1.000000e+00 : f32
    %broadcast_in_dim3A_8 = vector.broadcast %broadcast_in_dim3A_7 : f32 to vector<16xf32>
    %iota3A = tpu.iota {dimensions = array<i32: 0>} : vector<16xi32>
    %scan3A = arith.constant 0 : i32
    %scan3A_9 = arith.constant 0 : i32
    %scan3A_10 = arith.constant 63 : i32
    %scan3A_11 = arith.addi %scan3A_9, %scan3A_10 : i32
    %scan3A_12 = arith.constant 1 : i32
    scf.for %scan3A_1177 = %scan3A_9 to %scan3A_11 step %scan3A_12  : i32 {
      %mul3A_1178 = arith.constant 8 : i32
      %mul3A_1179 = arith.muli %scan3A_1177, %mul3A_1178 : i32
      %add3A_1180 = arith.constant 0 : i32
      %add3A_1181 = arith.addi %mul3A_1179, %add3A_1180 : i32
      %swap3A = arith.index_cast %add3A_1181 : i32 to index
      %swap3A_1182 = arith.constant 0 : index
      %swap3A_1183 = tpu.vector_load %arg4[%swap3A, %swap3A_1182] {strides = array<i32>} : memref<504x128xf32, #tpu.memory_space<vmem>>, vector<16xf32>,
      tpu.vector_store %arg4[%swap3A, %swap3A_1182], %broadcast_in_dim3A_6 {strides = array<i32>} : memref<504x128xf32, #tpu.memory_space<vmem>>, vector<16xf32>,
      %add3A_1184 = arith.constant 0 : i32
      %add3A_1185 = arith.addi %mul3A_1179, %add3A_1184 : i32
      %swap3A_1186 = arith.index_cast %add3A_1185 : i32 to index
      %swap3A_1187 = arith.constant 16 : index
      %swap3A_1188 = tpu.vector_load %arg4[%swap3A_1186, %swap3A_1187] {strides = array<i32>} : memref<504x128xf32, #tpu.memory_space<vmem>>, vector<16xf32>,
      tpu.vector_store %arg4[%swap3A_1186, %swap3A_1187], %broadcast_in_dim3A_6 {strides = array<i32>} : memref<504x128xf32, #tpu.memory_space<vmem>>, vector<16xf32>,
      %add3A_1189 = arith.constant 0 : i32
      %add3A_1190 = arith.addi %mul3A_1179, %add3A_1189 : i32
      %swap3A_1191 = arith.index_cast %add3A_1190 : i32 to index
      %swap3A_1192 = arith.constant 32 : index
      %swap3A_1193 = tpu.vector_load %arg4[%swap3A_1191, %swap3A_1192] {strides = array<i32>} : memref<504x128xf32, #tpu.memory_space<vmem>>, vector<16xf32>,
      tpu.vector_store %arg4[%swap3A_1191, %swap3A_1192], %broadcast_in_dim3A_6 {strides = array<i32>} : memref<504x128xf32, #tpu.memory_space<vmem>>, vector<16xf32>,
      %add3A_1194 = arith.constant 0 : i32
      %add3A_1195 = arith.addi %mul3A_1179, %add3A_1194 : i32
      %swap3A_1196 = arith.index_cast %add3A_1195 : i32 to index
      %swap3A_1197 = arith.constant 48 : index
      %swap3A_1198 = tpu.vector_load %arg4[%swap3A_1196, %swap3A_1197] {strides = array<i32>} : memref<504x128xf32, #tpu.memory_space<vmem>>, vector<16xf32>,
      tpu.vector_store %arg4[%swap3A_1196, %swap3A_1197], %broadcast_in_dim3A_6 {strides = array<i32>} : memref<504x128xf32, #tpu.memory_space<vmem>>, vector<16xf32>,
      %add3A_1199 = arith.constant 0 : i32
      %add3A_1200 = arith.addi %mul3A_1179, %add3A_1199 : i32
      %swap3A_1201 = arith.index_cast %add3A_1200 : i32 to index
      %swap3A_1202 = arith.constant 64 : index
      %swap3A_1203 = tpu.vector_load %arg4[%swap3A_1201, %swap3A_1202] {strides = array<i32>} : memref<504x128xf32, #tpu.memory_space<vmem>>, vector<16xf32>,
      tpu.vector_store %arg4[%swap3A_1201, %swap3A_1202], %broadcast_in_dim3A_6 {strides = array<i32>} : memref<504x128xf32, #tpu.memory_space<vmem>>, vector<16xf32>,
      %add3A_1204 = arith.constant 0 : i32
      %add3A_1205 = arith.addi %mul3A_1179, %add3A_1204 : i32
      %swap3A_1206 = arith.index_cast %add3A_1205 : i32 to index
      %swap3A_1207 = arith.constant 80 : index
      %swap3A_1208 = tpu.vector_load %arg4[%swap3A_1206, %swap3A_1207] {strides = array<i32>} : memref<504x128xf32, #tpu.memory_space<vmem>>, vector<16xf32>,
      tpu.vector_store %arg4[%swap3A_1206, %swap3A_1207], %broadcast_in_dim3A_6 {strides = array<i32>} : memref<504x128xf32, #tpu.memory_space<vmem>>, vector<16xf32>,
      %add3A_1209 = arith.constant 0 : i32
      %add3A_1210 = arith.addi %mul3A_1179, %add3A_1209 : i32
      %swap3A_1211 = arith.index_cast %add3A_1210 : i32 to index
      %swap3A_1212 = arith.constant 96 : index
      %swap3A_1213 = tpu.vector_load %arg4[%swap3A_1211, %swap3A_1212] {strides = array<i32>} : memref<504x128xf32, #tpu.memory_space<vmem>>, vector<16xf32>,
      tpu.vector_store %arg4[%swap3A_1211, %swap3A_1212], %broadcast_in_dim3A_6 {strides = array<i32>} : memref<504x128xf32, #tpu.memory_space<vmem>>, vector<16xf32>,
      %add3A_1214 = arith.constant 0 : i32
      %add3A_1215 = arith.addi %mul3A_1179, %add3A_1214 : i32
      %swap3A_1216 = arith.index_cast %add3A_1215 : i32 to index
      %swap3A_1217 = arith.constant 112 : index
      %swap3A_1218 = tpu.vector_load %arg4[%swap3A_1216, %swap3A_1217] {strides = array<i32>} : memref<504x128xf32, #tpu.memory_space<vmem>>, vector<16xf32>,
      tpu.vector_store %arg4[%swap3A_1216, %swap3A_1217], %broadcast_in_dim3A_6 {strides = array<i32>} : memref<504x128xf32, #tpu.memory_space<vmem>>, vector<16xf32>,
      %add3A_1219 = arith.constant 1 : i32
      %add3A_1220 = arith.addi %mul3A_1179, %add3A_1219 : i32
      %swap3A_1221 = arith.index_cast %add3A_1220 : i32 to index
      %swap3A_1222 = arith.constant 0 : index
      %swap3A_1223 = tpu.vector_load %arg4[%swap3A_1221, %swap3A_1222] {strides = array<i32>} : memref<504x128xf32, #tpu.memory_space<vmem>>, vector<16xf32>,
      tpu.vector_store %arg4[%swap3A_1221, %swap3A_1222], %broadcast_in_dim3A_6 {strides = array<i32>} : memref<504x128xf32, #tpu.memory_space<vmem>>, vector<16xf32>,
      %add3A_1224 = arith.constant 1 : i32
      %add3A_1225 = arith.addi %mul3A_1179, %add3A_1224 : i32
      %swap3A_1226 = arith.index_cast %add3A_1225 : i32 to index
      %swap3A_1227 = arith.constant 16 : index
      %swap3A_1228 = tpu.vector_load %arg4[%swap3A_1226, %swap3A_1227] {strides = array<i32>} : memref<504x128xf32, #tpu.memory_space<vmem>>, vector<16xf32>,
      tpu.vector_store %arg4[%swap3A_1226, %swap3A_1227], %broadcast_in_dim3A_6 {strides = array<i32>} : memref<504x128xf32, #tpu.memory_space<vmem>>, vector<16xf32>,
      %add3A_1229 = arith.constant 1 : i32
      %add3A_1230 = arith.addi %mul3A_1179, %add3A_1229 : i32
      %swap3A_1231 = arith.index_cast %add3A_1230 : i32 to index
      %swap3A_1232 = arith.constant 32 : index
      %swap3A_1233 = tpu.vector_load %arg4[%swap3A_1231, %swap3A_1232] {strides = array<i32>} : memref<504x128xf32, #tpu.memory_space<vmem>>, vector<16xf32>,
      tpu.vector_store %arg4[%swap3A_1231, %swap3A_1232], %broadcast_in_dim3A_6 {strides = array<i32>} : memref<504x128xf32, #tpu.memory_space<vmem>>, vector<16xf32>,
      %add3A_1234 = arith.constant 1 : i32
      %add3A_1235 = arith.addi %mul3A_1179, %add3A_1234 : i32
      %swap3A_1236 = arith.index_cast %add3A_1235 : i32 to index
      %swap3A_1237 = arith.constant 48 : index
      %swap3A_1238 = tpu.vector_load %arg4[%swap3A_1236, %swap3A_1237] {strides = array<i32>} : memref<504x128xf32, #tpu.memory_space<vmem>>, vector<16xf32>,
      tpu.vector_store %arg4[%swap3A_1236, %swap3A_1237], %broadcast_in_dim3A_6 {strides = array<i32>} : memref<504x128xf32, #tpu.memory_space<vmem>>, vector<16xf32>,
      %add3A_1239 = arith.constant 1 : i32
      %add3A_1240 = arith.addi %mul3A_1179, %add3A_1239 : i32
      %swap3A_1241 = arith.index_cast %add3A_1240 : i32 to index
      %swap3A_1242 = arith.constant 64 : index
      %swap3A_1243 = tpu.vector_load %arg4[%swap3A_1241, %swap3A_1242] {strides = array<i32>} : memref<504x128xf32, #tpu.memory_space<vmem>>, vector<16xf32>,
      tpu.vector_store %arg4[%swap3A_1241, %swap3A_1242], %broadcast_in_dim3A_6 {strides = array<i32>} : memref<504x128xf32, #tpu.memory_space<vmem>>, vector<16xf32>,
      %add3A_1244 = arith.constant 1 : i32
      %add3A_1245 = arith.addi %mul3A_1179, %add3A_1244 : i32
      %swap3A_1246 = arith.index_cast %add3A_1245 : i32 to index
      %swap3A_1247 = arith.constant 80 : index
      %swap3A_1248 = tpu.vector_load %arg4[%swap3A_1246, %swap3A_1247] {strides = array<i32>} : memref<504x128xf32, #tpu.memory_space<vmem>>, vector<16xf32>,
      tpu.vector_store %arg4[%swap3A_1246, %swap3A_1247], %broadcast_in_dim3A_6 {strides = array<i32>} : memref<504x128xf32, #tpu.memory_space<vmem>>, vector<16xf32>,
      %add3A_1249 = arith.constant 1 : i32
      %add3A_1250 = arith.addi %mul3A_1179, %add3A_1249 : i32
      %swap3A_1251 = arith.index_cast %add3A_1250 : i32 to index
      %swap3A_1252 = arith.constant 96 : index
      %swap3A_1253 = tpu.vector_load %arg4[%swap3A_1251, %swap3A_1252] {strides = array<i32>} : memref<504x128xf32, #tpu.memory_space<vmem>>, vector<16xf32>,
      tpu.vector_store %arg4[%swap3A_1251, %swap3A_1252], %broadcast_in_dim3A_6 {strides = array<i32>} : memref<504x128xf32, #tpu.memory_space<vmem>>, vector<16xf32>,
      %add3A_1254 = arith.constant 1 : i32
      %add3A_1255 = arith.addi %mul3A_1179, %add3A_1254 : i32
      %swap3A_1256 = arith.index_cast %add3A_1255 : i32 to index
      %swap3A_1257 = arith.constant 112 : index
      %swap3A_1258 = tpu.vector_load %arg4[%swap3A_1256, %swap3A_1257] {strides = array<i32>} : memref<504x128xf32, #tpu.memory_space<vmem>>, vector<16xf32>,
      tpu.vector_store %arg4[%swap3A_1256, %swap3A_1257], %broadcast_in_dim3A_6 {strides = array<i32>} : memref<504x128xf32, #tpu.memory_space<vmem>>, vector<16xf32>,
      %add3A_1259 = arith.constant 2 : i32
      %add3A_1260 = arith.addi %mul3A_1179, %add3A_1259 : i32
      %swap3A_1261 = arith.index_cast %add3A_1260 : i32 to index
      %swap3A_1262 = arith.constant 0 : index
      %swap3A_1263 = tpu.vector_load %arg4[%swap3A_1261, %swap3A_1262] {strides = array<i32>} : memref<504x128xf32, #tpu.memory_space<vmem>>, vector<16xf32>,
      tpu.vector_store %arg4[%swap3A_1261, %swap3A_1262], %broadcast_in_dim3A_6 {strides = array<i32>} : memref<504x128xf32, #tpu.memory_space<vmem>>, vector<16xf32>,
      %add3A_1264 = arith.constant 2 : i32
      %add3A_1265 = arith.addi %mul3A_1179, %add3A_1264 : i32
      %swap3A_1266 = arith.index_cast %add3A_1265 : i32 to index
      %swap3A_1267 = arith.constant 16 : index
      %swap3A_1268 = tpu.vector_load %arg4[%swap3A_1266, %swap3A_1267] {strides = array<i32>} : memref<504x128xf32, #tpu.memory_space<vmem>>, vector<16xf32>,
      tpu.vector_store %arg4[%swap3A_1266, %swap3A_1267], %broadcast_in_dim3A_6 {strides = array<i32>} : memref<504x128xf32, #tpu.memory_space<vmem>>, vector<16xf32>,
      %add3A_1269 = arith.constant 2 : i32
      %add3A_1270 = arith.addi %mul3A_1179, %add3A_1269 : i32
      %swap3A_1271 = arith.index_cast %add3A_1270 : i32 to index
      %swap3A_1272 = arith.constant 32 : index
      %swap3A_1273 = tpu.vector_load %arg4[%swap3A_1271, %swap3A_1272] {strides = array<i32>} : memref<504x128xf32, #tpu.memory_space<vmem>>, vector<16xf32>,
      tpu.vector_store %arg4[%swap3A_1271, %swap3A_1272], %broadcast_in_dim3A_6 {strides = array<i32>} : memref<504x128xf32, #tpu.memory_space<vmem>>, vector<16xf32>,
      %add3A_1274 = arith.constant 2 : i32
      %add3A_1275 = arith.addi %mul3A_1179, %add3A_1274 : i32
      %swap3A_1276 = arith.index_cast %add3A_1275 : i32 to index
      %swap3A_1277 = arith.constant 48 : index
      %swap3A_1278 = tpu.vector_load %arg4[%swap3A_1276, %swap3A_1277] {strides = array<i32>} : memref<504x128xf32, #tpu.memory_space<vmem>>, vector<16xf32>,
      tpu.vector_store %arg4[%swap3A_1276, %swap3A_1277], %broadcast_in_dim3A_6 {strides = array<i32>} : memref<504x128xf32, #tpu.memory_space<vmem>>, vector<16xf32>,
      %add3A_1279 = arith.constant 2 : i32
      %add3A_1280 = arith.addi %mul3A_1179, %add3A_1279 : i32
      %swap3A_1281 = arith.index_cast %add3A_1280 : i32 to index
      %swap3A_1282 = arith.constant 64 : index
      %swap3A_1283 = tpu.vector_load %arg4[%swap3A_1281, %swap3A_1282] {strides = array<i32>} : memref<504x128xf32, #tpu.memory_space<vmem>>, vector<16xf32>,
      tpu.vector_store %arg4[%swap3A_1281, %swap3A_1282], %broadcast_in_dim3A_6 {strides = array<i32>} : memref<504x128xf32, #tpu.memory_space<vmem>>, vector<16xf32>,
      %add3A_1284 = arith.constant 2 : i32
      %add3A_1285 = arith.addi %mul3A_1179, %add3A_1284 : i32
      %swap3A_1286 = arith.index_cast %add3A_1285 : i32 to index
      %swap3A_1287 = arith.constant 80 : index
      %swap3A_1288 = tpu.vector_load %arg4[%swap3A_1286, %swap3A_1287] {strides = array<i32>} : memref<504x128xf32, #tpu.memory_space<vmem>>, vector<16xf32>,
      tpu.vector_store %arg4[%swap3A_1286, %swap3A_1287], %broadcast_in_dim3A_6 {strides = array<i32>} : memref<504x128xf32, #tpu.memory_space<vmem>>, vector<16xf32>,
      %add3A_1289 = arith.constant 2 : i32
      %add3A_1290 = arith.addi %mul3A_1179, %add3A_1289 : i32
      %swap3A_1291 = arith.index_cast %add3A_1290 : i32 to index
      %swap3A_1292 = arith.constant 96 : index
      %swap3A_1293 = tpu.vector_load %arg4[%swap3A_1291, %swap3A_1292] {strides = array<i32>} : memref<504x128xf32, #tpu.memory_space<vmem>>, vector<16xf32>,
      tpu.vector_store %arg4[%swap3A_1291, %swap3A_1292], %broadcast_in_dim3A_6 {strides = array<i32>} : memref<504x128xf32, #tpu.memory_space<vmem>>, vector<16xf32>,
      %add3A_1294 = arith.constant 2 : i32
      %add3A_1295 = arith.addi %mul3A_1179, %add3A_1294 : i32
      %swap3A_1296 = arith.index_cast %add3A_1295 : i32 to index
      %swap3A_1297 = arith.constant 112 : index
      %swap3A_1298 = tpu.vector_load %arg4[%swap3A_1296, %swap3A_1297] {strides = array<i32>} : memref<504x128xf32, #tpu.memory_space<vmem>>, vector<16xf32>,
      tpu.vector_store %arg4[%swap3A_1296, %swap3A_1297], %broadcast_in_dim3A_6 {strides = array<i32>} : memref<504x128xf32, #tpu.memory_space<vmem>>, vector<16xf32>,
      %add3A_1299 = arith.constant 3 : i32
      %add3A_1300 = arith.addi %mul3A_1179, %add3A_1299 : i32
      %swap3A_1301 = arith.index_cast %add3A_1300 : i32 to index
      %swap3A_1302 = arith.constant 0 : index
      %swap3A_1303 = tpu.vector_load %arg4[%swap3A_1301, %swap3A_1302] {strides = array<i32>} : memref<504x128xf32, #tpu.memory_space<vmem>>, vector<16xf32>,
      tpu.vector_store %arg4[%swap3A_1301, %swap3A_1302], %broadcast_in_dim3A_6 {strides = array<i32>} : memref<504x128xf32, #tpu.memory_space<vmem>>, vector<16xf32>,
      %add3A_1304 = arith.constant 3 : i32
      %add3A_1305 = arith.addi %mul3A_1179, %add3A_1304 : i32
      %swap3A_1306 = arith.index_cast %add3A_1305 : i32 to index
      %swap3A_1307 = arith.constant 16 : index
      %swap3A_1308 = tpu.vector_load %arg4[%swap3A_1306, %swap3A_1307] {strides = array<i32>} : memref<504x128xf32, #tpu.memory_space<vmem>>, vector<16xf32>,
      tpu.vector_store %arg4[%swap3A_1306, %swap3A_1307], %broadcast_in_dim3A_6 {strides = array<i32>} : memref<504x128xf32, #tpu.memory_space<vmem>>, vector<16xf32>,
      %add3A_1309 = arith.constant 3 : i32
      %add3A_1310 = arith.addi %mul3A_1179, %add3A_1309 : i32
      %swap3A_1311 = arith.index_cast %add3A_1310 : i32 to index
      %swap3A_1312 = arith.constant 32 : index
      %swap3A_1313 = tpu.vector_load %arg4[%swap3A_1311, %swap3A_1312] {strides = array<i32>} : memref<504x128xf32, #tpu.memory_space<vmem>>, vector<16xf32>,
      tpu.vector_store %arg4[%swap3A_1311, %swap3A_1312], %broadcast_in_dim3A_6 {strides = array<i32>} : memref<504x128xf32, #tpu.memory_space<vmem>>, vector<16xf32>,
      %add3A_1314 = arith.constant 3 : i32
      %add3A_1315 = arith.addi %mul3A_1179, %add3A_1314 : i32
      %swap3A_1316 = arith.index_cast %add3A_1315 : i32 to index
      %swap3A_1317 = arith.constant 48 : index
      %swap3A_1318 = tpu.vector_load %arg4[%swap3A_1316, %swap3A_1317] {strides = array<i32>} : memref<504x128xf32, #tpu.memory_space<vmem>>, vector<16xf32>,
      tpu.vector_store %arg4[%swap3A_1316, %swap3A_1317], %broadcast_in_dim3A_6 {strides = array<i32>} : memref<504x128xf32, #tpu.memory_space<vmem>>, vector<16xf32>,
      %add3A_1319 = arith.constant 3 : i32
      %add3A_1320 = arith.addi %mul3A_1179, %add3A_1319 : i32
      %swap3A_1321 = arith.index_cast %add3A_1320 : i32 to index
      %swap3A_1322 = arith.constant 64 : index
      %swap3A_1323 = tpu.vector_load %arg4[%swap3A_1321, %swap3A_1322] {strides = array<i32>} : memref<504x128xf32, #tpu.memory_space<vmem>>, vector<16xf32>,
      tpu.vector_store %arg4[%swap3A_1321, %swap3A_1322], %broadcast_in_dim3A_6 {strides = array<i32>} : memref<504x128xf32, #tpu.memory_space<vmem>>, vector<16xf32>,
      %add3A_1324 = arith.constant 3 : i32
      %add3A_1325 = arith.addi %mul3A_1179, %add3A_1324 : i32
      %swap3A_1326 = arith.index_cast %add3A_1325 : i32 to index
      %swap3A_1327 = arith.constant 80 : index
      %swap3A_1328 = tpu.vector_load %arg4[%swap3A_1326, %swap3A_1327] {strides = array<i32>} : memref<504x128xf32, #tpu.memory_space<vmem>>, vector<16xf32>,
      tpu.vector_store %arg4[%swap3A_1326, %swap3A_1327], %broadcast_in_dim3A_6 {strides = array<i32>} : memref<504x128xf32, #tpu.memory_space<vmem>>, vector<16xf32>,
      %add3A_1329 = arith.constant 3 : i32
      %add3A_1330 = arith.addi %mul3A_1179, %add3A_1329 : i32
      %swap3A_1331 = arith.index_cast %add3A_1330 : i32 to index
      %swap3A_1332 = arith.constant 96 : index
      %swap3A_1333 = tpu.vector_load %arg4[%swap3A_1331, %swap3A_1332] {strides = array<i32>} : memref<504x128xf32, #tpu.memory_space<vmem>>, vector<16xf32>,
      tpu.vector_store %arg4[%swap3A_1331, %swap3A_1332], %broadcast_in_dim3A_6 {strides = array<i32>} : memref<504x128xf32, #tpu.memory_space<vmem>>, vector<16xf32>,
      %add3A_1334 = arith.constant 3 : i32
      %add3A_1335 = arith.addi %mul3A_1179, %add3A_1334 : i32
      %swap3A_1336 = arith.index_cast %add3A_1335 : i32 to index
      %swap3A_1337 = arith.constant 112 : index
      %swap3A_1338 = tpu.vector_load %arg4[%swap3A_1336, %swap3A_1337] {strides = array<i32>} : memref<504x128xf32, #tpu.memory_space<vmem>>, vector<16xf32>,
      tpu.vector_store %arg4[%swap3A_1336, %swap3A_1337], %broadcast_in_dim3A_6 {strides = array<i32>} : memref<504x128xf32, #tpu.memory_space<vmem>>, vector<16xf32>,
      %add3A_1339 = arith.constant 4 : i32
      %add3A_1340 = arith.addi %mul3A_1179, %add3A_1339 : i32
      %swap3A_1341 = arith.index_cast %add3A_1340 : i32 to index
      %swap3A_1342 = arith.constant 0 : index
      %swap3A_1343 = tpu.vector_load %arg4[%swap3A_1341, %swap3A_1342] {strides = array<i32>} : memref<504x128xf32, #tpu.memory_space<vmem>>, vector<16xf32>,
      tpu.vector_store %arg4[%swap3A_1341, %swap3A_1342], %broadcast_in_dim3A_6 {strides = array<i32>} : memref<504x128xf32, #tpu.memory_space<vmem>>, vector<16xf32>,
      %add3A_1344 = arith.constant 4 : i32
      %add3A_1345 = arith.addi %mul3A_1179, %add3A_1344 : i32
      %swap3A_1346 = arith.index_cast %add3A_1345 : i32 to index
      %swap3A_1347 = arith.constant 16 : index
      %swap3A_1348 = tpu.vector_load %arg4[%swap3A_1346, %swap3A_1347] {strides = array<i32>} : memref<504x128xf32, #tpu.memory_space<vmem>>, vector<16xf32>,
      tpu.vector_store %arg4[%swap3A_1346, %swap3A_1347], %broadcast_in_dim3A_6 {strides = array<i32>} : memref<504x128xf32, #tpu.memory_space<vmem>>, vector<16xf32>,
      %add3A_1349 = arith.constant 4 : i32
      %add3A_1350 = arith.addi %mul3A_1179, %add3A_1349 : i32
      %swap3A_1351 = arith.index_cast %add3A_1350 : i32 to index
      %swap3A_1352 = arith.constant 32 : index
      %swap3A_1353 = tpu.vector_load %arg4[%swap3A_1351, %swap3A_1352] {strides = array<i32>} : memref<504x128xf32, #tpu.memory_space<vmem>>, vector<16xf32>,
      tpu.vector_store %arg4[%swap3A_1351, %swap3A_1352], %broadcast_in_dim3A_6 {strides = array<i32>} : memref<504x128xf32, #tpu.memory_space<vmem>>, vector<16xf32>,
      %add3A_1354 = arith.constant 4 : i32
      %add3A_1355 = arith.addi %mul3A_1179, %add3A_1354 : i32
      %swap3A_1356 = arith.index_cast %add3A_1355 : i32 to index
      %swap3A_1357 = arith.constant 48 : index
      %swap3A_1358 = tpu.vector_load %arg4[%swap3A_1356, %swap3A_1357] {strides = array<i32>} : memref<504x128xf32, #tpu.memory_space<vmem>>, vector<16xf32>,
      tpu.vector_store %arg4[%swap3A_1356, %swap3A_1357], %broadcast_in_dim3A_6 {strides = array<i32>} : memref<504x128xf32, #tpu.memory_space<vmem>>, vector<16xf32>,
      %add3A_1359 = arith.constant 4 : i32
      %add3A_1360 = arith.addi %mul3A_1179, %add3A_1359 : i32
      %swap3A_1361 = arith.index_cast %add3A_1360 : i32 to index
      %swap3A_1362 = arith.constant 64 : index
      %swap3A_1363 = tpu.vector_load %arg4[%swap3A_1361, %swap3A_1362] {strides = array<i32>} : memref<504x128xf32, #tpu.memory_space<vmem>>, vector<16xf32>,
      tpu.vector_store %arg4[%swap3A_1361, %swap3A_1362], %broadcast_in_dim3A_6 {strides = array<i32>} : memref<504x128xf32, #tpu.memory_space<vmem>>, vector<16xf32>,
      %add3A_1364 = arith.constant 4 : i32
      %add3A_1365 = arith.addi %mul3A_1179, %add3A_1364 : i32
      %swap3A_1366 = arith.index_cast %add3A_1365 : i32 to index
      %swap3A_1367 = arith.constant 80 : index
      %swap3A_1368 = tpu.vector_load %arg4[%swap3A_1366, %swap3A_1367] {strides = array<i32>} : memref<504x128xf32, #tpu.memory_space<vmem>>, vector<16xf32>,
      tpu.vector_store %arg4[%swap3A_1366, %swap3A_1367], %broadcast_in_dim3A_6 {strides = array<i32>} : memref<504x128xf32, #tpu.memory_space<vmem>>, vector<16xf32>,
      %add3A_1369 = arith.constant 4 : i32
      %add3A_1370 = arith.addi %mul3A_1179, %add3A_1369 : i32
      %swap3A_1371 = arith.index_cast %add3A_1370 : i32 to index
      %swap3A_1372 = arith.constant 96 : index
      %swap3A_1373 = tpu.vector_load %arg4[%swap3A_1371, %swap3A_1372] {strides = array<i32>} : memref<504x128xf32, #tpu.memory_space<vmem>>, vector<16xf32>,
      tpu.vector_store %arg4[%swap3A_1371, %swap3A_1372], %broadcast_in_dim3A_6 {strides = array<i32>} : memref<504x128xf32, #tpu.memory_space<vmem>>, vector<16xf32>,
      %add3A_1374 = arith.constant 4 : i32
      %add3A_1375 = arith.addi %mul3A_1179, %add3A_1374 : i32
      %swap3A_1376 = arith.index_cast %add3A_1375 : i32 to index
      %swap3A_1377 = arith.constant 112 : index
      %swap3A_1378 = tpu.vector_load %arg4[%swap3A_1376, %swap3A_1377] {strides = array<i32>} : memref<504x128xf32, #tpu.memory_space<vmem>>, vector<16xf32>,
      tpu.vector_store %arg4[%swap3A_1376, %swap3A_1377], %broadcast_in_dim3A_6 {strides = array<i32>} : memref<504x128xf32, #tpu.memory_space<vmem>>, vector<16xf32>,
      %add3A_1379 = arith.constant 5 : i32
      %add3A_1380 = arith.addi %mul3A_1179, %add3A_1379 : i32
      %swap3A_1381 = arith.index_cast %add3A_1380 : i32 to index
      %swap3A_1382 = arith.constant 0 : index
      %swap3A_1383 = tpu.vector_load %arg4[%swap3A_1381, %swap3A_1382] {strides = array<i32>} : memref<504x128xf32, #tpu.memory_space<vmem>>, vector<16xf32>,
      tpu.vector_store %arg4[%swap3A_1381, %swap3A_1382], %broadcast_in_dim3A_6 {strides = array<i32>} : memref<504x128xf32, #tpu.memory_space<vmem>>, vector<16xf32>,
      %add3A_1384 = arith.constant 5 : i32
      %add3A_1385 = arith.addi %mul3A_1179, %add3A_1384 : i32
      %swap3A_1386 = arith.index_cast %add3A_1385 : i32 to index
      %swap3A_1387 = arith.constant 16 : index
      %swap3A_1388 = tpu.vector_load %arg4[%swap3A_1386, %swap3A_1387] {strides = array<i32>} : memref<504x128xf32, #tpu.memory_space<vmem>>, vector<16xf32>,
      tpu.vector_store %arg4[%swap3A_1386, %swap3A_1387], %broadcast_in_dim3A_6 {strides = array<i32>} : memref<504x128xf32, #tpu.memory_space<vmem>>, vector<16xf32>,
      %add3A_1389 = arith.constant 5 : i32
      %add3A_1390 = arith.addi %mul3A_1179, %add3A_1389 : i32
      %swap3A_1391 = arith.index_cast %add3A_1390 : i32 to index
      %swap3A_1392 = arith.constant 32 : index
      %swap3A_1393 = tpu.vector_load %arg4[%swap3A_1391, %swap3A_1392] {strides = array<i32>} : memref<504x128xf32, #tpu.memory_space<vmem>>, vector<16xf32>,
      tpu.vector_store %arg4[%swap3A_1391, %swap3A_1392], %broadcast_in_dim3A_6 {strides = array<i32>} : memref<504x128xf32, #tpu.memory_space<vmem>>, vector<16xf32>,
      %add3A_1394 = arith.constant 5 : i32
      %add3A_1395 = arith.addi %mul3A_1179, %add3A_1394 : i32
      %swap3A_1396 = arith.index_cast %add3A_1395 : i32 to index
      %swap3A_1397 = arith.constant 48 : index
      %swap3A_1398 = tpu.vector_load %arg4[%swap3A_1396, %swap3A_1397] {strides = array<i32>} : memref<504x128xf32, #tpu.memory_space<vmem>>, vector<16xf32>,
      tpu.vector_store %arg4[%swap3A_1396, %swap3A_1397], %broadcast_in_dim3A_6 {strides = array<i32>} : memref<504x128xf32, #tpu.memory_space<vmem>>, vector<16xf32>,
      %add3A_1399 = arith.constant 5 : i32
      %add3A_1400 = arith.addi %mul3A_1179, %add3A_1399 : i32
      %swap3A_1401 = arith.index_cast %add3A_1400 : i32 to index
      %swap3A_1402 = arith.constant 64 : index
      %swap3A_1403 = tpu.vector_load %arg4[%swap3A_1401, %swap3A_1402] {strides = array<i32>} : memref<504x128xf32, #tpu.memory_space<vmem>>, vector<16xf32>,
      tpu.vector_store %arg4[%swap3A_1401, %swap3A_1402], %broadcast_in_dim3A_6 {strides = array<i32>} : memref<504x128xf32, #tpu.memory_space<vmem>>, vector<16xf32>,
      %add3A_1404 = arith.constant 5 : i32
      %add3A_1405 = arith.addi %mul3A_1179, %add3A_1404 : i32
      %swap3A_1406 = arith.index_cast %add3A_1405 : i32 to index
      %swap3A_1407 = arith.constant 80 : index
      %swap3A_1408 = tpu.vector_load %arg4[%swap3A_1406, %swap3A_1407] {strides = array<i32>} : memref<504x128xf32, #tpu.memory_space<vmem>>, vector<16xf32>,
      tpu.vector_store %arg4[%swap3A_1406, %swap3A_1407], %broadcast_in_dim3A_6 {strides = array<i32>} : memref<504x128xf32, #tpu.memory_space<vmem>>, vector<16xf32>,
      %add3A_1409 = arith.constant 5 : i32
      %add3A_1410 = arith.addi %mul3A_1179, %add3A_1409 : i32
      %swap3A_1411 = arith.index_cast %add3A_1410 : i32 to index
      %swap3A_1412 = arith.constant 96 : index
      %swap3A_1413 = tpu.vector_load %arg4[%swap3A_1411, %swap3A_1412] {strides = array<i32>} : memref<504x128xf32, #tpu.memory_space<vmem>>, vector<16xf32>,
      tpu.vector_store %arg4[%swap3A_1411, %swap3A_1412], %broadcast_in_dim3A_6 {strides = array<i32>} : memref<504x128xf32, #tpu.memory_space<vmem>>, vector<16xf32>,
      %add3A_1414 = arith.constant 5 : i32
      %add3A_1415 = arith.addi %mul3A_1179, %add3A_1414 : i32
      %swap3A_1416 = arith.index_cast %add3A_1415 : i32 to index
      %swap3A_1417 = arith.constant 112 : index
      %swap3A_1418 = tpu.vector_load %arg4[%swap3A_1416, %swap3A_1417] {strides = array<i32>} : memref<504x128xf32, #tpu.memory_space<vmem>>, vector<16xf32>,
      tpu.vector_store %arg4[%swap3A_1416, %swap3A_1417], %broadcast_in_dim3A_6 {strides = array<i32>} : memref<504x128xf32, #tpu.memory_space<vmem>>, vector<16xf32>,
      %add3A_1419 = arith.constant 6 : i32
      %add3A_1420 = arith.addi %mul3A_1179, %add3A_1419 : i32
      %swap3A_1421 = arith.index_cast %add3A_1420 : i32 to index
      %swap3A_1422 = arith.constant 0 : index
      %swap3A_1423 = tpu.vector_load %arg4[%swap3A_1421, %swap3A_1422] {strides = array<i32>} : memref<504x128xf32, #tpu.memory_space<vmem>>, vector<16xf32>,
      tpu.vector_store %arg4[%swap3A_1421, %swap3A_1422], %broadcast_in_dim3A_6 {strides = array<i32>} : memref<504x128xf32, #tpu.memory_space<vmem>>, vector<16xf32>,
      %add3A_1424 = arith.constant 6 : i32
      %add3A_1425 = arith.addi %mul3A_1179, %add3A_1424 : i32
      %swap3A_1426 = arith.index_cast %add3A_1425 : i32 to index
      %swap3A_1427 = arith.constant 16 : index
      %swap3A_1428 = tpu.vector_load %arg4[%swap3A_1426, %swap3A_1427] {strides = array<i32>} : memref<504x128xf32, #tpu.memory_space<vmem>>, vector<16xf32>,
      tpu.vector_store %arg4[%swap3A_1426, %swap3A_1427], %broadcast_in_dim3A_6 {strides = array<i32>} : memref<504x128xf32, #tpu.memory_space<vmem>>, vector<16xf32>,
      %add3A_1429 = arith.constant 6 : i32
      %add3A_1430 = arith.addi %mul3A_1179, %add3A_1429 : i32
      %swap3A_1431 = arith.index_cast %add3A_1430 : i32 to index
      %swap3A_1432 = arith.constant 32 : index
      %swap3A_1433 = tpu.vector_load %arg4[%swap3A_1431, %swap3A_1432] {strides = array<i32>} : memref<504x128xf32, #tpu.memory_space<vmem>>, vector<16xf32>,
      tpu.vector_store %arg4[%swap3A_1431, %swap3A_1432], %broadcast_in_dim3A_6 {strides = array<i32>} : memref<504x128xf32, #tpu.memory_space<vmem>>, vector<16xf32>,
      %add3A_1434 = arith.constant 6 : i32
      %add3A_1435 = arith.addi %mul3A_1179, %add3A_1434 : i32
      %swap3A_1436 = arith.index_cast %add3A_1435 : i32 to index
      %swap3A_1437 = arith.constant 48 : index
      %swap3A_1438 = tpu.vector_load %arg4[%swap3A_1436, %swap3A_1437] {strides = array<i32>} : memref<504x128xf32, #tpu.memory_space<vmem>>, vector<16xf32>,
      tpu.vector_store %arg4[%swap3A_1436, %swap3A_1437], %broadcast_in_dim3A_6 {strides = array<i32>} : memref<504x128xf32, #tpu.memory_space<vmem>>, vector<16xf32>,
      %add3A_1439 = arith.constant 6 : i32
      %add3A_1440 = arith.addi %mul3A_1179, %add3A_1439 : i32
      %swap3A_1441 = arith.index_cast %add3A_1440 : i32 to index
      %swap3A_1442 = arith.constant 64 : index
      %swap3A_1443 = tpu.vector_load %arg4[%swap3A_1441, %swap3A_1442] {strides = array<i32>} : memref<504x128xf32, #tpu.memory_space<vmem>>, vector<16xf32>,
      tpu.vector_store %arg4[%swap3A_1441, %swap3A_1442], %broadcast_in_dim3A_6 {strides = array<i32>} : memref<504x128xf32, #tpu.memory_space<vmem>>, vector<16xf32>,
      %add3A_1444 = arith.constant 6 : i32
      %add3A_1445 = arith.addi %mul3A_1179, %add3A_1444 : i32
      %swap3A_1446 = arith.index_cast %add3A_1445 : i32 to index
      %swap3A_1447 = arith.constant 80 : index
      %swap3A_1448 = tpu.vector_load %arg4[%swap3A_1446, %swap3A_1447] {strides = array<i32>} : memref<504x128xf32, #tpu.memory_space<vmem>>, vector<16xf32>,
      tpu.vector_store %arg4[%swap3A_1446, %swap3A_1447], %broadcast_in_dim3A_6 {strides = array<i32>} : memref<504x128xf32, #tpu.memory_space<vmem>>, vector<16xf32>,
      %add3A_1449 = arith.constant 6 : i32
      %add3A_1450 = arith.addi %mul3A_1179, %add3A_1449 : i32
      %swap3A_1451 = arith.index_cast %add3A_1450 : i32 to index
      %swap3A_1452 = arith.constant 96 : index
      %swap3A_1453 = tpu.vector_load %arg4[%swap3A_1451, %swap3A_1452] {strides = array<i32>} : memref<504x128xf32, #tpu.memory_space<vmem>>, vector<16xf32>,
      tpu.vector_store %arg4[%swap3A_1451, %swap3A_1452], %broadcast_in_dim3A_6 {strides = array<i32>} : memref<504x128xf32, #tpu.memory_space<vmem>>, vector<16xf32>,
      %add3A_1454 = arith.constant 6 : i32
      %add3A_1455 = arith.addi %mul3A_1179, %add3A_1454 : i32
      %swap3A_1456 = arith.index_cast %add3A_1455 : i32 to index
      %swap3A_1457 = arith.constant 112 : index
      %swap3A_1458 = tpu.vector_load %arg4[%swap3A_1456, %swap3A_1457] {strides = array<i32>} : memref<504x128xf32, #tpu.memory_space<vmem>>, vector<16xf32>,
      tpu.vector_store %arg4[%swap3A_1456, %swap3A_1457], %broadcast_in_dim3A_6 {strides = array<i32>} : memref<504x128xf32, #tpu.memory_space<vmem>>, vector<16xf32>,
      %add3A_1459 = arith.constant 7 : i32
      %add3A_1460 = arith.addi %mul3A_1179, %add3A_1459 : i32
      %swap3A_1461 = arith.index_cast %add3A_1460 : i32 to index
      %swap3A_1462 = arith.constant 0 : index
      %swap3A_1463 = tpu.vector_load %arg4[%swap3A_1461, %swap3A_1462] {strides = array<i32>} : memref<504x128xf32, #tpu.memory_space<vmem>>, vector<16xf32>,
      tpu.vector_store %arg4[%swap3A_1461, %swap3A_1462], %broadcast_in_dim3A_6 {strides = array<i32>} : memref<504x128xf32, #tpu.memory_space<vmem>>, vector<16xf32>,
      %add3A_1464 = arith.constant 7 : i32
      %add3A_1465 = arith.addi %mul3A_1179, %add3A_1464 : i32
      %swap3A_1466 = arith.index_cast %add3A_1465 : i32 to index
      %swap3A_1467 = arith.constant 16 : index
      %swap3A_1468 = tpu.vector_load %arg4[%swap3A_1466, %swap3A_1467] {strides = array<i32>} : memref<504x128xf32, #tpu.memory_space<vmem>>, vector<16xf32>,
      tpu.vector_store %arg4[%swap3A_1466, %swap3A_1467], %broadcast_in_dim3A_6 {strides = array<i32>} : memref<504x128xf32, #tpu.memory_space<vmem>>, vector<16xf32>,
      %add3A_1469 = arith.constant 7 : i32
      %add3A_1470 = arith.addi %mul3A_1179, %add3A_1469 : i32
      %swap3A_1471 = arith.index_cast %add3A_1470 : i32 to index
      %swap3A_1472 = arith.constant 32 : index
      %swap3A_1473 = tpu.vector_load %arg4[%swap3A_1471, %swap3A_1472] {strides = array<i32>} : memref<504x128xf32, #tpu.memory_space<vmem>>, vector<16xf32>,
      tpu.vector_store %arg4[%swap3A_1471, %swap3A_1472], %broadcast_in_dim3A_6 {strides = array<i32>} : memref<504x128xf32, #tpu.memory_space<vmem>>, vector<16xf32>,
      %add3A_1474 = arith.constant 7 : i32
      %add3A_1475 = arith.addi %mul3A_1179, %add3A_1474 : i32
      %swap3A_1476 = arith.index_cast %add3A_1475 : i32 to index
      %swap3A_1477 = arith.constant 48 : index
      %swap3A_1478 = tpu.vector_load %arg4[%swap3A_1476, %swap3A_1477] {strides = array<i32>} : memref<504x128xf32, #tpu.memory_space<vmem>>, vector<16xf32>,
      tpu.vector_store %arg4[%swap3A_1476, %swap3A_1477], %broadcast_in_dim3A_6 {strides = array<i32>} : memref<504x128xf32, #tpu.memory_space<vmem>>, vector<16xf32>,
      %add3A_1479 = arith.constant 7 : i32
      %add3A_1480 = arith.addi %mul3A_1179, %add3A_1479 : i32
      %swap3A_1481 = arith.index_cast %add3A_1480 : i32 to index
      %swap3A_1482 = arith.constant 64 : index
      %swap3A_1483 = tpu.vector_load %arg4[%swap3A_1481, %swap3A_1482] {strides = array<i32>} : memref<504x128xf32, #tpu.memory_space<vmem>>, vector<16xf32>,
      tpu.vector_store %arg4[%swap3A_1481, %swap3A_1482], %broadcast_in_dim3A_6 {strides = array<i32>} : memref<504x128xf32, #tpu.memory_space<vmem>>, vector<16xf32>,
      %add3A_1484 = arith.constant 7 : i32
      %add3A_1485 = arith.addi %mul3A_1179, %add3A_1484 : i32
      %swap3A_1486 = arith.index_cast %add3A_1485 : i32 to index
      %swap3A_1487 = arith.constant 80 : index
      %swap3A_1488 = tpu.vector_load %arg4[%swap3A_1486, %swap3A_1487] {strides = array<i32>} : memref<504x128xf32, #tpu.memory_space<vmem>>, vector<16xf32>,
      tpu.vector_store %arg4[%swap3A_1486, %swap3A_1487], %broadcast_in_dim3A_6 {strides = array<i32>} : memref<504x128xf32, #tpu.memory_space<vmem>>, vector<16xf32>,
      %add3A_1489 = arith.constant 7 : i32
      %add3A_1490 = arith.addi %mul3A_1179, %add3A_1489 : i32
      %swap3A_1491 = arith.index_cast %add3A_1490 : i32 to index
      %swap3A_1492 = arith.constant 96 : index
      %swap3A_1493 = tpu.vector_load %arg4[%swap3A_1491, %swap3A_1492] {strides = array<i32>} : memref<504x128xf32, #tpu.memory_space<vmem>>, vector<16xf32>,
      tpu.vector_store %arg4[%swap3A_1491, %swap3A_1492], %broadcast_in_dim3A_6 {strides = array<i32>} : memref<504x128xf32, #tpu.memory_space<vmem>>, vector<16xf32>,
      %add3A_1494 = arith.constant 7 : i32
      %add3A_1495 = arith.addi %mul3A_1179, %add3A_1494 : i32
      %swap3A_1496 = arith.index_cast %add3A_1495 : i32 to index
      %swap3A_1497 = arith.constant 112 : index
      %swap3A_1498 = tpu.vector_load %arg4[%swap3A_1496, %swap3A_1497] {strides = array<i32>} : memref<504x128xf32, #tpu.memory_space<vmem>>, vector<16xf32>,
      tpu.vector_store %arg4[%swap3A_1496, %swap3A_1497], %broadcast_in_dim3A_6 {strides = array<i32>} : memref<504x128xf32, #tpu.memory_space<vmem>>, vector<16xf32>,
    }
    %scan3A_13 = arith.constant 63 : i32
    %dma_wait3A = tpu.memref_slice %arg2[%mul3A_4] : memref<16384xi32, #tpu.memory_space<hbm>> -> memref<512xi32, #tpu.memory_space<hbm>>
    %dma_wait3A_14 = tpu.memref_slice %arg2[%mul3A_4] : memref<16384xi32, #tpu.memory_space<hbm>> -> memref<512xi32, #tpu.memory_space<hbm>>
    tpu.wait_dma2 semaphore(%arg7 : memref<!tpu.dma_semaphore, #tpu.memory_space<semaphore_mem>>) src(%dma_wait3A_14 : memref<512xi32, #tpu.memory_space<hbm>>) dst(%arg6 : memref<512xi32, #tpu.memory_space<vmem>>)
    %get3A = arith.constant 0 : index
    %get3A_15 = tpu.vector_load %arg6[%get3A] {strides = array<i32>} : memref<512xi32, #tpu.memory_space<vmem>>, vector<16xi32>,
    %add3A_16 = arith.constant 0 : i32
    %add3A_17 = vector.broadcast %add3A_16 : i32 to vector<16xi32>
    %add3A_18 = arith.addi %iota3A, %add3A_17 : vector<16xi32>
    %lt3A = arith.constant 504 : i32
    %lt3A_19 = vector.broadcast %lt3A : i32 to vector<16xi32>
    %lt3A_20 = arith.cmpi slt, %get3A_15, %lt3A_19 : vector<16xi32>
    tpu.vector_store_idx %arg4[%get3A_15, %add3A_18], %broadcast_in_dim3A_8 masked %lt3A_20 : memref<504x128xf32, #tpu.memory_space<vmem>>[vector<16xi32>, vector<16xi32>], vector<16xf32>, vector<16xi1>
    %get3A_21 = arith.constant 16 : index
    %get3A_22 = tpu.vector_load %arg6[%get3A_21] {strides = array<i32>} : memref<512xi32, #tpu.memory_space<vmem>>, vector<16xi32>,
    %add3A_23 = arith.constant 16 : i32
    %add3A_24 = vector.broadcast %add3A_23 : i32 to vector<16xi32>
    %add3A_25 = arith.addi %iota3A, %add3A_24 : vector<16xi32>
    %lt3A_26 = arith.constant 504 : i32
    %lt3A_27 = vector.broadcast %lt3A_26 : i32 to vector<16xi32>
    %lt3A_28 = arith.cmpi slt, %get3A_22, %lt3A_27 : vector<16xi32>
    tpu.vector_store_idx %arg4[%get3A_22, %add3A_25], %broadcast_in_dim3A_8 masked %lt3A_28 : memref<504x128xf32, #tpu.memory_space<vmem>>[vector<16xi32>, vector<16xi32>], vector<16xf32>, vector<16xi1>
    %get3A_29 = arith.constant 32 : index
    %get3A_30 = tpu.vector_load %arg6[%get3A_29] {strides = array<i32>} : memref<512xi32, #tpu.memory_space<vmem>>, vector<16xi32>,
    %add3A_31 = arith.constant 32 : i32
    %add3A_32 = vector.broadcast %add3A_31 : i32 to vector<16xi32>
    %add3A_33 = arith.addi %iota3A, %add3A_32 : vector<16xi32>
    %lt3A_34 = arith.constant 504 : i32
    %lt3A_35 = vector.broadcast %lt3A_34 : i32 to vector<16xi32>
    %lt3A_36 = arith.cmpi slt, %get3A_30, %lt3A_35 : vector<16xi32>
    tpu.vector_store_idx %arg4[%get3A_30, %add3A_33], %broadcast_in_dim3A_8 masked %lt3A_36 : memref<504x128xf32, #tpu.memory_space<vmem>>[vector<16xi32>, vector<16xi32>], vector<16xf32>, vector<16xi1>
    %get3A_37 = arith.constant 48 : index
    %get3A_38 = tpu.vector_load %arg6[%get3A_37] {strides = array<i32>} : memref<512xi32, #tpu.memory_space<vmem>>, vector<16xi32>,
    %add3A_39 = arith.constant 48 : i32
    %add3A_40 = vector.broadcast %add3A_39 : i32 to vector<16xi32>
    %add3A_41 = arith.addi %iota3A, %add3A_40 : vector<16xi32>
    %lt3A_42 = arith.constant 504 : i32
    %lt3A_43 = vector.broadcast %lt3A_42 : i32 to vector<16xi32>
    %lt3A_44 = arith.cmpi slt, %get3A_38, %lt3A_43 : vector<16xi32>
    tpu.vector_store_idx %arg4[%get3A_38, %add3A_41], %broadcast_in_dim3A_8 masked %lt3A_44 : memref<504x128xf32, #tpu.memory_space<vmem>>[vector<16xi32>, vector<16xi32>], vector<16xf32>, vector<16xi1>
    %get3A_45 = arith.constant 64 : index
    %get3A_46 = tpu.vector_load %arg6[%get3A_45] {strides = array<i32>} : memref<512xi32, #tpu.memory_space<vmem>>, vector<16xi32>,
    %add3A_47 = arith.constant 64 : i32
    %add3A_48 = vector.broadcast %add3A_47 : i32 to vector<16xi32>
    %add3A_49 = arith.addi %iota3A, %add3A_48 : vector<16xi32>
    %lt3A_50 = arith.constant 504 : i32
    %lt3A_51 = vector.broadcast %lt3A_50 : i32 to vector<16xi32>
    %lt3A_52 = arith.cmpi slt, %get3A_46, %lt3A_51 : vector<16xi32>
    tpu.vector_store_idx %arg4[%get3A_46, %add3A_49], %broadcast_in_dim3A_8 masked %lt3A_52 : memref<504x128xf32, #tpu.memory_space<vmem>>[vector<16xi32>, vector<16xi32>], vector<16xf32>, vector<16xi1>
    %get3A_53 = arith.constant 80 : index
    %get3A_54 = tpu.vector_load %arg6[%get3A_53] {strides = array<i32>} : memref<512xi32, #tpu.memory_space<vmem>>, vector<16xi32>,
    %add3A_55 = arith.constant 80 : i32
    %add3A_56 = vector.broadcast %add3A_55 : i32 to vector<16xi32>
    %add3A_57 = arith.addi %iota3A, %add3A_56 : vector<16xi32>
    %lt3A_58 = arith.constant 504 : i32
    %lt3A_59 = vector.broadcast %lt3A_58 : i32 to vector<16xi32>
    %lt3A_60 = arith.cmpi slt, %get3A_54, %lt3A_59 : vector<16xi32>
    tpu.vector_store_idx %arg4[%get3A_54, %add3A_57], %broadcast_in_dim3A_8 masked %lt3A_60 : memref<504x128xf32, #tpu.memory_space<vmem>>[vector<16xi32>, vector<16xi32>], vector<16xf32>, vector<16xi1>
    %get3A_61 = arith.constant 96 : index
    %get3A_62 = tpu.vector_load %arg6[%get3A_61] {strides = array<i32>} : memref<512xi32, #tpu.memory_space<vmem>>, vector<16xi32>,
    %add3A_63 = arith.constant 96 : i32
    %add3A_64 = vector.broadcast %add3A_63 : i32 to vector<16xi32>
    %add3A_65 = arith.addi %iota3A, %add3A_64 : vector<16xi32>
    %lt3A_66 = arith.constant 504 : i32
    %lt3A_67 = vector.broadcast %lt3A_66 : i32 to vector<16xi32>
    %lt3A_68 = arith.cmpi slt, %get3A_62, %lt3A_67 : vector<16xi32>
    tpu.vector_store_idx %arg4[%get3A_62, %add3A_65], %broadcast_in_dim3A_8 masked %lt3A_68 : memref<504x128xf32, #tpu.memory_space<vmem>>[vector<16xi32>, vector<16xi32>], vector<16xf32>, vector<16xi1>
    %get3A_69 = arith.constant 112 : index
    %get3A_70 = tpu.vector_load %arg6[%get3A_69] {strides = array<i32>} : memref<512xi32, #tpu.memory_space<vmem>>, vector<16xi32>,
    %add3A_71 = arith.constant 112 : i32
    %add3A_72 = vector.broadcast %add3A_71 : i32 to vector<16xi32>
    %add3A_73 = arith.addi %iota3A, %add3A_72 : vector<16xi32>
    %lt3A_74 = arith.constant 504 : i32
    %lt3A_75 = vector.broadcast %lt3A_74 : i32 to vector<16xi32>
    %lt3A_76 = arith.cmpi slt, %get3A_70, %lt3A_75 : vector<16xi32>
    tpu.vector_store_idx %arg4[%get3A_70, %add3A_73], %broadcast_in_dim3A_8 masked %lt3A_76 : memref<504x128xf32, #tpu.memory_space<vmem>>[vector<16xi32>, vector<16xi32>], vector<16xf32>, vector<16xi1>
    %add3A_77 = arith.constant 0 : i32
    %add3A_78 = arith.addi %mul3A_2, %add3A_77 : i32
    %dma_start3A_79 = arith.constant 0 : i32
    %dma_start3A_80 = tpu.memref_slice %arg3[%dma_start3A_79, %add3A_78] : memref<1000x16384xf32, #tpu.memory_space<hbm>> -> memref<504x128xf32, #tpu.memory_space<hbm>>
    %dma_start3A_81 = arith.constant 0 : i32
    %dma_start3A_82 = tpu.memref_slice %arg3[%dma_start3A_81, %add3A_78] : memref<1000x16384xf32, #tpu.memory_space<hbm>> -> memref<504x128xf32, #tpu.memory_space<hbm>>
    tpu.enqueue_dma source(%arg4 : memref<504x128xf32, #tpu.memory_space<vmem>>) target(%dma_start3A_82 : memref<504x128xf32, #tpu.memory_space<hbm>>) target_semaphore(%arg7 : memref<!tpu.dma_semaphore, #tpu.memory_space<semaphore_mem>>)
    %scan3A_83 = arith.constant 0 : i32
    %scan3A_84 = arith.constant 0 : i32
    %scan3A_85 = arith.constant 62 : i32
    %scan3A_86 = arith.addi %scan3A_84, %scan3A_85 : i32
    %scan3A_87 = arith.constant 1 : i32
    scf.for %scan3A_1177 = %scan3A_84 to %scan3A_86 step %scan3A_87  : i32 {
      %mul3A_1178 = arith.constant 8 : i32
      %mul3A_1179 = arith.muli %scan3A_1177, %mul3A_1178 : i32
      %add3A_1180 = arith.constant 0 : i32
      %add3A_1181 = arith.addi %mul3A_1179, %add3A_1180 : i32
      %swap3A = arith.index_cast %add3A_1181 : i32 to index
      %swap3A_1182 = arith.constant 0 : index
      %swap3A_1183 = tpu.vector_load %arg5[%swap3A, %swap3A_1182] {strides = array<i32>} : memref<496x128xf32, #tpu.memory_space<vmem>>, vector<16xf32>,
      tpu.vector_store %arg5[%swap3A, %swap3A_1182], %broadcast_in_dim3A_6 {strides = array<i32>} : memref<496x128xf32, #tpu.memory_space<vmem>>, vector<16xf32>,
      %add3A_1184 = arith.constant 0 : i32
      %add3A_1185 = arith.addi %mul3A_1179, %add3A_1184 : i32
      %swap3A_1186 = arith.index_cast %add3A_1185 : i32 to index
      %swap3A_1187 = arith.constant 16 : index
      %swap3A_1188 = tpu.vector_load %arg5[%swap3A_1186, %swap3A_1187] {strides = array<i32>} : memref<496x128xf32, #tpu.memory_space<vmem>>, vector<16xf32>,
      tpu.vector_store %arg5[%swap3A_1186, %swap3A_1187], %broadcast_in_dim3A_6 {strides = array<i32>} : memref<496x128xf32, #tpu.memory_space<vmem>>, vector<16xf32>,
      %add3A_1189 = arith.constant 0 : i32
      %add3A_1190 = arith.addi %mul3A_1179, %add3A_1189 : i32
      %swap3A_1191 = arith.index_cast %add3A_1190 : i32 to index
      %swap3A_1192 = arith.constant 32 : index
      %swap3A_1193 = tpu.vector_load %arg5[%swap3A_1191, %swap3A_1192] {strides = array<i32>} : memref<496x128xf32, #tpu.memory_space<vmem>>, vector<16xf32>,
      tpu.vector_store %arg5[%swap3A_1191, %swap3A_1192], %broadcast_in_dim3A_6 {strides = array<i32>} : memref<496x128xf32, #tpu.memory_space<vmem>>, vector<16xf32>,
      %add3A_1194 = arith.constant 0 : i32
      %add3A_1195 = arith.addi %mul3A_1179, %add3A_1194 : i32
      %swap3A_1196 = arith.index_cast %add3A_1195 : i32 to index
      %swap3A_1197 = arith.constant 48 : index
      %swap3A_1198 = tpu.vector_load %arg5[%swap3A_1196, %swap3A_1197] {strides = array<i32>} : memref<496x128xf32, #tpu.memory_space<vmem>>, vector<16xf32>,
      tpu.vector_store %arg5[%swap3A_1196, %swap3A_1197], %broadcast_in_dim3A_6 {strides = array<i32>} : memref<496x128xf32, #tpu.memory_space<vmem>>, vector<16xf32>,
      %add3A_1199 = arith.constant 0 : i32
      %add3A_1200 = arith.addi %mul3A_1179, %add3A_1199 : i32
      %swap3A_1201 = arith.index_cast %add3A_1200 : i32 to index
      %swap3A_1202 = arith.constant 64 : index
      %swap3A_1203 = tpu.vector_load %arg5[%swap3A_1201, %swap3A_1202] {strides = array<i32>} : memref<496x128xf32, #tpu.memory_space<vmem>>, vector<16xf32>,
      tpu.vector_store %arg5[%swap3A_1201, %swap3A_1202], %broadcast_in_dim3A_6 {strides = array<i32>} : memref<496x128xf32, #tpu.memory_space<vmem>>, vector<16xf32>,
      %add3A_1204 = arith.constant 0 : i32
      %add3A_1205 = arith.addi %mul3A_1179, %add3A_1204 : i32
      %swap3A_1206 = arith.index_cast %add3A_1205 : i32 to index
      %swap3A_1207 = arith.constant 80 : index
      %swap3A_1208 = tpu.vector_load %arg5[%swap3A_1206, %swap3A_1207] {strides = array<i32>} : memref<496x128xf32, #tpu.memory_space<vmem>>, vector<16xf32>,
      tpu.vector_store %arg5[%swap3A_1206, %swap3A_1207], %broadcast_in_dim3A_6 {strides = array<i32>} : memref<496x128xf32, #tpu.memory_space<vmem>>, vector<16xf32>,
      %add3A_1209 = arith.constant 0 : i32
      %add3A_1210 = arith.addi %mul3A_1179, %add3A_1209 : i32
      %swap3A_1211 = arith.index_cast %add3A_1210 : i32 to index
      %swap3A_1212 = arith.constant 96 : index
      %swap3A_1213 = tpu.vector_load %arg5[%swap3A_1211, %swap3A_1212] {strides = array<i32>} : memref<496x128xf32, #tpu.memory_space<vmem>>, vector<16xf32>,
      tpu.vector_store %arg5[%swap3A_1211, %swap3A_1212], %broadcast_in_dim3A_6 {strides = array<i32>} : memref<496x128xf32, #tpu.memory_space<vmem>>, vector<16xf32>,
      %add3A_1214 = arith.constant 0 : i32
      %add3A_1215 = arith.addi %mul3A_1179, %add3A_1214 : i32
      %swap3A_1216 = arith.index_cast %add3A_1215 : i32 to index
      %swap3A_1217 = arith.constant 112 : index
      %swap3A_1218 = tpu.vector_load %arg5[%swap3A_1216, %swap3A_1217] {strides = array<i32>} : memref<496x128xf32, #tpu.memory_space<vmem>>, vector<16xf32>,
      tpu.vector_store %arg5[%swap3A_1216, %swap3A_1217], %broadcast_in_dim3A_6 {strides = array<i32>} : memref<496x128xf32, #tpu.memory_space<vmem>>, vector<16xf32>,
      %add3A_1219 = arith.constant 1 : i32
      %add3A_1220 = arith.addi %mul3A_1179, %add3A_1219 : i32
      %swap3A_1221 = arith.index_cast %add3A_1220 : i32 to index
      %swap3A_1222 = arith.constant 0 : index
      %swap3A_1223 = tpu.vector_load %arg5[%swap3A_1221, %swap3A_1222] {strides = array<i32>} : memref<496x128xf32, #tpu.memory_space<vmem>>, vector<16xf32>,
      tpu.vector_store %arg5[%swap3A_1221, %swap3A_1222], %broadcast_in_dim3A_6 {strides = array<i32>} : memref<496x128xf32, #tpu.memory_space<vmem>>, vector<16xf32>,
      %add3A_1224 = arith.constant 1 : i32
      %add3A_1225 = arith.addi %mul3A_1179, %add3A_1224 : i32
      %swap3A_1226 = arith.index_cast %add3A_1225 : i32 to index
      %swap3A_1227 = arith.constant 16 : index
      %swap3A_1228 = tpu.vector_load %arg5[%swap3A_1226, %swap3A_1227] {strides = array<i32>} : memref<496x128xf32, #tpu.memory_space<vmem>>, vector<16xf32>,
      tpu.vector_store %arg5[%swap3A_1226, %swap3A_1227], %broadcast_in_dim3A_6 {strides = array<i32>} : memref<496x128xf32, #tpu.memory_space<vmem>>, vector<16xf32>,
      %add3A_1229 = arith.constant 1 : i32
      %add3A_1230 = arith.addi %mul3A_1179, %add3A_1229 : i32
      %swap3A_1231 = arith.index_cast %add3A_1230 : i32 to index
      %swap3A_1232 = arith.constant 32 : index
      %swap3A_1233 = tpu.vector_load %arg5[%swap3A_1231, %swap3A_1232] {strides = array<i32>} : memref<496x128xf32, #tpu.memory_space<vmem>>, vector<16xf32>,
      tpu.vector_store %arg5[%swap3A_1231, %swap3A_1232], %broadcast_in_dim3A_6 {strides = array<i32>} : memref<496x128xf32, #tpu.memory_space<vmem>>, vector<16xf32>,
      %add3A_1234 = arith.constant 1 : i32
      %add3A_1235 = arith.addi %mul3A_1179, %add3A_1234 : i32
      %swap3A_1236 = arith.index_cast %add3A_1235 : i32 to index
      %swap3A_1237 = arith.constant 48 : index
      %swap3A_1238 = tpu.vector_load %arg5[%swap3A_1236, %swap3A_1237] {strides = array<i32>} : memref<496x128xf32, #tpu.memory_space<vmem>>, vector<16xf32>,
      tpu.vector_store %arg5[%swap3A_1236, %swap3A_1237], %broadcast_in_dim3A_6 {strides = array<i32>} : memref<496x128xf32, #tpu.memory_space<vmem>>, vector<16xf32>,
      %add3A_1239 = arith.constant 1 : i32
      %add3A_1240 = arith.addi %mul3A_1179, %add3A_1239 : i32
      %swap3A_1241 = arith.index_cast %add3A_1240 : i32 to index
      %swap3A_1242 = arith.constant 64 : index
      %swap3A_1243 = tpu.vector_load %arg5[%swap3A_1241, %swap3A_1242] {strides = array<i32>} : memref<496x128xf32, #tpu.memory_space<vmem>>, vector<16xf32>,
      tpu.vector_store %arg5[%swap3A_1241, %swap3A_1242], %broadcast_in_dim3A_6 {strides = array<i32>} : memref<496x128xf32, #tpu.memory_space<vmem>>, vector<16xf32>,
      %add3A_1244 = arith.constant 1 : i32
      %add3A_1245 = arith.addi %mul3A_1179, %add3A_1244 : i32
      %swap3A_1246 = arith.index_cast %add3A_1245 : i32 to index
      %swap3A_1247 = arith.constant 80 : index
      %swap3A_1248 = tpu.vector_load %arg5[%swap3A_1246, %swap3A_1247] {strides = array<i32>} : memref<496x128xf32, #tpu.memory_space<vmem>>, vector<16xf32>,
      tpu.vector_store %arg5[%swap3A_1246, %swap3A_1247], %broadcast_in_dim3A_6 {strides = array<i32>} : memref<496x128xf32, #tpu.memory_space<vmem>>, vector<16xf32>,
      %add3A_1249 = arith.constant 1 : i32
      %add3A_1250 = arith.addi %mul3A_1179, %add3A_1249 : i32
      %swap3A_1251 = arith.index_cast %add3A_1250 : i32 to index
      %swap3A_1252 = arith.constant 96 : index
      %swap3A_1253 = tpu.vector_load %arg5[%swap3A_1251, %swap3A_1252] {strides = array<i32>} : memref<496x128xf32, #tpu.memory_space<vmem>>, vector<16xf32>,
      tpu.vector_store %arg5[%swap3A_1251, %swap3A_1252], %broadcast_in_dim3A_6 {strides = array<i32>} : memref<496x128xf32, #tpu.memory_space<vmem>>, vector<16xf32>,
      %add3A_1254 = arith.constant 1 : i32
      %add3A_1255 = arith.addi %mul3A_1179, %add3A_1254 : i32
      %swap3A_1256 = arith.index_cast %add3A_1255 : i32 to index
      %swap3A_1257 = arith.constant 112 : index
      %swap3A_1258 = tpu.vector_load %arg5[%swap3A_1256, %swap3A_1257] {strides = array<i32>} : memref<496x128xf32, #tpu.memory_space<vmem>>, vector<16xf32>,
      tpu.vector_store %arg5[%swap3A_1256, %swap3A_1257], %broadcast_in_dim3A_6 {strides = array<i32>} : memref<496x128xf32, #tpu.memory_space<vmem>>, vector<16xf32>,
      %add3A_1259 = arith.constant 2 : i32
      %add3A_1260 = arith.addi %mul3A_1179, %add3A_1259 : i32
      %swap3A_1261 = arith.index_cast %add3A_1260 : i32 to index
      %swap3A_1262 = arith.constant 0 : index
      %swap3A_1263 = tpu.vector_load %arg5[%swap3A_1261, %swap3A_1262] {strides = array<i32>} : memref<496x128xf32, #tpu.memory_space<vmem>>, vector<16xf32>,
      tpu.vector_store %arg5[%swap3A_1261, %swap3A_1262], %broadcast_in_dim3A_6 {strides = array<i32>} : memref<496x128xf32, #tpu.memory_space<vmem>>, vector<16xf32>,
      %add3A_1264 = arith.constant 2 : i32
      %add3A_1265 = arith.addi %mul3A_1179, %add3A_1264 : i32
      %swap3A_1266 = arith.index_cast %add3A_1265 : i32 to index
      %swap3A_1267 = arith.constant 16 : index
      %swap3A_1268 = tpu.vector_load %arg5[%swap3A_1266, %swap3A_1267] {strides = array<i32>} : memref<496x128xf32, #tpu.memory_space<vmem>>, vector<16xf32>,
      tpu.vector_store %arg5[%swap3A_1266, %swap3A_1267], %broadcast_in_dim3A_6 {strides = array<i32>} : memref<496x128xf32, #tpu.memory_space<vmem>>, vector<16xf32>,
      %add3A_1269 = arith.constant 2 : i32
      %add3A_1270 = arith.addi %mul3A_1179, %add3A_1269 : i32
      %swap3A_1271 = arith.index_cast %add3A_1270 : i32 to index
      %swap3A_1272 = arith.constant 32 : index
      %swap3A_1273 = tpu.vector_load %arg5[%swap3A_1271, %swap3A_1272] {strides = array<i32>} : memref<496x128xf32, #tpu.memory_space<vmem>>, vector<16xf32>,
      tpu.vector_store %arg5[%swap3A_1271, %swap3A_1272], %broadcast_in_dim3A_6 {strides = array<i32>} : memref<496x128xf32, #tpu.memory_space<vmem>>, vector<16xf32>,
      %add3A_1274 = arith.constant 2 : i32
      %add3A_1275 = arith.addi %mul3A_1179, %add3A_1274 : i32
      %swap3A_1276 = arith.index_cast %add3A_1275 : i32 to index
      %swap3A_1277 = arith.constant 48 : index
      %swap3A_1278 = tpu.vector_load %arg5[%swap3A_1276, %swap3A_1277] {strides = array<i32>} : memref<496x128xf32, #tpu.memory_space<vmem>>, vector<16xf32>,
      tpu.vector_store %arg5[%swap3A_1276, %swap3A_1277], %broadcast_in_dim3A_6 {strides = array<i32>} : memref<496x128xf32, #tpu.memory_space<vmem>>, vector<16xf32>,
      %add3A_1279 = arith.constant 2 : i32
      %add3A_1280 = arith.addi %mul3A_1179, %add3A_1279 : i32
      %swap3A_1281 = arith.index_cast %add3A_1280 : i32 to index
      %swap3A_1282 = arith.constant 64 : index
      %swap3A_1283 = tpu.vector_load %arg5[%swap3A_1281, %swap3A_1282] {strides = array<i32>} : memref<496x128xf32, #tpu.memory_space<vmem>>, vector<16xf32>,
      tpu.vector_store %arg5[%swap3A_1281, %swap3A_1282], %broadcast_in_dim3A_6 {strides = array<i32>} : memref<496x128xf32, #tpu.memory_space<vmem>>, vector<16xf32>,
      %add3A_1284 = arith.constant 2 : i32
      %add3A_1285 = arith.addi %mul3A_1179, %add3A_1284 : i32
      %swap3A_1286 = arith.index_cast %add3A_1285 : i32 to index
      %swap3A_1287 = arith.constant 80 : index
      %swap3A_1288 = tpu.vector_load %arg5[%swap3A_1286, %swap3A_1287] {strides = array<i32>} : memref<496x128xf32, #tpu.memory_space<vmem>>, vector<16xf32>,
      tpu.vector_store %arg5[%swap3A_1286, %swap3A_1287], %broadcast_in_dim3A_6 {strides = array<i32>} : memref<496x128xf32, #tpu.memory_space<vmem>>, vector<16xf32>,
      %add3A_1289 = arith.constant 2 : i32
      %add3A_1290 = arith.addi %mul3A_1179, %add3A_1289 : i32
      %swap3A_1291 = arith.index_cast %add3A_1290 : i32 to index
      %swap3A_1292 = arith.constant 96 : index
      %swap3A_1293 = tpu.vector_load %arg5[%swap3A_1291, %swap3A_1292] {strides = array<i32>} : memref<496x128xf32, #tpu.memory_space<vmem>>, vector<16xf32>,
      tpu.vector_store %arg5[%swap3A_1291, %swap3A_1292], %broadcast_in_dim3A_6 {strides = array<i32>} : memref<496x128xf32, #tpu.memory_space<vmem>>, vector<16xf32>,
      %add3A_1294 = arith.constant 2 : i32
      %add3A_1295 = arith.addi %mul3A_1179, %add3A_1294 : i32
      %swap3A_1296 = arith.index_cast %add3A_1295 : i32 to index
      %swap3A_1297 = arith.constant 112 : index
      %swap3A_1298 = tpu.vector_load %arg5[%swap3A_1296, %swap3A_1297] {strides = array<i32>} : memref<496x128xf32, #tpu.memory_space<vmem>>, vector<16xf32>,
      tpu.vector_store %arg5[%swap3A_1296, %swap3A_1297], %broadcast_in_dim3A_6 {strides = array<i32>} : memref<496x128xf32, #tpu.memory_space<vmem>>, vector<16xf32>,
      %add3A_1299 = arith.constant 3 : i32
      %add3A_1300 = arith.addi %mul3A_1179, %add3A_1299 : i32
      %swap3A_1301 = arith.index_cast %add3A_1300 : i32 to index
      %swap3A_1302 = arith.constant 0 : index
      %swap3A_1303 = tpu.vector_load %arg5[%swap3A_1301, %swap3A_1302] {strides = array<i32>} : memref<496x128xf32, #tpu.memory_space<vmem>>, vector<16xf32>,
      tpu.vector_store %arg5[%swap3A_1301, %swap3A_1302], %broadcast_in_dim3A_6 {strides = array<i32>} : memref<496x128xf32, #tpu.memory_space<vmem>>, vector<16xf32>,
      %add3A_1304 = arith.constant 3 : i32
      %add3A_1305 = arith.addi %mul3A_1179, %add3A_1304 : i32
      %swap3A_1306 = arith.index_cast %add3A_1305 : i32 to index
      %swap3A_1307 = arith.constant 16 : index
      %swap3A_1308 = tpu.vector_load %arg5[%swap3A_1306, %swap3A_1307] {strides = array<i32>} : memref<496x128xf32, #tpu.memory_space<vmem>>, vector<16xf32>,
      tpu.vector_store %arg5[%swap3A_1306, %swap3A_1307], %broadcast_in_dim3A_6 {strides = array<i32>} : memref<496x128xf32, #tpu.memory_space<vmem>>, vector<16xf32>,
      %add3A_1309 = arith.constant 3 : i32
      %add3A_1310 = arith.addi %mul3A_1179, %add3A_1309 : i32
      %swap3A_1311 = arith.index_cast %add3A_1310 : i32 to index
      %swap3A_1312 = arith.constant 32 : index
      %swap3A_1313 = tpu.vector_load %arg5[%swap3A_1311, %swap3A_1312] {strides = array<i32>} : memref<496x128xf32, #tpu.memory_space<vmem>>, vector<16xf32>,
      tpu.vector_store %arg5[%swap3A_1311, %swap3A_1312], %broadcast_in_dim3A_6 {strides = array<i32>} : memref<496x128xf32, #tpu.memory_space<vmem>>, vector<16xf32>,
      %add3A_1314 = arith.constant 3 : i32
      %add3A_1315 = arith.addi %mul3A_1179, %add3A_1314 : i32
      %swap3A_1316 = arith.index_cast %add3A_1315 : i32 to index
      %swap3A_1317 = arith.constant 48 : index
      %swap3A_1318 = tpu.vector_load %arg5[%swap3A_1316, %swap3A_1317] {strides = array<i32>} : memref<496x128xf32, #tpu.memory_space<vmem>>, vector<16xf32>,
      tpu.vector_store %arg5[%swap3A_1316, %swap3A_1317], %broadcast_in_dim3A_6 {strides = array<i32>} : memref<496x128xf32, #tpu.memory_space<vmem>>, vector<16xf32>,
      %add3A_1319 = arith.constant 3 : i32
      %add3A_1320 = arith.addi %mul3A_1179, %add3A_1319 : i32
      %swap3A_1321 = arith.index_cast %add3A_1320 : i32 to index
      %swap3A_1322 = arith.constant 64 : index
      %swap3A_1323 = tpu.vector_load %arg5[%swap3A_1321, %swap3A_1322] {strides = array<i32>} : memref<496x128xf32, #tpu.memory_space<vmem>>, vector<16xf32>,
      tpu.vector_store %arg5[%swap3A_1321, %swap3A_1322], %broadcast_in_dim3A_6 {strides = array<i32>} : memref<496x128xf32, #tpu.memory_space<vmem>>, vector<16xf32>,
      %add3A_1324 = arith.constant 3 : i32
      %add3A_1325 = arith.addi %mul3A_1179, %add3A_1324 : i32
      %swap3A_1326 = arith.index_cast %add3A_1325 : i32 to index
      %swap3A_1327 = arith.constant 80 : index
      %swap3A_1328 = tpu.vector_load %arg5[%swap3A_1326, %swap3A_1327] {strides = array<i32>} : memref<496x128xf32, #tpu.memory_space<vmem>>, vector<16xf32>,
      tpu.vector_store %arg5[%swap3A_1326, %swap3A_1327], %broadcast_in_dim3A_6 {strides = array<i32>} : memref<496x128xf32, #tpu.memory_space<vmem>>, vector<16xf32>,
      %add3A_1329 = arith.constant 3 : i32
      %add3A_1330 = arith.addi %mul3A_1179, %add3A_1329 : i32
      %swap3A_1331 = arith.index_cast %add3A_1330 : i32 to index
      %swap3A_1332 = arith.constant 96 : index
      %swap3A_1333 = tpu.vector_load %arg5[%swap3A_1331, %swap3A_1332] {strides = array<i32>} : memref<496x128xf32, #tpu.memory_space<vmem>>, vector<16xf32>,
      tpu.vector_store %arg5[%swap3A_1331, %swap3A_1332], %broadcast_in_dim3A_6 {strides = array<i32>} : memref<496x128xf32, #tpu.memory_space<vmem>>, vector<16xf32>,
      %add3A_1334 = arith.constant 3 : i32
      %add3A_1335 = arith.addi %mul3A_1179, %add3A_1334 : i32
      %swap3A_1336 = arith.index_cast %add3A_1335 : i32 to index
      %swap3A_1337 = arith.constant 112 : index
      %swap3A_1338 = tpu.vector_load %arg5[%swap3A_1336, %swap3A_1337] {strides = array<i32>} : memref<496x128xf32, #tpu.memory_space<vmem>>, vector<16xf32>,
      tpu.vector_store %arg5[%swap3A_1336, %swap3A_1337], %broadcast_in_dim3A_6 {strides = array<i32>} : memref<496x128xf32, #tpu.memory_space<vmem>>, vector<16xf32>,
      %add3A_1339 = arith.constant 4 : i32
      %add3A_1340 = arith.addi %mul3A_1179, %add3A_1339 : i32
      %swap3A_1341 = arith.index_cast %add3A_1340 : i32 to index
      %swap3A_1342 = arith.constant 0 : index
      %swap3A_1343 = tpu.vector_load %arg5[%swap3A_1341, %swap3A_1342] {strides = array<i32>} : memref<496x128xf32, #tpu.memory_space<vmem>>, vector<16xf32>,
      tpu.vector_store %arg5[%swap3A_1341, %swap3A_1342], %broadcast_in_dim3A_6 {strides = array<i32>} : memref<496x128xf32, #tpu.memory_space<vmem>>, vector<16xf32>,
      %add3A_1344 = arith.constant 4 : i32
      %add3A_1345 = arith.addi %mul3A_1179, %add3A_1344 : i32
      %swap3A_1346 = arith.index_cast %add3A_1345 : i32 to index
      %swap3A_1347 = arith.constant 16 : index
      %swap3A_1348 = tpu.vector_load %arg5[%swap3A_1346, %swap3A_1347] {strides = array<i32>} : memref<496x128xf32, #tpu.memory_space<vmem>>, vector<16xf32>,
      tpu.vector_store %arg5[%swap3A_1346, %swap3A_1347], %broadcast_in_dim3A_6 {strides = array<i32>} : memref<496x128xf32, #tpu.memory_space<vmem>>, vector<16xf32>,
      %add3A_1349 = arith.constant 4 : i32
      %add3A_1350 = arith.addi %mul3A_1179, %add3A_1349 : i32
      %swap3A_1351 = arith.index_cast %add3A_1350 : i32 to index
      %swap3A_1352 = arith.constant 32 : index
      %swap3A_1353 = tpu.vector_load %arg5[%swap3A_1351, %swap3A_1352] {strides = array<i32>} : memref<496x128xf32, #tpu.memory_space<vmem>>, vector<16xf32>,
      tpu.vector_store %arg5[%swap3A_1351, %swap3A_1352], %broadcast_in_dim3A_6 {strides = array<i32>} : memref<496x128xf32, #tpu.memory_space<vmem>>, vector<16xf32>,
      %add3A_1354 = arith.constant 4 : i32
      %add3A_1355 = arith.addi %mul3A_1179, %add3A_1354 : i32
      %swap3A_1356 = arith.index_cast %add3A_1355 : i32 to index
      %swap3A_1357 = arith.constant 48 : index
      %swap3A_1358 = tpu.vector_load %arg5[%swap3A_1356, %swap3A_1357] {strides = array<i32>} : memref<496x128xf32, #tpu.memory_space<vmem>>, vector<16xf32>,
      tpu.vector_store %arg5[%swap3A_1356, %swap3A_1357], %broadcast_in_dim3A_6 {strides = array<i32>} : memref<496x128xf32, #tpu.memory_space<vmem>>, vector<16xf32>,
      %add3A_1359 = arith.constant 4 : i32
      %add3A_1360 = arith.addi %mul3A_1179, %add3A_1359 : i32
      %swap3A_1361 = arith.index_cast %add3A_1360 : i32 to index
      %swap3A_1362 = arith.constant 64 : index
      %swap3A_1363 = tpu.vector_load %arg5[%swap3A_1361, %swap3A_1362] {strides = array<i32>} : memref<496x128xf32, #tpu.memory_space<vmem>>, vector<16xf32>,
      tpu.vector_store %arg5[%swap3A_1361, %swap3A_1362], %broadcast_in_dim3A_6 {strides = array<i32>} : memref<496x128xf32, #tpu.memory_space<vmem>>, vector<16xf32>,
      %add3A_1364 = arith.constant 4 : i32
      %add3A_1365 = arith.addi %mul3A_1179, %add3A_1364 : i32
      %swap3A_1366 = arith.index_cast %add3A_1365 : i32 to index
      %swap3A_1367 = arith.constant 80 : index
      %swap3A_1368 = tpu.vector_load %arg5[%swap3A_1366, %swap3A_1367] {strides = array<i32>} : memref<496x128xf32, #tpu.memory_space<vmem>>, vector<16xf32>,
      tpu.vector_store %arg5[%swap3A_1366, %swap3A_1367], %broadcast_in_dim3A_6 {strides = array<i32>} : memref<496x128xf32, #tpu.memory_space<vmem>>, vector<16xf32>,
      %add3A_1369 = arith.constant 4 : i32
      %add3A_1370 = arith.addi %mul3A_1179, %add3A_1369 : i32
      %swap3A_1371 = arith.index_cast %add3A_1370 : i32 to index
      %swap3A_1372 = arith.constant 96 : index
      %swap3A_1373 = tpu.vector_load %arg5[%swap3A_1371, %swap3A_1372] {strides = array<i32>} : memref<496x128xf32, #tpu.memory_space<vmem>>, vector<16xf32>,
      tpu.vector_store %arg5[%swap3A_1371, %swap3A_1372], %broadcast_in_dim3A_6 {strides = array<i32>} : memref<496x128xf32, #tpu.memory_space<vmem>>, vector<16xf32>,
      %add3A_1374 = arith.constant 4 : i32
      %add3A_1375 = arith.addi %mul3A_1179, %add3A_1374 : i32
      %swap3A_1376 = arith.index_cast %add3A_1375 : i32 to index
      %swap3A_1377 = arith.constant 112 : index
      %swap3A_1378 = tpu.vector_load %arg5[%swap3A_1376, %swap3A_1377] {strides = array<i32>} : memref<496x128xf32, #tpu.memory_space<vmem>>, vector<16xf32>,
      tpu.vector_store %arg5[%swap3A_1376, %swap3A_1377], %broadcast_in_dim3A_6 {strides = array<i32>} : memref<496x128xf32, #tpu.memory_space<vmem>>, vector<16xf32>,
      %add3A_1379 = arith.constant 5 : i32
      %add3A_1380 = arith.addi %mul3A_1179, %add3A_1379 : i32
      %swap3A_1381 = arith.index_cast %add3A_1380 : i32 to index
      %swap3A_1382 = arith.constant 0 : index
      %swap3A_1383 = tpu.vector_load %arg5[%swap3A_1381, %swap3A_1382] {strides = array<i32>} : memref<496x128xf32, #tpu.memory_space<vmem>>, vector<16xf32>,
      tpu.vector_store %arg5[%swap3A_1381, %swap3A_1382], %broadcast_in_dim3A_6 {strides = array<i32>} : memref<496x128xf32, #tpu.memory_space<vmem>>, vector<16xf32>,
      %add3A_1384 = arith.constant 5 : i32
      %add3A_1385 = arith.addi %mul3A_1179, %add3A_1384 : i32
      %swap3A_1386 = arith.index_cast %add3A_1385 : i32 to index
      %swap3A_1387 = arith.constant 16 : index
      %swap3A_1388 = tpu.vector_load %arg5[%swap3A_1386, %swap3A_1387] {strides = array<i32>} : memref<496x128xf32, #tpu.memory_space<vmem>>, vector<16xf32>,
      tpu.vector_store %arg5[%swap3A_1386, %swap3A_1387], %broadcast_in_dim3A_6 {strides = array<i32>} : memref<496x128xf32, #tpu.memory_space<vmem>>, vector<16xf32>,
      %add3A_1389 = arith.constant 5 : i32
      %add3A_1390 = arith.addi %mul3A_1179, %add3A_1389 : i32
      %swap3A_1391 = arith.index_cast %add3A_1390 : i32 to index
      %swap3A_1392 = arith.constant 32 : index
      %swap3A_1393 = tpu.vector_load %arg5[%swap3A_1391, %swap3A_1392] {strides = array<i32>} : memref<496x128xf32, #tpu.memory_space<vmem>>, vector<16xf32>,
      tpu.vector_store %arg5[%swap3A_1391, %swap3A_1392], %broadcast_in_dim3A_6 {strides = array<i32>} : memref<496x128xf32, #tpu.memory_space<vmem>>, vector<16xf32>,
      %add3A_1394 = arith.constant 5 : i32
      %add3A_1395 = arith.addi %mul3A_1179, %add3A_1394 : i32
      %swap3A_1396 = arith.index_cast %add3A_1395 : i32 to index
      %swap3A_1397 = arith.constant 48 : index
      %swap3A_1398 = tpu.vector_load %arg5[%swap3A_1396, %swap3A_1397] {strides = array<i32>} : memref<496x128xf32, #tpu.memory_space<vmem>>, vector<16xf32>,
      tpu.vector_store %arg5[%swap3A_1396, %swap3A_1397], %broadcast_in_dim3A_6 {strides = array<i32>} : memref<496x128xf32, #tpu.memory_space<vmem>>, vector<16xf32>,
      %add3A_1399 = arith.constant 5 : i32
      %add3A_1400 = arith.addi %mul3A_1179, %add3A_1399 : i32
      %swap3A_1401 = arith.index_cast %add3A_1400 : i32 to index
      %swap3A_1402 = arith.constant 64 : index
      %swap3A_1403 = tpu.vector_load %arg5[%swap3A_1401, %swap3A_1402] {strides = array<i32>} : memref<496x128xf32, #tpu.memory_space<vmem>>, vector<16xf32>,
      tpu.vector_store %arg5[%swap3A_1401, %swap3A_1402], %broadcast_in_dim3A_6 {strides = array<i32>} : memref<496x128xf32, #tpu.memory_space<vmem>>, vector<16xf32>,
      %add3A_1404 = arith.constant 5 : i32
      %add3A_1405 = arith.addi %mul3A_1179, %add3A_1404 : i32
      %swap3A_1406 = arith.index_cast %add3A_1405 : i32 to index
      %swap3A_1407 = arith.constant 80 : index
      %swap3A_1408 = tpu.vector_load %arg5[%swap3A_1406, %swap3A_1407] {strides = array<i32>} : memref<496x128xf32, #tpu.memory_space<vmem>>, vector<16xf32>,
      tpu.vector_store %arg5[%swap3A_1406, %swap3A_1407], %broadcast_in_dim3A_6 {strides = array<i32>} : memref<496x128xf32, #tpu.memory_space<vmem>>, vector<16xf32>,
      %add3A_1409 = arith.constant 5 : i32
      %add3A_1410 = arith.addi %mul3A_1179, %add3A_1409 : i32
      %swap3A_1411 = arith.index_cast %add3A_1410 : i32 to index
      %swap3A_1412 = arith.constant 96 : index
      %swap3A_1413 = tpu.vector_load %arg5[%swap3A_1411, %swap3A_1412] {strides = array<i32>} : memref<496x128xf32, #tpu.memory_space<vmem>>, vector<16xf32>,
      tpu.vector_store %arg5[%swap3A_1411, %swap3A_1412], %broadcast_in_dim3A_6 {strides = array<i32>} : memref<496x128xf32, #tpu.memory_space<vmem>>, vector<16xf32>,
      %add3A_1414 = arith.constant 5 : i32
      %add3A_1415 = arith.addi %mul3A_1179, %add3A_1414 : i32
      %swap3A_1416 = arith.index_cast %add3A_1415 : i32 to index
      %swap3A_1417 = arith.constant 112 : index
      %swap3A_1418 = tpu.vector_load %arg5[%swap3A_1416, %swap3A_1417] {strides = array<i32>} : memref<496x128xf32, #tpu.memory_space<vmem>>, vector<16xf32>,
      tpu.vector_store %arg5[%swap3A_1416, %swap3A_1417], %broadcast_in_dim3A_6 {strides = array<i32>} : memref<496x128xf32, #tpu.memory_space<vmem>>, vector<16xf32>,
      %add3A_1419 = arith.constant 6 : i32
      %add3A_1420 = arith.addi %mul3A_1179, %add3A_1419 : i32
      %swap3A_1421 = arith.index_cast %add3A_1420 : i32 to index
      %swap3A_1422 = arith.constant 0 : index
      %swap3A_1423 = tpu.vector_load %arg5[%swap3A_1421, %swap3A_1422] {strides = array<i32>} : memref<496x128xf32, #tpu.memory_space<vmem>>, vector<16xf32>,
      tpu.vector_store %arg5[%swap3A_1421, %swap3A_1422], %broadcast_in_dim3A_6 {strides = array<i32>} : memref<496x128xf32, #tpu.memory_space<vmem>>, vector<16xf32>,
      %add3A_1424 = arith.constant 6 : i32
      %add3A_1425 = arith.addi %mul3A_1179, %add3A_1424 : i32
      %swap3A_1426 = arith.index_cast %add3A_1425 : i32 to index
      %swap3A_1427 = arith.constant 16 : index
      %swap3A_1428 = tpu.vector_load %arg5[%swap3A_1426, %swap3A_1427] {strides = array<i32>} : memref<496x128xf32, #tpu.memory_space<vmem>>, vector<16xf32>,
      tpu.vector_store %arg5[%swap3A_1426, %swap3A_1427], %broadcast_in_dim3A_6 {strides = array<i32>} : memref<496x128xf32, #tpu.memory_space<vmem>>, vector<16xf32>,
      %add3A_1429 = arith.constant 6 : i32
      %add3A_1430 = arith.addi %mul3A_1179, %add3A_1429 : i32
      %swap3A_1431 = arith.index_cast %add3A_1430 : i32 to index
      %swap3A_1432 = arith.constant 32 : index
      %swap3A_1433 = tpu.vector_load %arg5[%swap3A_1431, %swap3A_1432] {strides = array<i32>} : memref<496x128xf32, #tpu.memory_space<vmem>>, vector<16xf32>,
      tpu.vector_store %arg5[%swap3A_1431, %swap3A_1432], %broadcast_in_dim3A_6 {strides = array<i32>} : memref<496x128xf32, #tpu.memory_space<vmem>>, vector<16xf32>,
      %add3A_1434 = arith.constant 6 : i32
      %add3A_1435 = arith.addi %mul3A_1179, %add3A_1434 : i32
      %swap3A_1436 = arith.index_cast %add3A_1435 : i32 to index
      %swap3A_1437 = arith.constant 48 : index
      %swap3A_1438 = tpu.vector_load %arg5[%swap3A_1436, %swap3A_1437] {strides = array<i32>} : memref<496x128xf32, #tpu.memory_space<vmem>>, vector<16xf32>,
      tpu.vector_store %arg5[%swap3A_1436, %swap3A_1437], %broadcast_in_dim3A_6 {strides = array<i32>} : memref<496x128xf32, #tpu.memory_space<vmem>>, vector<16xf32>,
      %add3A_1439 = arith.constant 6 : i32
      %add3A_1440 = arith.addi %mul3A_1179, %add3A_1439 : i32
      %swap3A_1441 = arith.index_cast %add3A_1440 : i32 to index
      %swap3A_1442 = arith.constant 64 : index
      %swap3A_1443 = tpu.vector_load %arg5[%swap3A_1441, %swap3A_1442] {strides = array<i32>} : memref<496x128xf32, #tpu.memory_space<vmem>>, vector<16xf32>,
      tpu.vector_store %arg5[%swap3A_1441, %swap3A_1442], %broadcast_in_dim3A_6 {strides = array<i32>} : memref<496x128xf32, #tpu.memory_space<vmem>>, vector<16xf32>,
      %add3A_1444 = arith.constant 6 : i32
      %add3A_1445 = arith.addi %mul3A_1179, %add3A_1444 : i32
      %swap3A_1446 = arith.index_cast %add3A_1445 : i32 to index
      %swap3A_1447 = arith.constant 80 : index
      %swap3A_1448 = tpu.vector_load %arg5[%swap3A_1446, %swap3A_1447] {strides = array<i32>} : memref<496x128xf32, #tpu.memory_space<vmem>>, vector<16xf32>,
      tpu.vector_store %arg5[%swap3A_1446, %swap3A_1447], %broadcast_in_dim3A_6 {strides = array<i32>} : memref<496x128xf32, #tpu.memory_space<vmem>>, vector<16xf32>,
      %add3A_1449 = arith.constant 6 : i32
      %add3A_1450 = arith.addi %mul3A_1179, %add3A_1449 : i32
      %swap3A_1451 = arith.index_cast %add3A_1450 : i32 to index
      %swap3A_1452 = arith.constant 96 : index
      %swap3A_1453 = tpu.vector_load %arg5[%swap3A_1451, %swap3A_1452] {strides = array<i32>} : memref<496x128xf32, #tpu.memory_space<vmem>>, vector<16xf32>,
      tpu.vector_store %arg5[%swap3A_1451, %swap3A_1452], %broadcast_in_dim3A_6 {strides = array<i32>} : memref<496x128xf32, #tpu.memory_space<vmem>>, vector<16xf32>,
      %add3A_1454 = arith.constant 6 : i32
      %add3A_1455 = arith.addi %mul3A_1179, %add3A_1454 : i32
      %swap3A_1456 = arith.index_cast %add3A_1455 : i32 to index
      %swap3A_1457 = arith.constant 112 : index
      %swap3A_1458 = tpu.vector_load %arg5[%swap3A_1456, %swap3A_1457] {strides = array<i32>} : memref<496x128xf32, #tpu.memory_space<vmem>>, vector<16xf32>,
      tpu.vector_store %arg5[%swap3A_1456, %swap3A_1457], %broadcast_in_dim3A_6 {strides = array<i32>} : memref<496x128xf32, #tpu.memory_space<vmem>>, vector<16xf32>,
      %add3A_1459 = arith.constant 7 : i32
      %add3A_1460 = arith.addi %mul3A_1179, %add3A_1459 : i32
      %swap3A_1461 = arith.index_cast %add3A_1460 : i32 to index
      %swap3A_1462 = arith.constant 0 : index
      %swap3A_1463 = tpu.vector_load %arg5[%swap3A_1461, %swap3A_1462] {strides = array<i32>} : memref<496x128xf32, #tpu.memory_space<vmem>>, vector<16xf32>,
      tpu.vector_store %arg5[%swap3A_1461, %swap3A_1462], %broadcast_in_dim3A_6 {strides = array<i32>} : memref<496x128xf32, #tpu.memory_space<vmem>>, vector<16xf32>,
      %add3A_1464 = arith.constant 7 : i32
      %add3A_1465 = arith.addi %mul3A_1179, %add3A_1464 : i32
      %swap3A_1466 = arith.index_cast %add3A_1465 : i32 to index
      %swap3A_1467 = arith.constant 16 : index
      %swap3A_1468 = tpu.vector_load %arg5[%swap3A_1466, %swap3A_1467] {strides = array<i32>} : memref<496x128xf32, #tpu.memory_space<vmem>>, vector<16xf32>,
      tpu.vector_store %arg5[%swap3A_1466, %swap3A_1467], %broadcast_in_dim3A_6 {strides = array<i32>} : memref<496x128xf32, #tpu.memory_space<vmem>>, vector<16xf32>,
      %add3A_1469 = arith.constant 7 : i32
      %add3A_1470 = arith.addi %mul3A_1179, %add3A_1469 : i32
      %swap3A_1471 = arith.index_cast %add3A_1470 : i32 to index
      %swap3A_1472 = arith.constant 32 : index
      %swap3A_1473 = tpu.vector_load %arg5[%swap3A_1471, %swap3A_1472] {strides = array<i32>} : memref<496x128xf32, #tpu.memory_space<vmem>>, vector<16xf32>,
      tpu.vector_store %arg5[%swap3A_1471, %swap3A_1472], %broadcast_in_dim3A_6 {strides = array<i32>} : memref<496x128xf32, #tpu.memory_space<vmem>>, vector<16xf32>,
      %add3A_1474 = arith.constant 7 : i32
      %add3A_1475 = arith.addi %mul3A_1179, %add3A_1474 : i32
      %swap3A_1476 = arith.index_cast %add3A_1475 : i32 to index
      %swap3A_1477 = arith.constant 48 : index
      %swap3A_1478 = tpu.vector_load %arg5[%swap3A_1476, %swap3A_1477] {strides = array<i32>} : memref<496x128xf32, #tpu.memory_space<vmem>>, vector<16xf32>,
      tpu.vector_store %arg5[%swap3A_1476, %swap3A_1477], %broadcast_in_dim3A_6 {strides = array<i32>} : memref<496x128xf32, #tpu.memory_space<vmem>>, vector<16xf32>,
      %add3A_1479 = arith.constant 7 : i32
      %add3A_1480 = arith.addi %mul3A_1179, %add3A_1479 : i32
      %swap3A_1481 = arith.index_cast %add3A_1480 : i32 to index
      %swap3A_1482 = arith.constant 64 : index
      %swap3A_1483 = tpu.vector_load %arg5[%swap3A_1481, %swap3A_1482] {strides = array<i32>} : memref<496x128xf32, #tpu.memory_space<vmem>>, vector<16xf32>,
      tpu.vector_store %arg5[%swap3A_1481, %swap3A_1482], %broadcast_in_dim3A_6 {strides = array<i32>} : memref<496x128xf32, #tpu.memory_space<vmem>>, vector<16xf32>,
      %add3A_1484 = arith.constant 7 : i32
      %add3A_1485 = arith.addi %mul3A_1179, %add3A_1484 : i32
      %swap3A_1486 = arith.index_cast %add3A_1485 : i32 to index
      %swap3A_1487 = arith.constant 80 : index
      %swap3A_1488 = tpu.vector_load %arg5[%swap3A_1486, %swap3A_1487] {strides = array<i32>} : memref<496x128xf32, #tpu.memory_space<vmem>>, vector<16xf32>,
      tpu.vector_store %arg5[%swap3A_1486, %swap3A_1487], %broadcast_in_dim3A_6 {strides = array<i32>} : memref<496x128xf32, #tpu.memory_space<vmem>>, vector<16xf32>,
      %add3A_1489 = arith.constant 7 : i32
      %add3A_1490 = arith.addi %mul3A_1179, %add3A_1489 : i32
      %swap3A_1491 = arith.index_cast %add3A_1490 : i32 to index
      %swap3A_1492 = arith.constant 96 : index
      %swap3A_1493 = tpu.vector_load %arg5[%swap3A_1491, %swap3A_1492] {strides = array<i32>} : memref<496x128xf32, #tpu.memory_space<vmem>>, vector<16xf32>,
      tpu.vector_store %arg5[%swap3A_1491, %swap3A_1492], %broadcast_in_dim3A_6 {strides = array<i32>} : memref<496x128xf32, #tpu.memory_space<vmem>>, vector<16xf32>,
      %add3A_1494 = arith.constant 7 : i32
      %add3A_1495 = arith.addi %mul3A_1179, %add3A_1494 : i32
      %swap3A_1496 = arith.index_cast %add3A_1495 : i32 to index
      %swap3A_1497 = arith.constant 112 : index
      %swap3A_1498 = tpu.vector_load %arg5[%swap3A_1496, %swap3A_1497] {strides = array<i32>} : memref<496x128xf32, #tpu.memory_space<vmem>>, vector<16xf32>,
      tpu.vector_store %arg5[%swap3A_1496, %swap3A_1497], %broadcast_in_dim3A_6 {strides = array<i32>} : memref<496x128xf32, #tpu.memory_space<vmem>>, vector<16xf32>,
    }
    %scan3A_88 = arith.constant 62 : i32
    %get3A_89 = arith.constant 0 : index
    %get3A_90 = tpu.vector_load %arg6[%get3A_89] {strides = array<i32>} : memref<512xi32, #tpu.memory_space<vmem>>, vector<16xi32>,
    %add3A_91 = arith.constant 0 : i32
    %add3A_92 = vector.broadcast %add3A_91 : i32 to vector<16xi32>
    %add3A_93 = arith.addi %iota3A, %add3A_92 : vector<16xi32>
    %ge3A = arith.constant 504 : i32
    %ge3A_94 = vector.broadcast %ge3A : i32 to vector<16xi32>
    %ge3A_95 = arith.cmpi sge, %get3A_90, %ge3A_94 : vector<16xi32>
    %sub3A = arith.constant 504 : i32
    %sub3A_96 = vector.broadcast %sub3A : i32 to vector<16xi32>
    %sub3A_97 = arith.subi %get3A_90, %sub3A_96 : vector<16xi32>
    tpu.vector_store_idx %arg5[%sub3A_97, %add3A_93], %broadcast_in_dim3A_8 masked %ge3A_95 : memref<496x128xf32, #tpu.memory_space<vmem>>[vector<16xi32>, vector<16xi32>], vector<16xf32>, vector<16xi1>
    %get3A_98 = arith.constant 16 : index
    %get3A_99 = tpu.vector_load %arg6[%get3A_98] {strides = array<i32>} : memref<512xi32, #tpu.memory_space<vmem>>, vector<16xi32>,
    %add3A_100 = arith.constant 16 : i32
    %add3A_101 = vector.broadcast %add3A_100 : i32 to vector<16xi32>
    %add3A_102 = arith.addi %iota3A, %add3A_101 : vector<16xi32>
    %ge3A_103 = arith.constant 504 : i32
    %ge3A_104 = vector.broadcast %ge3A_103 : i32 to vector<16xi32>
    %ge3A_105 = arith.cmpi sge, %get3A_99, %ge3A_104 : vector<16xi32>
    %sub3A_106 = arith.constant 504 : i32
    %sub3A_107 = vector.broadcast %sub3A_106 : i32 to vector<16xi32>
    %sub3A_108 = arith.subi %get3A_99, %sub3A_107 : vector<16xi32>
    tpu.vector_store_idx %arg5[%sub3A_108, %add3A_102], %broadcast_in_dim3A_8 masked %ge3A_105 : memref<496x128xf32, #tpu.memory_space<vmem>>[vector<16xi32>, vector<16xi32>], vector<16xf32>, vector<16xi1>
    %get3A_109 = arith.constant 32 : index
    %get3A_110 = tpu.vector_load %arg6[%get3A_109] {strides = array<i32>} : memref<512xi32, #tpu.memory_space<vmem>>, vector<16xi32>,
    %add3A_111 = arith.constant 32 : i32
    %add3A_112 = vector.broadcast %add3A_111 : i32 to vector<16xi32>
    %add3A_113 = arith.addi %iota3A, %add3A_112 : vector<16xi32>
    %ge3A_114 = arith.constant 504 : i32
    %ge3A_115 = vector.broadcast %ge3A_114 : i32 to vector<16xi32>
    %ge3A_116 = arith.cmpi sge, %get3A_110, %ge3A_115 : vector<16xi32>
    %sub3A_117 = arith.constant 504 : i32
    %sub3A_118 = vector.broadcast %sub3A_117 : i32 to vector<16xi32>
    %sub3A_119 = arith.subi %get3A_110, %sub3A_118 : vector<16xi32>
    tpu.vector_store_idx %arg5[%sub3A_119, %add3A_113], %broadcast_in_dim3A_8 masked %ge3A_116 : memref<496x128xf32, #tpu.memory_space<vmem>>[vector<16xi32>, vector<16xi32>], vector<16xf32>, vector<16xi1>
    %get3A_120 = arith.constant 48 : index
    %get3A_121 = tpu.vector_load %arg6[%get3A_120] {strides = array<i32>} : memref<512xi32, #tpu.memory_space<vmem>>, vector<16xi32>,
    %add3A_122 = arith.constant 48 : i32
    %add3A_123 = vector.broadcast %add3A_122 : i32 to vector<16xi32>
    %add3A_124 = arith.addi %iota3A, %add3A_123 : vector<16xi32>
    %ge3A_125 = arith.constant 504 : i32
    %ge3A_126 = vector.broadcast %ge3A_125 : i32 to vector<16xi32>
    %ge3A_127 = arith.cmpi sge, %get3A_121, %ge3A_126 : vector<16xi32>
    %sub3A_128 = arith.constant 504 : i32
    %sub3A_129 = vector.broadcast %sub3A_128 : i32 to vector<16xi32>
    %sub3A_130 = arith.subi %get3A_121, %sub3A_129 : vector<16xi32>
    tpu.vector_store_idx %arg5[%sub3A_130, %add3A_124], %broadcast_in_dim3A_8 masked %ge3A_127 : memref<496x128xf32, #tpu.memory_space<vmem>>[vector<16xi32>, vector<16xi32>], vector<16xf32>, vector<16xi1>
    %get3A_131 = arith.constant 64 : index
    %get3A_132 = tpu.vector_load %arg6[%get3A_131] {strides = array<i32>} : memref<512xi32, #tpu.memory_space<vmem>>, vector<16xi32>,
    %add3A_133 = arith.constant 64 : i32
    %add3A_134 = vector.broadcast %add3A_133 : i32 to vector<16xi32>
    %add3A_135 = arith.addi %iota3A, %add3A_134 : vector<16xi32>
    %ge3A_136 = arith.constant 504 : i32
    %ge3A_137 = vector.broadcast %ge3A_136 : i32 to vector<16xi32>
    %ge3A_138 = arith.cmpi sge, %get3A_132, %ge3A_137 : vector<16xi32>
    %sub3A_139 = arith.constant 504 : i32
    %sub3A_140 = vector.broadcast %sub3A_139 : i32 to vector<16xi32>
    %sub3A_141 = arith.subi %get3A_132, %sub3A_140 : vector<16xi32>
    tpu.vector_store_idx %arg5[%sub3A_141, %add3A_135], %broadcast_in_dim3A_8 masked %ge3A_138 : memref<496x128xf32, #tpu.memory_space<vmem>>[vector<16xi32>, vector<16xi32>], vector<16xf32>, vector<16xi1>
    %get3A_142 = arith.constant 80 : index
    %get3A_143 = tpu.vector_load %arg6[%get3A_142] {strides = array<i32>} : memref<512xi32, #tpu.memory_space<vmem>>, vector<16xi32>,
    %add3A_144 = arith.constant 80 : i32
    %add3A_145 = vector.broadcast %add3A_144 : i32 to vector<16xi32>
    %add3A_146 = arith.addi %iota3A, %add3A_145 : vector<16xi32>
    %ge3A_147 = arith.constant 504 : i32
    %ge3A_148 = vector.broadcast %ge3A_147 : i32 to vector<16xi32>
    %ge3A_149 = arith.cmpi sge, %get3A_143, %ge3A_148 : vector<16xi32>
    %sub3A_150 = arith.constant 504 : i32
    %sub3A_151 = vector.broadcast %sub3A_150 : i32 to vector<16xi32>
    %sub3A_152 = arith.subi %get3A_143, %sub3A_151 : vector<16xi32>
    tpu.vector_store_idx %arg5[%sub3A_152, %add3A_146], %broadcast_in_dim3A_8 masked %ge3A_149 : memref<496x128xf32, #tpu.memory_space<vmem>>[vector<16xi32>, vector<16xi32>], vector<16xf32>, vector<16xi1>
    %get3A_153 = arith.constant 96 : index
    %get3A_154 = tpu.vector_load %arg6[%get3A_153] {strides = array<i32>} : memref<512xi32, #tpu.memory_space<vmem>>, vector<16xi32>,
    %add3A_155 = arith.constant 96 : i32
    %add3A_156 = vector.broadcast %add3A_155 : i32 to vector<16xi32>
    %add3A_157 = arith.addi %iota3A, %add3A_156 : vector<16xi32>
    %ge3A_158 = arith.constant 504 : i32
    %ge3A_159 = vector.broadcast %ge3A_158 : i32 to vector<16xi32>
    %ge3A_160 = arith.cmpi sge, %get3A_154, %ge3A_159 : vector<16xi32>
    %sub3A_161 = arith.constant 504 : i32
    %sub3A_162 = vector.broadcast %sub3A_161 : i32 to vector<16xi32>
    %sub3A_163 = arith.subi %get3A_154, %sub3A_162 : vector<16xi32>
    tpu.vector_store_idx %arg5[%sub3A_163, %add3A_157], %broadcast_in_dim3A_8 masked %ge3A_160 : memref<496x128xf32, #tpu.memory_space<vmem>>[vector<16xi32>, vector<16xi32>], vector<16xf32>, vector<16xi1>
    %get3A_164 = arith.constant 112 : index
    %get3A_165 = tpu.vector_load %arg6[%get3A_164] {strides = array<i32>} : memref<512xi32, #tpu.memory_space<vmem>>, vector<16xi32>,
    %add3A_166 = arith.constant 112 : i32
    %add3A_167 = vector.broadcast %add3A_166 : i32 to vector<16xi32>
    %add3A_168 = arith.addi %iota3A, %add3A_167 : vector<16xi32>
    %ge3A_169 = arith.constant 504 : i32
    %ge3A_170 = vector.broadcast %ge3A_169 : i32 to vector<16xi32>
    %ge3A_171 = arith.cmpi sge, %get3A_165, %ge3A_170 : vector<16xi32>
    %sub3A_172 = arith.constant 504 : i32
    %sub3A_173 = vector.broadcast %sub3A_172 : i32 to vector<16xi32>
    %sub3A_174 = arith.subi %get3A_165, %sub3A_173 : vector<16xi32>
    tpu.vector_store_idx %arg5[%sub3A_174, %add3A_168], %broadcast_in_dim3A_8 masked %ge3A_171 : memref<496x128xf32, #tpu.memory_space<vmem>>[vector<16xi32>, vector<16xi32>], vector<16xf32>, vector<16xi1>
    %add3A_175 = arith.constant 0 : i32
    %add3A_176 = arith.addi %mul3A_2, %add3A_175 : i32
    %dma_start3A_177 = arith.constant 504 : i32
    %dma_start3A_178 = tpu.memref_slice %arg3[%dma_start3A_177, %add3A_176] : memref<1000x16384xf32, #tpu.memory_space<hbm>> -> memref<496x128xf32, #tpu.memory_space<hbm>>
    %dma_start3A_179 = arith.constant 504 : i32
    %dma_start3A_180 = tpu.memref_slice %arg3[%dma_start3A_179, %add3A_176] : memref<1000x16384xf32, #tpu.memory_space<hbm>> -> memref<496x128xf32, #tpu.memory_space<hbm>>
    tpu.enqueue_dma source(%arg5 : memref<496x128xf32, #tpu.memory_space<vmem>>) target(%dma_start3A_180 : memref<496x128xf32, #tpu.memory_space<hbm>>) target_semaphore(%arg8 : memref<!tpu.dma_semaphore, #tpu.memory_space<semaphore_mem>>)
    %add3A_181 = arith.constant 0 : i32
    %add3A_182 = arith.addi %mul3A_2, %add3A_181 : i32
    %dma_wait3A_183 = arith.constant 0 : i32
    %dma_wait3A_184 = tpu.memref_slice %arg3[%dma_wait3A_183, %add3A_182] : memref<1000x16384xf32, #tpu.memory_space<hbm>> -> memref<504x128xf32, #tpu.memory_space<hbm>>
    %dma_wait3A_185 = arith.constant 0 : i32
    %dma_wait3A_186 = tpu.memref_slice %arg3[%dma_wait3A_185, %add3A_182] : memref<1000x16384xf32, #tpu.memory_space<hbm>> -> memref<504x128xf32, #tpu.memory_space<hbm>>
    tpu.wait_dma2 semaphore(%arg7 : memref<!tpu.dma_semaphore, #tpu.memory_space<semaphore_mem>>) src(%arg4 : memref<504x128xf32, #tpu.memory_space<vmem>>) dst(%dma_wait3A_186 : memref<504x128xf32, #tpu.memory_space<hbm>>)
    %get3A_187 = arith.constant 0 : index
    %get3A_188 = tpu.vector_load %arg6[%get3A_187] {strides = array<i32>} : memref<512xi32, #tpu.memory_space<vmem>>, vector<16xi32>,
    %add3A_189 = arith.constant 0 : i32
    %add3A_190 = vector.broadcast %add3A_189 : i32 to vector<16xi32>
    %add3A_191 = arith.addi %iota3A, %add3A_190 : vector<16xi32>
    %lt3A_192 = arith.constant 504 : i32
    %lt3A_193 = vector.broadcast %lt3A_192 : i32 to vector<16xi32>
    %lt3A_194 = arith.cmpi slt, %get3A_188, %lt3A_193 : vector<16xi32>
    tpu.vector_store_idx %arg4[%get3A_188, %add3A_191], %broadcast_in_dim3A_6 masked %lt3A_194 : memref<504x128xf32, #tpu.memory_space<vmem>>[vector<16xi32>, vector<16xi32>], vector<16xf32>, vector<16xi1>
    %get3A_195 = arith.constant 16 : index
    %get3A_196 = tpu.vector_load %arg6[%get3A_195] {strides = array<i32>} : memref<512xi32, #tpu.memory_space<vmem>>, vector<16xi32>,
    %add3A_197 = arith.constant 16 : i32
    %add3A_198 = vector.broadcast %add3A_197 : i32 to vector<16xi32>
    %add3A_199 = arith.addi %iota3A, %add3A_198 : vector<16xi32>
    %lt3A_200 = arith.constant 504 : i32
    %lt3A_201 = vector.broadcast %lt3A_200 : i32 to vector<16xi32>
    %lt3A_202 = arith.cmpi slt, %get3A_196, %lt3A_201 : vector<16xi32>
    tpu.vector_store_idx %arg4[%get3A_196, %add3A_199], %broadcast_in_dim3A_6 masked %lt3A_202 : memref<504x128xf32, #tpu.memory_space<vmem>>[vector<16xi32>, vector<16xi32>], vector<16xf32>, vector<16xi1>
    %get3A_203 = arith.constant 32 : index
    %get3A_204 = tpu.vector_load %arg6[%get3A_203] {strides = array<i32>} : memref<512xi32, #tpu.memory_space<vmem>>, vector<16xi32>,
    %add3A_205 = arith.constant 32 : i32
    %add3A_206 = vector.broadcast %add3A_205 : i32 to vector<16xi32>
    %add3A_207 = arith.addi %iota3A, %add3A_206 : vector<16xi32>
    %lt3A_208 = arith.constant 504 : i32
    %lt3A_209 = vector.broadcast %lt3A_208 : i32 to vector<16xi32>
    %lt3A_210 = arith.cmpi slt, %get3A_204, %lt3A_209 : vector<16xi32>
    tpu.vector_store_idx %arg4[%get3A_204, %add3A_207], %broadcast_in_dim3A_6 masked %lt3A_210 : memref<504x128xf32, #tpu.memory_space<vmem>>[vector<16xi32>, vector<16xi32>], vector<16xf32>, vector<16xi1>
    %get3A_211 = arith.constant 48 : index
    %get3A_212 = tpu.vector_load %arg6[%get3A_211] {strides = array<i32>} : memref<512xi32, #tpu.memory_space<vmem>>, vector<16xi32>,
    %add3A_213 = arith.constant 48 : i32
    %add3A_214 = vector.broadcast %add3A_213 : i32 to vector<16xi32>
    %add3A_215 = arith.addi %iota3A, %add3A_214 : vector<16xi32>
    %lt3A_216 = arith.constant 504 : i32
    %lt3A_217 = vector.broadcast %lt3A_216 : i32 to vector<16xi32>
    %lt3A_218 = arith.cmpi slt, %get3A_212, %lt3A_217 : vector<16xi32>
    tpu.vector_store_idx %arg4[%get3A_212, %add3A_215], %broadcast_in_dim3A_6 masked %lt3A_218 : memref<504x128xf32, #tpu.memory_space<vmem>>[vector<16xi32>, vector<16xi32>], vector<16xf32>, vector<16xi1>
    %get3A_219 = arith.constant 64 : index
    %get3A_220 = tpu.vector_load %arg6[%get3A_219] {strides = array<i32>} : memref<512xi32, #tpu.memory_space<vmem>>, vector<16xi32>,
    %add3A_221 = arith.constant 64 : i32
    %add3A_222 = vector.broadcast %add3A_221 : i32 to vector<16xi32>
    %add3A_223 = arith.addi %iota3A, %add3A_222 : vector<16xi32>
    %lt3A_224 = arith.constant 504 : i32
    %lt3A_225 = vector.broadcast %lt3A_224 : i32 to vector<16xi32>
    %lt3A_226 = arith.cmpi slt, %get3A_220, %lt3A_225 : vector<16xi32>
    tpu.vector_store_idx %arg4[%get3A_220, %add3A_223], %broadcast_in_dim3A_6 masked %lt3A_226 : memref<504x128xf32, #tpu.memory_space<vmem>>[vector<16xi32>, vector<16xi32>], vector<16xf32>, vector<16xi1>
    %get3A_227 = arith.constant 80 : index
    %get3A_228 = tpu.vector_load %arg6[%get3A_227] {strides = array<i32>} : memref<512xi32, #tpu.memory_space<vmem>>, vector<16xi32>,
    %add3A_229 = arith.constant 80 : i32
    %add3A_230 = vector.broadcast %add3A_229 : i32 to vector<16xi32>
    %add3A_231 = arith.addi %iota3A, %add3A_230 : vector<16xi32>
    %lt3A_232 = arith.constant 504 : i32
    %lt3A_233 = vector.broadcast %lt3A_232 : i32 to vector<16xi32>
    %lt3A_234 = arith.cmpi slt, %get3A_228, %lt3A_233 : vector<16xi32>
    tpu.vector_store_idx %arg4[%get3A_228, %add3A_231], %broadcast_in_dim3A_6 masked %lt3A_234 : memref<504x128xf32, #tpu.memory_space<vmem>>[vector<16xi32>, vector<16xi32>], vector<16xf32>, vector<16xi1>
    %get3A_235 = arith.constant 96 : index
    %get3A_236 = tpu.vector_load %arg6[%get3A_235] {strides = array<i32>} : memref<512xi32, #tpu.memory_space<vmem>>, vector<16xi32>,
    %add3A_237 = arith.constant 96 : i32
    %add3A_238 = vector.broadcast %add3A_237 : i32 to vector<16xi32>
    %add3A_239 = arith.addi %iota3A, %add3A_238 : vector<16xi32>
    %lt3A_240 = arith.constant 504 : i32
    %lt3A_241 = vector.broadcast %lt3A_240 : i32 to vector<16xi32>
    %lt3A_242 = arith.cmpi slt, %get3A_236, %lt3A_241 : vector<16xi32>
    tpu.vector_store_idx %arg4[%get3A_236, %add3A_239], %broadcast_in_dim3A_6 masked %lt3A_242 : memref<504x128xf32, #tpu.memory_space<vmem>>[vector<16xi32>, vector<16xi32>], vector<16xf32>, vector<16xi1>
    %get3A_243 = arith.constant 112 : index
    %get3A_244 = tpu.vector_load %arg6[%get3A_243] {strides = array<i32>} : memref<512xi32, #tpu.memory_space<vmem>>, vector<16xi32>,
    %add3A_245 = arith.constant 112 : i32
    %add3A_246 = vector.broadcast %add3A_245 : i32 to vector<16xi32>
    %add3A_247 = arith.addi %iota3A, %add3A_246 : vector<16xi32>
    %lt3A_248 = arith.constant 504 : i32
    %lt3A_249 = vector.broadcast %lt3A_248 : i32 to vector<16xi32>
    %lt3A_250 = arith.cmpi slt, %get3A_244, %lt3A_249 : vector<16xi32>
    tpu.vector_store_idx %arg4[%get3A_244, %add3A_247], %broadcast_in_dim3A_6 masked %lt3A_250 : memref<504x128xf32, #tpu.memory_space<vmem>>[vector<16xi32>, vector<16xi32>], vector<16xf32>, vector<16xi1>
    %get3A_251 = arith.constant 128 : index
    %get3A_252 = tpu.vector_load %arg6[%get3A_251] {strides = array<i32>} : memref<512xi32, #tpu.memory_space<vmem>>, vector<16xi32>,
    %add3A_253 = arith.constant 0 : i32
    %add3A_254 = vector.broadcast %add3A_253 : i32 to vector<16xi32>
    %add3A_255 = arith.addi %iota3A, %add3A_254 : vector<16xi32>
    %lt3A_256 = arith.constant 504 : i32
    %lt3A_257 = vector.broadcast %lt3A_256 : i32 to vector<16xi32>
    %lt3A_258 = arith.cmpi slt, %get3A_252, %lt3A_257 : vector<16xi32>
    tpu.vector_store_idx %arg4[%get3A_252, %add3A_255], %broadcast_in_dim3A_8 masked %lt3A_258 : memref<504x128xf32, #tpu.memory_space<vmem>>[vector<16xi32>, vector<16xi32>], vector<16xf32>, vector<16xi1>
    %get3A_259 = arith.constant 144 : index
    %get3A_260 = tpu.vector_load %arg6[%get3A_259] {strides = array<i32>} : memref<512xi32, #tpu.memory_space<vmem>>, vector<16xi32>,
    %add3A_261 = arith.constant 16 : i32
    %add3A_262 = vector.broadcast %add3A_261 : i32 to vector<16xi32>
    %add3A_263 = arith.addi %iota3A, %add3A_262 : vector<16xi32>
    %lt3A_264 = arith.constant 504 : i32
    %lt3A_265 = vector.broadcast %lt3A_264 : i32 to vector<16xi32>
    %lt3A_266 = arith.cmpi slt, %get3A_260, %lt3A_265 : vector<16xi32>
    tpu.vector_store_idx %arg4[%get3A_260, %add3A_263], %broadcast_in_dim3A_8 masked %lt3A_266 : memref<504x128xf32, #tpu.memory_space<vmem>>[vector<16xi32>, vector<16xi32>], vector<16xf32>, vector<16xi1>
    %get3A_267 = arith.constant 160 : index
    %get3A_268 = tpu.vector_load %arg6[%get3A_267] {strides = array<i32>} : memref<512xi32, #tpu.memory_space<vmem>>, vector<16xi32>,
    %add3A_269 = arith.constant 32 : i32
    %add3A_270 = vector.broadcast %add3A_269 : i32 to vector<16xi32>
    %add3A_271 = arith.addi %iota3A, %add3A_270 : vector<16xi32>
    %lt3A_272 = arith.constant 504 : i32
    %lt3A_273 = vector.broadcast %lt3A_272 : i32 to vector<16xi32>
    %lt3A_274 = arith.cmpi slt, %get3A_268, %lt3A_273 : vector<16xi32>
    tpu.vector_store_idx %arg4[%get3A_268, %add3A_271], %broadcast_in_dim3A_8 masked %lt3A_274 : memref<504x128xf32, #tpu.memory_space<vmem>>[vector<16xi32>, vector<16xi32>], vector<16xf32>, vector<16xi1>
    %get3A_275 = arith.constant 176 : index
    %get3A_276 = tpu.vector_load %arg6[%get3A_275] {strides = array<i32>} : memref<512xi32, #tpu.memory_space<vmem>>, vector<16xi32>,
    %add3A_277 = arith.constant 48 : i32
    %add3A_278 = vector.broadcast %add3A_277 : i32 to vector<16xi32>
    %add3A_279 = arith.addi %iota3A, %add3A_278 : vector<16xi32>
    %lt3A_280 = arith.constant 504 : i32
    %lt3A_281 = vector.broadcast %lt3A_280 : i32 to vector<16xi32>
    %lt3A_282 = arith.cmpi slt, %get3A_276, %lt3A_281 : vector<16xi32>
    tpu.vector_store_idx %arg4[%get3A_276, %add3A_279], %broadcast_in_dim3A_8 masked %lt3A_282 : memref<504x128xf32, #tpu.memory_space<vmem>>[vector<16xi32>, vector<16xi32>], vector<16xf32>, vector<16xi1>
    %get3A_283 = arith.constant 192 : index
    %get3A_284 = tpu.vector_load %arg6[%get3A_283] {strides = array<i32>} : memref<512xi32, #tpu.memory_space<vmem>>, vector<16xi32>,
    %add3A_285 = arith.constant 64 : i32
    %add3A_286 = vector.broadcast %add3A_285 : i32 to vector<16xi32>
    %add3A_287 = arith.addi %iota3A, %add3A_286 : vector<16xi32>
    %lt3A_288 = arith.constant 504 : i32
    %lt3A_289 = vector.broadcast %lt3A_288 : i32 to vector<16xi32>
    %lt3A_290 = arith.cmpi slt, %get3A_284, %lt3A_289 : vector<16xi32>
    tpu.vector_store_idx %arg4[%get3A_284, %add3A_287], %broadcast_in_dim3A_8 masked %lt3A_290 : memref<504x128xf32, #tpu.memory_space<vmem>>[vector<16xi32>, vector<16xi32>], vector<16xf32>, vector<16xi1>
    %get3A_291 = arith.constant 208 : index
    %get3A_292 = tpu.vector_load %arg6[%get3A_291] {strides = array<i32>} : memref<512xi32, #tpu.memory_space<vmem>>, vector<16xi32>,
    %add3A_293 = arith.constant 80 : i32
    %add3A_294 = vector.broadcast %add3A_293 : i32 to vector<16xi32>
    %add3A_295 = arith.addi %iota3A, %add3A_294 : vector<16xi32>
    %lt3A_296 = arith.constant 504 : i32
    %lt3A_297 = vector.broadcast %lt3A_296 : i32 to vector<16xi32>
    %lt3A_298 = arith.cmpi slt, %get3A_292, %lt3A_297 : vector<16xi32>
    tpu.vector_store_idx %arg4[%get3A_292, %add3A_295], %broadcast_in_dim3A_8 masked %lt3A_298 : memref<504x128xf32, #tpu.memory_space<vmem>>[vector<16xi32>, vector<16xi32>], vector<16xf32>, vector<16xi1>
    %get3A_299 = arith.constant 224 : index
    %get3A_300 = tpu.vector_load %arg6[%get3A_299] {strides = array<i32>} : memref<512xi32, #tpu.memory_space<vmem>>, vector<16xi32>,
    %add3A_301 = arith.constant 96 : i32
    %add3A_302 = vector.broadcast %add3A_301 : i32 to vector<16xi32>
    %add3A_303 = arith.addi %iota3A, %add3A_302 : vector<16xi32>
    %lt3A_304 = arith.constant 504 : i32
    %lt3A_305 = vector.broadcast %lt3A_304 : i32 to vector<16xi32>
    %lt3A_306 = arith.cmpi slt, %get3A_300, %lt3A_305 : vector<16xi32>
    tpu.vector_store_idx %arg4[%get3A_300, %add3A_303], %broadcast_in_dim3A_8 masked %lt3A_306 : memref<504x128xf32, #tpu.memory_space<vmem>>[vector<16xi32>, vector<16xi32>], vector<16xf32>, vector<16xi1>
    %get3A_307 = arith.constant 240 : index
    %get3A_308 = tpu.vector_load %arg6[%get3A_307] {strides = array<i32>} : memref<512xi32, #tpu.memory_space<vmem>>, vector<16xi32>,
    %add3A_309 = arith.constant 112 : i32
    %add3A_310 = vector.broadcast %add3A_309 : i32 to vector<16xi32>
    %add3A_311 = arith.addi %iota3A, %add3A_310 : vector<16xi32>
    %lt3A_312 = arith.constant 504 : i32
    %lt3A_313 = vector.broadcast %lt3A_312 : i32 to vector<16xi32>
    %lt3A_314 = arith.cmpi slt, %get3A_308, %lt3A_313 : vector<16xi32>
    tpu.vector_store_idx %arg4[%get3A_308, %add3A_311], %broadcast_in_dim3A_8 masked %lt3A_314 : memref<504x128xf32, #tpu.memory_space<vmem>>[vector<16xi32>, vector<16xi32>], vector<16xf32>, vector<16xi1>
    %add3A_315 = arith.constant 128 : i32
    %add3A_316 = arith.addi %mul3A_2, %add3A_315 : i32
    %dma_start3A_317 = arith.constant 0 : i32
    %dma_start3A_318 = tpu.memref_slice %arg3[%dma_start3A_317, %add3A_316] : memref<1000x16384xf32, #tpu.memory_space<hbm>> -> memref<504x128xf32, #tpu.memory_space<hbm>>
    %dma_start3A_319 = arith.constant 0 : i32
    %dma_start3A_320 = tpu.memref_slice %arg3[%dma_start3A_319, %add3A_316] : memref<1000x16384xf32, #tpu.memory_space<hbm>> -> memref<504x128xf32, #tpu.memory_space<hbm>>
    tpu.enqueue_dma source(%arg4 : memref<504x128xf32, #tpu.memory_space<vmem>>) target(%dma_start3A_320 : memref<504x128xf32, #tpu.memory_space<hbm>>) target_semaphore(%arg7 : memref<!tpu.dma_semaphore, #tpu.memory_space<semaphore_mem>>)
    %add3A_321 = arith.constant 0 : i32
    %add3A_322 = arith.addi %mul3A_2, %add3A_321 : i32
    %dma_wait3A_323 = arith.constant 504 : i32
    %dma_wait3A_324 = tpu.memref_slice %arg3[%dma_wait3A_323, %add3A_322] : memref<1000x16384xf32, #tpu.memory_space<hbm>> -> memref<496x128xf32, #tpu.memory_space<hbm>>
    %dma_wait3A_325 = arith.constant 504 : i32
    %dma_wait3A_326 = tpu.memref_slice %arg3[%dma_wait3A_325, %add3A_322] : memref<1000x16384xf32, #tpu.memory_space<hbm>> -> memref<496x128xf32, #tpu.memory_space<hbm>>
    tpu.wait_dma2 semaphore(%arg8 : memref<!tpu.dma_semaphore, #tpu.memory_space<semaphore_mem>>) src(%arg5 : memref<496x128xf32, #tpu.memory_space<vmem>>) dst(%dma_wait3A_326 : memref<496x128xf32, #tpu.memory_space<hbm>>)
    %get3A_327 = arith.constant 0 : index
    %get3A_328 = tpu.vector_load %arg6[%get3A_327] {strides = array<i32>} : memref<512xi32, #tpu.memory_space<vmem>>, vector<16xi32>,
    %add3A_329 = arith.constant 0 : i32
    %add3A_330 = vector.broadcast %add3A_329 : i32 to vector<16xi32>
    %add3A_331 = arith.addi %iota3A, %add3A_330 : vector<16xi32>
    %ge3A_332 = arith.constant 504 : i32
    %ge3A_333 = vector.broadcast %ge3A_332 : i32 to vector<16xi32>
    %ge3A_334 = arith.cmpi sge, %get3A_328, %ge3A_333 : vector<16xi32>
    %sub3A_335 = arith.constant 504 : i32
    %sub3A_336 = vector.broadcast %sub3A_335 : i32 to vector<16xi32>
    %sub3A_337 = arith.subi %get3A_328, %sub3A_336 : vector<16xi32>
    tpu.vector_store_idx %arg5[%sub3A_337, %add3A_331], %broadcast_in_dim3A_6 masked %ge3A_334 : memref<496x128xf32, #tpu.memory_space<vmem>>[vector<16xi32>, vector<16xi32>], vector<16xf32>, vector<16xi1>
    %get3A_338 = arith.constant 16 : index
    %get3A_339 = tpu.vector_load %arg6[%get3A_338] {strides = array<i32>} : memref<512xi32, #tpu.memory_space<vmem>>, vector<16xi32>,
    %add3A_340 = arith.constant 16 : i32
    %add3A_341 = vector.broadcast %add3A_340 : i32 to vector<16xi32>
    %add3A_342 = arith.addi %iota3A, %add3A_341 : vector<16xi32>
    %ge3A_343 = arith.constant 504 : i32
    %ge3A_344 = vector.broadcast %ge3A_343 : i32 to vector<16xi32>
    %ge3A_345 = arith.cmpi sge, %get3A_339, %ge3A_344 : vector<16xi32>
    %sub3A_346 = arith.constant 504 : i32
    %sub3A_347 = vector.broadcast %sub3A_346 : i32 to vector<16xi32>
    %sub3A_348 = arith.subi %get3A_339, %sub3A_347 : vector<16xi32>
    tpu.vector_store_idx %arg5[%sub3A_348, %add3A_342], %broadcast_in_dim3A_6 masked %ge3A_345 : memref<496x128xf32, #tpu.memory_space<vmem>>[vector<16xi32>, vector<16xi32>], vector<16xf32>, vector<16xi1>
    %get3A_349 = arith.constant 32 : index
    %get3A_350 = tpu.vector_load %arg6[%get3A_349] {strides = array<i32>} : memref<512xi32, #tpu.memory_space<vmem>>, vector<16xi32>,
    %add3A_351 = arith.constant 32 : i32
    %add3A_352 = vector.broadcast %add3A_351 : i32 to vector<16xi32>
    %add3A_353 = arith.addi %iota3A, %add3A_352 : vector<16xi32>
    %ge3A_354 = arith.constant 504 : i32
    %ge3A_355 = vector.broadcast %ge3A_354 : i32 to vector<16xi32>
    %ge3A_356 = arith.cmpi sge, %get3A_350, %ge3A_355 : vector<16xi32>
    %sub3A_357 = arith.constant 504 : i32
    %sub3A_358 = vector.broadcast %sub3A_357 : i32 to vector<16xi32>
    %sub3A_359 = arith.subi %get3A_350, %sub3A_358 : vector<16xi32>
    tpu.vector_store_idx %arg5[%sub3A_359, %add3A_353], %broadcast_in_dim3A_6 masked %ge3A_356 : memref<496x128xf32, #tpu.memory_space<vmem>>[vector<16xi32>, vector<16xi32>], vector<16xf32>, vector<16xi1>
    %get3A_360 = arith.constant 48 : index
    %get3A_361 = tpu.vector_load %arg6[%get3A_360] {strides = array<i32>} : memref<512xi32, #tpu.memory_space<vmem>>, vector<16xi32>,
    %add3A_362 = arith.constant 48 : i32
    %add3A_363 = vector.broadcast %add3A_362 : i32 to vector<16xi32>
    %add3A_364 = arith.addi %iota3A, %add3A_363 : vector<16xi32>
    %ge3A_365 = arith.constant 504 : i32
    %ge3A_366 = vector.broadcast %ge3A_365 : i32 to vector<16xi32>
    %ge3A_367 = arith.cmpi sge, %get3A_361, %ge3A_366 : vector<16xi32>
    %sub3A_368 = arith.constant 504 : i32
    %sub3A_369 = vector.broadcast %sub3A_368 : i32 to vector<16xi32>
    %sub3A_370 = arith.subi %get3A_361, %sub3A_369 : vector<16xi32>
    tpu.vector_store_idx %arg5[%sub3A_370, %add3A_364], %broadcast_in_dim3A_6 masked %ge3A_367 : memref<496x128xf32, #tpu.memory_space<vmem>>[vector<16xi32>, vector<16xi32>], vector<16xf32>, vector<16xi1>
    %get3A_371 = arith.constant 64 : index
    %get3A_372 = tpu.vector_load %arg6[%get3A_371] {strides = array<i32>} : memref<512xi32, #tpu.memory_space<vmem>>, vector<16xi32>,
    %add3A_373 = arith.constant 64 : i32
    %add3A_374 = vector.broadcast %add3A_373 : i32 to vector<16xi32>
    %add3A_375 = arith.addi %iota3A, %add3A_374 : vector<16xi32>
    %ge3A_376 = arith.constant 504 : i32
    %ge3A_377 = vector.broadcast %ge3A_376 : i32 to vector<16xi32>
    %ge3A_378 = arith.cmpi sge, %get3A_372, %ge3A_377 : vector<16xi32>
    %sub3A_379 = arith.constant 504 : i32
    %sub3A_380 = vector.broadcast %sub3A_379 : i32 to vector<16xi32>
    %sub3A_381 = arith.subi %get3A_372, %sub3A_380 : vector<16xi32>
    tpu.vector_store_idx %arg5[%sub3A_381, %add3A_375], %broadcast_in_dim3A_6 masked %ge3A_378 : memref<496x128xf32, #tpu.memory_space<vmem>>[vector<16xi32>, vector<16xi32>], vector<16xf32>, vector<16xi1>
    %get3A_382 = arith.constant 80 : index
    %get3A_383 = tpu.vector_load %arg6[%get3A_382] {strides = array<i32>} : memref<512xi32, #tpu.memory_space<vmem>>, vector<16xi32>,
    %add3A_384 = arith.constant 80 : i32
    %add3A_385 = vector.broadcast %add3A_384 : i32 to vector<16xi32>
    %add3A_386 = arith.addi %iota3A, %add3A_385 : vector<16xi32>
    %ge3A_387 = arith.constant 504 : i32
    %ge3A_388 = vector.broadcast %ge3A_387 : i32 to vector<16xi32>
    %ge3A_389 = arith.cmpi sge, %get3A_383, %ge3A_388 : vector<16xi32>
    %sub3A_390 = arith.constant 504 : i32
    %sub3A_391 = vector.broadcast %sub3A_390 : i32 to vector<16xi32>
    %sub3A_392 = arith.subi %get3A_383, %sub3A_391 : vector<16xi32>
    tpu.vector_store_idx %arg5[%sub3A_392, %add3A_386], %broadcast_in_dim3A_6 masked %ge3A_389 : memref<496x128xf32, #tpu.memory_space<vmem>>[vector<16xi32>, vector<16xi32>], vector<16xf32>, vector<16xi1>
    %get3A_393 = arith.constant 96 : index
    %get3A_394 = tpu.vector_load %arg6[%get3A_393] {strides = array<i32>} : memref<512xi32, #tpu.memory_space<vmem>>, vector<16xi32>,
    %add3A_395 = arith.constant 96 : i32
    %add3A_396 = vector.broadcast %add3A_395 : i32 to vector<16xi32>
    %add3A_397 = arith.addi %iota3A, %add3A_396 : vector<16xi32>
    %ge3A_398 = arith.constant 504 : i32
    %ge3A_399 = vector.broadcast %ge3A_398 : i32 to vector<16xi32>
    %ge3A_400 = arith.cmpi sge, %get3A_394, %ge3A_399 : vector<16xi32>
    %sub3A_401 = arith.constant 504 : i32
    %sub3A_402 = vector.broadcast %sub3A_401 : i32 to vector<16xi32>
    %sub3A_403 = arith.subi %get3A_394, %sub3A_402 : vector<16xi32>
    tpu.vector_store_idx %arg5[%sub3A_403, %add3A_397], %broadcast_in_dim3A_6 masked %ge3A_400 : memref<496x128xf32, #tpu.memory_space<vmem>>[vector<16xi32>, vector<16xi32>], vector<16xf32>, vector<16xi1>
    %get3A_404 = arith.constant 112 : index
    %get3A_405 = tpu.vector_load %arg6[%get3A_404] {strides = array<i32>} : memref<512xi32, #tpu.memory_space<vmem>>, vector<16xi32>,
    %add3A_406 = arith.constant 112 : i32
    %add3A_407 = vector.broadcast %add3A_406 : i32 to vector<16xi32>
    %add3A_408 = arith.addi %iota3A, %add3A_407 : vector<16xi32>
    %ge3A_409 = arith.constant 504 : i32
    %ge3A_410 = vector.broadcast %ge3A_409 : i32 to vector<16xi32>
    %ge3A_411 = arith.cmpi sge, %get3A_405, %ge3A_410 : vector<16xi32>
    %sub3A_412 = arith.constant 504 : i32
    %sub3A_413 = vector.broadcast %sub3A_412 : i32 to vector<16xi32>
    %sub3A_414 = arith.subi %get3A_405, %sub3A_413 : vector<16xi32>
    tpu.vector_store_idx %arg5[%sub3A_414, %add3A_408], %broadcast_in_dim3A_6 masked %ge3A_411 : memref<496x128xf32, #tpu.memory_space<vmem>>[vector<16xi32>, vector<16xi32>], vector<16xf32>, vector<16xi1>
    %get3A_415 = arith.constant 128 : index
    %get3A_416 = tpu.vector_load %arg6[%get3A_415] {strides = array<i32>} : memref<512xi32, #tpu.memory_space<vmem>>, vector<16xi32>,
    %add3A_417 = arith.constant 0 : i32
    %add3A_418 = vector.broadcast %add3A_417 : i32 to vector<16xi32>
    %add3A_419 = arith.addi %iota3A, %add3A_418 : vector<16xi32>
    %ge3A_420 = arith.constant 504 : i32
    %ge3A_421 = vector.broadcast %ge3A_420 : i32 to vector<16xi32>
    %ge3A_422 = arith.cmpi sge, %get3A_416, %ge3A_421 : vector<16xi32>
    %sub3A_423 = arith.constant 504 : i32
    %sub3A_424 = vector.broadcast %sub3A_423 : i32 to vector<16xi32>
    %sub3A_425 = arith.subi %get3A_416, %sub3A_424 : vector<16xi32>
    tpu.vector_store_idx %arg5[%sub3A_425, %add3A_419], %broadcast_in_dim3A_8 masked %ge3A_422 : memref<496x128xf32, #tpu.memory_space<vmem>>[vector<16xi32>, vector<16xi32>], vector<16xf32>, vector<16xi1>
    %get3A_426 = arith.constant 144 : index
    %get3A_427 = tpu.vector_load %arg6[%get3A_426] {strides = array<i32>} : memref<512xi32, #tpu.memory_space<vmem>>, vector<16xi32>,
    %add3A_428 = arith.constant 16 : i32
    %add3A_429 = vector.broadcast %add3A_428 : i32 to vector<16xi32>
    %add3A_430 = arith.addi %iota3A, %add3A_429 : vector<16xi32>
    %ge3A_431 = arith.constant 504 : i32
    %ge3A_432 = vector.broadcast %ge3A_431 : i32 to vector<16xi32>
    %ge3A_433 = arith.cmpi sge, %get3A_427, %ge3A_432 : vector<16xi32>
    %sub3A_434 = arith.constant 504 : i32
    %sub3A_435 = vector.broadcast %sub3A_434 : i32 to vector<16xi32>
    %sub3A_436 = arith.subi %get3A_427, %sub3A_435 : vector<16xi32>
    tpu.vector_store_idx %arg5[%sub3A_436, %add3A_430], %broadcast_in_dim3A_8 masked %ge3A_433 : memref<496x128xf32, #tpu.memory_space<vmem>>[vector<16xi32>, vector<16xi32>], vector<16xf32>, vector<16xi1>
    %get3A_437 = arith.constant 160 : index
    %get3A_438 = tpu.vector_load %arg6[%get3A_437] {strides = array<i32>} : memref<512xi32, #tpu.memory_space<vmem>>, vector<16xi32>,
    %add3A_439 = arith.constant 32 : i32
    %add3A_440 = vector.broadcast %add3A_439 : i32 to vector<16xi32>
    %add3A_441 = arith.addi %iota3A, %add3A_440 : vector<16xi32>
    %ge3A_442 = arith.constant 504 : i32
    %ge3A_443 = vector.broadcast %ge3A_442 : i32 to vector<16xi32>
    %ge3A_444 = arith.cmpi sge, %get3A_438, %ge3A_443 : vector<16xi32>
    %sub3A_445 = arith.constant 504 : i32
    %sub3A_446 = vector.broadcast %sub3A_445 : i32 to vector<16xi32>
    %sub3A_447 = arith.subi %get3A_438, %sub3A_446 : vector<16xi32>
    tpu.vector_store_idx %arg5[%sub3A_447, %add3A_441], %broadcast_in_dim3A_8 masked %ge3A_444 : memref<496x128xf32, #tpu.memory_space<vmem>>[vector<16xi32>, vector<16xi32>], vector<16xf32>, vector<16xi1>
    %get3A_448 = arith.constant 176 : index
    %get3A_449 = tpu.vector_load %arg6[%get3A_448] {strides = array<i32>} : memref<512xi32, #tpu.memory_space<vmem>>, vector<16xi32>,
    %add3A_450 = arith.constant 48 : i32
    %add3A_451 = vector.broadcast %add3A_450 : i32 to vector<16xi32>
    %add3A_452 = arith.addi %iota3A, %add3A_451 : vector<16xi32>
    %ge3A_453 = arith.constant 504 : i32
    %ge3A_454 = vector.broadcast %ge3A_453 : i32 to vector<16xi32>
    %ge3A_455 = arith.cmpi sge, %get3A_449, %ge3A_454 : vector<16xi32>
    %sub3A_456 = arith.constant 504 : i32
    %sub3A_457 = vector.broadcast %sub3A_456 : i32 to vector<16xi32>
    %sub3A_458 = arith.subi %get3A_449, %sub3A_457 : vector<16xi32>
    tpu.vector_store_idx %arg5[%sub3A_458, %add3A_452], %broadcast_in_dim3A_8 masked %ge3A_455 : memref<496x128xf32, #tpu.memory_space<vmem>>[vector<16xi32>, vector<16xi32>], vector<16xf32>, vector<16xi1>
    %get3A_459 = arith.constant 192 : index
    %get3A_460 = tpu.vector_load %arg6[%get3A_459] {strides = array<i32>} : memref<512xi32, #tpu.memory_space<vmem>>, vector<16xi32>,
    %add3A_461 = arith.constant 64 : i32
    %add3A_462 = vector.broadcast %add3A_461 : i32 to vector<16xi32>
    %add3A_463 = arith.addi %iota3A, %add3A_462 : vector<16xi32>
    %ge3A_464 = arith.constant 504 : i32
    %ge3A_465 = vector.broadcast %ge3A_464 : i32 to vector<16xi32>
    %ge3A_466 = arith.cmpi sge, %get3A_460, %ge3A_465 : vector<16xi32>
    %sub3A_467 = arith.constant 504 : i32
    %sub3A_468 = vector.broadcast %sub3A_467 : i32 to vector<16xi32>
    %sub3A_469 = arith.subi %get3A_460, %sub3A_468 : vector<16xi32>
    tpu.vector_store_idx %arg5[%sub3A_469, %add3A_463], %broadcast_in_dim3A_8 masked %ge3A_466 : memref<496x128xf32, #tpu.memory_space<vmem>>[vector<16xi32>, vector<16xi32>], vector<16xf32>, vector<16xi1>
    %get3A_470 = arith.constant 208 : index
    %get3A_471 = tpu.vector_load %arg6[%get3A_470] {strides = array<i32>} : memref<512xi32, #tpu.memory_space<vmem>>, vector<16xi32>,
    %add3A_472 = arith.constant 80 : i32
    %add3A_473 = vector.broadcast %add3A_472 : i32 to vector<16xi32>
    %add3A_474 = arith.addi %iota3A, %add3A_473 : vector<16xi32>
    %ge3A_475 = arith.constant 504 : i32
    %ge3A_476 = vector.broadcast %ge3A_475 : i32 to vector<16xi32>
    %ge3A_477 = arith.cmpi sge, %get3A_471, %ge3A_476 : vector<16xi32>
    %sub3A_478 = arith.constant 504 : i32
    %sub3A_479 = vector.broadcast %sub3A_478 : i32 to vector<16xi32>
    %sub3A_480 = arith.subi %get3A_471, %sub3A_479 : vector<16xi32>
    tpu.vector_store_idx %arg5[%sub3A_480, %add3A_474], %broadcast_in_dim3A_8 masked %ge3A_477 : memref<496x128xf32, #tpu.memory_space<vmem>>[vector<16xi32>, vector<16xi32>], vector<16xf32>, vector<16xi1>
    %get3A_481 = arith.constant 224 : index
    %get3A_482 = tpu.vector_load %arg6[%get3A_481] {strides = array<i32>} : memref<512xi32, #tpu.memory_space<vmem>>, vector<16xi32>,
    %add3A_483 = arith.constant 96 : i32
    %add3A_484 = vector.broadcast %add3A_483 : i32 to vector<16xi32>
    %add3A_485 = arith.addi %iota3A, %add3A_484 : vector<16xi32>
    %ge3A_486 = arith.constant 504 : i32
    %ge3A_487 = vector.broadcast %ge3A_486 : i32 to vector<16xi32>
    %ge3A_488 = arith.cmpi sge, %get3A_482, %ge3A_487 : vector<16xi32>
    %sub3A_489 = arith.constant 504 : i32
    %sub3A_490 = vector.broadcast %sub3A_489 : i32 to vector<16xi32>
    %sub3A_491 = arith.subi %get3A_482, %sub3A_490 : vector<16xi32>
    tpu.vector_store_idx %arg5[%sub3A_491, %add3A_485], %broadcast_in_dim3A_8 masked %ge3A_488 : memref<496x128xf32, #tpu.memory_space<vmem>>[vector<16xi32>, vector<16xi32>], vector<16xf32>, vector<16xi1>
    %get3A_492 = arith.constant 240 : index
    %get3A_493 = tpu.vector_load %arg6[%get3A_492] {strides = array<i32>} : memref<512xi32, #tpu.memory_space<vmem>>, vector<16xi32>,
    %add3A_494 = arith.constant 112 : i32
    %add3A_495 = vector.broadcast %add3A_494 : i32 to vector<16xi32>
    %add3A_496 = arith.addi %iota3A, %add3A_495 : vector<16xi32>
    %ge3A_497 = arith.constant 504 : i32
    %ge3A_498 = vector.broadcast %ge3A_497 : i32 to vector<16xi32>
    %ge3A_499 = arith.cmpi sge, %get3A_493, %ge3A_498 : vector<16xi32>
    %sub3A_500 = arith.constant 504 : i32
    %sub3A_501 = vector.broadcast %sub3A_500 : i32 to vector<16xi32>
    %sub3A_502 = arith.subi %get3A_493, %sub3A_501 : vector<16xi32>
    tpu.vector_store_idx %arg5[%sub3A_502, %add3A_496], %broadcast_in_dim3A_8 masked %ge3A_499 : memref<496x128xf32, #tpu.memory_space<vmem>>[vector<16xi32>, vector<16xi32>], vector<16xf32>, vector<16xi1>
    %add3A_503 = arith.constant 128 : i32
    %add3A_504 = arith.addi %mul3A_2, %add3A_503 : i32
    %dma_start3A_505 = arith.constant 504 : i32
    %dma_start3A_506 = tpu.memref_slice %arg3[%dma_start3A_505, %add3A_504] : memref<1000x16384xf32, #tpu.memory_space<hbm>> -> memref<496x128xf32, #tpu.memory_space<hbm>>
    %dma_start3A_507 = arith.constant 504 : i32
    %dma_start3A_508 = tpu.memref_slice %arg3[%dma_start3A_507, %add3A_504] : memref<1000x16384xf32, #tpu.memory_space<hbm>> -> memref<496x128xf32, #tpu.memory_space<hbm>>
    tpu.enqueue_dma source(%arg5 : memref<496x128xf32, #tpu.memory_space<vmem>>) target(%dma_start3A_508 : memref<496x128xf32, #tpu.memory_space<hbm>>) target_semaphore(%arg8 : memref<!tpu.dma_semaphore, #tpu.memory_space<semaphore_mem>>)
    %add3A_509 = arith.constant 128 : i32
    %add3A_510 = arith.addi %mul3A_2, %add3A_509 : i32
    %dma_wait3A_511 = arith.constant 0 : i32
    %dma_wait3A_512 = tpu.memref_slice %arg3[%dma_wait3A_511, %add3A_510] : memref<1000x16384xf32, #tpu.memory_space<hbm>> -> memref<504x128xf32, #tpu.memory_space<hbm>>
    %dma_wait3A_513 = arith.constant 0 : i32
    %dma_wait3A_514 = tpu.memref_slice %arg3[%dma_wait3A_513, %add3A_510] : memref<1000x16384xf32, #tpu.memory_space<hbm>> -> memref<504x128xf32, #tpu.memory_space<hbm>>
    tpu.wait_dma2 semaphore(%arg7 : memref<!tpu.dma_semaphore, #tpu.memory_space<semaphore_mem>>) src(%arg4 : memref<504x128xf32, #tpu.memory_space<vmem>>) dst(%dma_wait3A_514 : memref<504x128xf32, #tpu.memory_space<hbm>>)
    %get3A_515 = arith.constant 128 : index
    %get3A_516 = tpu.vector_load %arg6[%get3A_515] {strides = array<i32>} : memref<512xi32, #tpu.memory_space<vmem>>, vector<16xi32>,
    %add3A_517 = arith.constant 0 : i32
    %add3A_518 = vector.broadcast %add3A_517 : i32 to vector<16xi32>
    %add3A_519 = arith.addi %iota3A, %add3A_518 : vector<16xi32>
    %lt3A_520 = arith.constant 504 : i32
    %lt3A_521 = vector.broadcast %lt3A_520 : i32 to vector<16xi32>
    %lt3A_522 = arith.cmpi slt, %get3A_516, %lt3A_521 : vector<16xi32>
    tpu.vector_store_idx %arg4[%get3A_516, %add3A_519], %broadcast_in_dim3A_6 masked %lt3A_522 : memref<504x128xf32, #tpu.memory_space<vmem>>[vector<16xi32>, vector<16xi32>], vector<16xf32>, vector<16xi1>
    %get3A_523 = arith.constant 144 : index
    %get3A_524 = tpu.vector_load %arg6[%get3A_523] {strides = array<i32>} : memref<512xi32, #tpu.memory_space<vmem>>, vector<16xi32>,
    %add3A_525 = arith.constant 16 : i32
    %add3A_526 = vector.broadcast %add3A_525 : i32 to vector<16xi32>
    %add3A_527 = arith.addi %iota3A, %add3A_526 : vector<16xi32>
    %lt3A_528 = arith.constant 504 : i32
    %lt3A_529 = vector.broadcast %lt3A_528 : i32 to vector<16xi32>
    %lt3A_530 = arith.cmpi slt, %get3A_524, %lt3A_529 : vector<16xi32>
    tpu.vector_store_idx %arg4[%get3A_524, %add3A_527], %broadcast_in_dim3A_6 masked %lt3A_530 : memref<504x128xf32, #tpu.memory_space<vmem>>[vector<16xi32>, vector<16xi32>], vector<16xf32>, vector<16xi1>
    %get3A_531 = arith.constant 160 : index
    %get3A_532 = tpu.vector_load %arg6[%get3A_531] {strides = array<i32>} : memref<512xi32, #tpu.memory_space<vmem>>, vector<16xi32>,
    %add3A_533 = arith.constant 32 : i32
    %add3A_534 = vector.broadcast %add3A_533 : i32 to vector<16xi32>
    %add3A_535 = arith.addi %iota3A, %add3A_534 : vector<16xi32>
    %lt3A_536 = arith.constant 504 : i32
    %lt3A_537 = vector.broadcast %lt3A_536 : i32 to vector<16xi32>
    %lt3A_538 = arith.cmpi slt, %get3A_532, %lt3A_537 : vector<16xi32>
    tpu.vector_store_idx %arg4[%get3A_532, %add3A_535], %broadcast_in_dim3A_6 masked %lt3A_538 : memref<504x128xf32, #tpu.memory_space<vmem>>[vector<16xi32>, vector<16xi32>], vector<16xf32>, vector<16xi1>
    %get3A_539 = arith.constant 176 : index
    %get3A_540 = tpu.vector_load %arg6[%get3A_539] {strides = array<i32>} : memref<512xi32, #tpu.memory_space<vmem>>, vector<16xi32>,
    %add3A_541 = arith.constant 48 : i32
    %add3A_542 = vector.broadcast %add3A_541 : i32 to vector<16xi32>
    %add3A_543 = arith.addi %iota3A, %add3A_542 : vector<16xi32>
    %lt3A_544 = arith.constant 504 : i32
    %lt3A_545 = vector.broadcast %lt3A_544 : i32 to vector<16xi32>
    %lt3A_546 = arith.cmpi slt, %get3A_540, %lt3A_545 : vector<16xi32>
    tpu.vector_store_idx %arg4[%get3A_540, %add3A_543], %broadcast_in_dim3A_6 masked %lt3A_546 : memref<504x128xf32, #tpu.memory_space<vmem>>[vector<16xi32>, vector<16xi32>], vector<16xf32>, vector<16xi1>
    %get3A_547 = arith.constant 192 : index
    %get3A_548 = tpu.vector_load %arg6[%get3A_547] {strides = array<i32>} : memref<512xi32, #tpu.memory_space<vmem>>, vector<16xi32>,
    %add3A_549 = arith.constant 64 : i32
    %add3A_550 = vector.broadcast %add3A_549 : i32 to vector<16xi32>
    %add3A_551 = arith.addi %iota3A, %add3A_550 : vector<16xi32>
    %lt3A_552 = arith.constant 504 : i32
    %lt3A_553 = vector.broadcast %lt3A_552 : i32 to vector<16xi32>
    %lt3A_554 = arith.cmpi slt, %get3A_548, %lt3A_553 : vector<16xi32>
    tpu.vector_store_idx %arg4[%get3A_548, %add3A_551], %broadcast_in_dim3A_6 masked %lt3A_554 : memref<504x128xf32, #tpu.memory_space<vmem>>[vector<16xi32>, vector<16xi32>], vector<16xf32>, vector<16xi1>
    %get3A_555 = arith.constant 208 : index
    %get3A_556 = tpu.vector_load %arg6[%get3A_555] {strides = array<i32>} : memref<512xi32, #tpu.memory_space<vmem>>, vector<16xi32>,
    %add3A_557 = arith.constant 80 : i32
    %add3A_558 = vector.broadcast %add3A_557 : i32 to vector<16xi32>
    %add3A_559 = arith.addi %iota3A, %add3A_558 : vector<16xi32>
    %lt3A_560 = arith.constant 504 : i32
    %lt3A_561 = vector.broadcast %lt3A_560 : i32 to vector<16xi32>
    %lt3A_562 = arith.cmpi slt, %get3A_556, %lt3A_561 : vector<16xi32>
    tpu.vector_store_idx %arg4[%get3A_556, %add3A_559], %broadcast_in_dim3A_6 masked %lt3A_562 : memref<504x128xf32, #tpu.memory_space<vmem>>[vector<16xi32>, vector<16xi32>], vector<16xf32>, vector<16xi1>
    %get3A_563 = arith.constant 224 : index
    %get3A_564 = tpu.vector_load %arg6[%get3A_563] {strides = array<i32>} : memref<512xi32, #tpu.memory_space<vmem>>, vector<16xi32>,
    %add3A_565 = arith.constant 96 : i32
    %add3A_566 = vector.broadcast %add3A_565 : i32 to vector<16xi32>
    %add3A_567 = arith.addi %iota3A, %add3A_566 : vector<16xi32>
    %lt3A_568 = arith.constant 504 : i32
    %lt3A_569 = vector.broadcast %lt3A_568 : i32 to vector<16xi32>
    %lt3A_570 = arith.cmpi slt, %get3A_564, %lt3A_569 : vector<16xi32>
    tpu.vector_store_idx %arg4[%get3A_564, %add3A_567], %broadcast_in_dim3A_6 masked %lt3A_570 : memref<504x128xf32, #tpu.memory_space<vmem>>[vector<16xi32>, vector<16xi32>], vector<16xf32>, vector<16xi1>
    %get3A_571 = arith.constant 240 : index
    %get3A_572 = tpu.vector_load %arg6[%get3A_571] {strides = array<i32>} : memref<512xi32, #tpu.memory_space<vmem>>, vector<16xi32>,
    %add3A_573 = arith.constant 112 : i32
    %add3A_574 = vector.broadcast %add3A_573 : i32 to vector<16xi32>
    %add3A_575 = arith.addi %iota3A, %add3A_574 : vector<16xi32>
    %lt3A_576 = arith.constant 504 : i32
    %lt3A_577 = vector.broadcast %lt3A_576 : i32 to vector<16xi32>
    %lt3A_578 = arith.cmpi slt, %get3A_572, %lt3A_577 : vector<16xi32>
    tpu.vector_store_idx %arg4[%get3A_572, %add3A_575], %broadcast_in_dim3A_6 masked %lt3A_578 : memref<504x128xf32, #tpu.memory_space<vmem>>[vector<16xi32>, vector<16xi32>], vector<16xf32>, vector<16xi1>
    %get3A_579 = arith.constant 256 : index
    %get3A_580 = tpu.vector_load %arg6[%get3A_579] {strides = array<i32>} : memref<512xi32, #tpu.memory_space<vmem>>, vector<16xi32>,
    %add3A_581 = arith.constant 0 : i32
    %add3A_582 = vector.broadcast %add3A_581 : i32 to vector<16xi32>
    %add3A_583 = arith.addi %iota3A, %add3A_582 : vector<16xi32>
    %lt3A_584 = arith.constant 504 : i32
    %lt3A_585 = vector.broadcast %lt3A_584 : i32 to vector<16xi32>
    %lt3A_586 = arith.cmpi slt, %get3A_580, %lt3A_585 : vector<16xi32>
    tpu.vector_store_idx %arg4[%get3A_580, %add3A_583], %broadcast_in_dim3A_8 masked %lt3A_586 : memref<504x128xf32, #tpu.memory_space<vmem>>[vector<16xi32>, vector<16xi32>], vector<16xf32>, vector<16xi1>
    %get3A_587 = arith.constant 272 : index
    %get3A_588 = tpu.vector_load %arg6[%get3A_587] {strides = array<i32>} : memref<512xi32, #tpu.memory_space<vmem>>, vector<16xi32>,
    %add3A_589 = arith.constant 16 : i32
    %add3A_590 = vector.broadcast %add3A_589 : i32 to vector<16xi32>
    %add3A_591 = arith.addi %iota3A, %add3A_590 : vector<16xi32>
    %lt3A_592 = arith.constant 504 : i32
    %lt3A_593 = vector.broadcast %lt3A_592 : i32 to vector<16xi32>
    %lt3A_594 = arith.cmpi slt, %get3A_588, %lt3A_593 : vector<16xi32>
    tpu.vector_store_idx %arg4[%get3A_588, %add3A_591], %broadcast_in_dim3A_8 masked %lt3A_594 : memref<504x128xf32, #tpu.memory_space<vmem>>[vector<16xi32>, vector<16xi32>], vector<16xf32>, vector<16xi1>
    %get3A_595 = arith.constant 288 : index
    %get3A_596 = tpu.vector_load %arg6[%get3A_595] {strides = array<i32>} : memref<512xi32, #tpu.memory_space<vmem>>, vector<16xi32>,
    %add3A_597 = arith.constant 32 : i32
    %add3A_598 = vector.broadcast %add3A_597 : i32 to vector<16xi32>
    %add3A_599 = arith.addi %iota3A, %add3A_598 : vector<16xi32>
    %lt3A_600 = arith.constant 504 : i32
    %lt3A_601 = vector.broadcast %lt3A_600 : i32 to vector<16xi32>
    %lt3A_602 = arith.cmpi slt, %get3A_596, %lt3A_601 : vector<16xi32>
    tpu.vector_store_idx %arg4[%get3A_596, %add3A_599], %broadcast_in_dim3A_8 masked %lt3A_602 : memref<504x128xf32, #tpu.memory_space<vmem>>[vector<16xi32>, vector<16xi32>], vector<16xf32>, vector<16xi1>
    %get3A_603 = arith.constant 304 : index
    %get3A_604 = tpu.vector_load %arg6[%get3A_603] {strides = array<i32>} : memref<512xi32, #tpu.memory_space<vmem>>, vector<16xi32>,
    %add3A_605 = arith.constant 48 : i32
    %add3A_606 = vector.broadcast %add3A_605 : i32 to vector<16xi32>
    %add3A_607 = arith.addi %iota3A, %add3A_606 : vector<16xi32>
    %lt3A_608 = arith.constant 504 : i32
    %lt3A_609 = vector.broadcast %lt3A_608 : i32 to vector<16xi32>
    %lt3A_610 = arith.cmpi slt, %get3A_604, %lt3A_609 : vector<16xi32>
    tpu.vector_store_idx %arg4[%get3A_604, %add3A_607], %broadcast_in_dim3A_8 masked %lt3A_610 : memref<504x128xf32, #tpu.memory_space<vmem>>[vector<16xi32>, vector<16xi32>], vector<16xf32>, vector<16xi1>
    %get3A_611 = arith.constant 320 : index
    %get3A_612 = tpu.vector_load %arg6[%get3A_611] {strides = array<i32>} : memref<512xi32, #tpu.memory_space<vmem>>, vector<16xi32>,
    %add3A_613 = arith.constant 64 : i32
    %add3A_614 = vector.broadcast %add3A_613 : i32 to vector<16xi32>
    %add3A_615 = arith.addi %iota3A, %add3A_614 : vector<16xi32>
    %lt3A_616 = arith.constant 504 : i32
    %lt3A_617 = vector.broadcast %lt3A_616 : i32 to vector<16xi32>
    %lt3A_618 = arith.cmpi slt, %get3A_612, %lt3A_617 : vector<16xi32>
    tpu.vector_store_idx %arg4[%get3A_612, %add3A_615], %broadcast_in_dim3A_8 masked %lt3A_618 : memref<504x128xf32, #tpu.memory_space<vmem>>[vector<16xi32>, vector<16xi32>], vector<16xf32>, vector<16xi1>
    %get3A_619 = arith.constant 336 : index
    %get3A_620 = tpu.vector_load %arg6[%get3A_619] {strides = array<i32>} : memref<512xi32, #tpu.memory_space<vmem>>, vector<16xi32>,
    %add3A_621 = arith.constant 80 : i32
    %add3A_622 = vector.broadcast %add3A_621 : i32 to vector<16xi32>
    %add3A_623 = arith.addi %iota3A, %add3A_622 : vector<16xi32>
    %lt3A_624 = arith.constant 504 : i32
    %lt3A_625 = vector.broadcast %lt3A_624 : i32 to vector<16xi32>
    %lt3A_626 = arith.cmpi slt, %get3A_620, %lt3A_625 : vector<16xi32>
    tpu.vector_store_idx %arg4[%get3A_620, %add3A_623], %broadcast_in_dim3A_8 masked %lt3A_626 : memref<504x128xf32, #tpu.memory_space<vmem>>[vector<16xi32>, vector<16xi32>], vector<16xf32>, vector<16xi1>
    %get3A_627 = arith.constant 352 : index
    %get3A_628 = tpu.vector_load %arg6[%get3A_627] {strides = array<i32>} : memref<512xi32, #tpu.memory_space<vmem>>, vector<16xi32>,
    %add3A_629 = arith.constant 96 : i32
    %add3A_630 = vector.broadcast %add3A_629 : i32 to vector<16xi32>
    %add3A_631 = arith.addi %iota3A, %add3A_630 : vector<16xi32>
    %lt3A_632 = arith.constant 504 : i32
    %lt3A_633 = vector.broadcast %lt3A_632 : i32 to vector<16xi32>
    %lt3A_634 = arith.cmpi slt, %get3A_628, %lt3A_633 : vector<16xi32>
    tpu.vector_store_idx %arg4[%get3A_628, %add3A_631], %broadcast_in_dim3A_8 masked %lt3A_634 : memref<504x128xf32, #tpu.memory_space<vmem>>[vector<16xi32>, vector<16xi32>], vector<16xf32>, vector<16xi1>
    %get3A_635 = arith.constant 368 : index
    %get3A_636 = tpu.vector_load %arg6[%get3A_635] {strides = array<i32>} : memref<512xi32, #tpu.memory_space<vmem>>, vector<16xi32>,
    %add3A_637 = arith.constant 112 : i32
    %add3A_638 = vector.broadcast %add3A_637 : i32 to vector<16xi32>
    %add3A_639 = arith.addi %iota3A, %add3A_638 : vector<16xi32>
    %lt3A_640 = arith.constant 504 : i32
    %lt3A_641 = vector.broadcast %lt3A_640 : i32 to vector<16xi32>
    %lt3A_642 = arith.cmpi slt, %get3A_636, %lt3A_641 : vector<16xi32>
    tpu.vector_store_idx %arg4[%get3A_636, %add3A_639], %broadcast_in_dim3A_8 masked %lt3A_642 : memref<504x128xf32, #tpu.memory_space<vmem>>[vector<16xi32>, vector<16xi32>], vector<16xf32>, vector<16xi1>
    %add3A_643 = arith.constant 256 : i32
    %add3A_644 = arith.addi %mul3A_2, %add3A_643 : i32
    %dma_start3A_645 = arith.constant 0 : i32
    %dma_start3A_646 = tpu.memref_slice %arg3[%dma_start3A_645, %add3A_644] : memref<1000x16384xf32, #tpu.memory_space<hbm>> -> memref<504x128xf32, #tpu.memory_space<hbm>>
    %dma_start3A_647 = arith.constant 0 : i32
    %dma_start3A_648 = tpu.memref_slice %arg3[%dma_start3A_647, %add3A_644] : memref<1000x16384xf32, #tpu.memory_space<hbm>> -> memref<504x128xf32, #tpu.memory_space<hbm>>
    tpu.enqueue_dma source(%arg4 : memref<504x128xf32, #tpu.memory_space<vmem>>) target(%dma_start3A_648 : memref<504x128xf32, #tpu.memory_space<hbm>>) target_semaphore(%arg7 : memref<!tpu.dma_semaphore, #tpu.memory_space<semaphore_mem>>)
    %add3A_649 = arith.constant 128 : i32
    %add3A_650 = arith.addi %mul3A_2, %add3A_649 : i32
    %dma_wait3A_651 = arith.constant 504 : i32
    %dma_wait3A_652 = tpu.memref_slice %arg3[%dma_wait3A_651, %add3A_650] : memref<1000x16384xf32, #tpu.memory_space<hbm>> -> memref<496x128xf32, #tpu.memory_space<hbm>>
    %dma_wait3A_653 = arith.constant 504 : i32
    %dma_wait3A_654 = tpu.memref_slice %arg3[%dma_wait3A_653, %add3A_650] : memref<1000x16384xf32, #tpu.memory_space<hbm>> -> memref<496x128xf32, #tpu.memory_space<hbm>>
    tpu.wait_dma2 semaphore(%arg8 : memref<!tpu.dma_semaphore, #tpu.memory_space<semaphore_mem>>) src(%arg5 : memref<496x128xf32, #tpu.memory_space<vmem>>) dst(%dma_wait3A_654 : memref<496x128xf32, #tpu.memory_space<hbm>>)
    %get3A_655 = arith.constant 128 : index
    %get3A_656 = tpu.vector_load %arg6[%get3A_655] {strides = array<i32>} : memref<512xi32, #tpu.memory_space<vmem>>, vector<16xi32>,
    %add3A_657 = arith.constant 0 : i32
    %add3A_658 = vector.broadcast %add3A_657 : i32 to vector<16xi32>
    %add3A_659 = arith.addi %iota3A, %add3A_658 : vector<16xi32>
    %ge3A_660 = arith.constant 504 : i32
    %ge3A_661 = vector.broadcast %ge3A_660 : i32 to vector<16xi32>
    %ge3A_662 = arith.cmpi sge, %get3A_656, %ge3A_661 : vector<16xi32>
    %sub3A_663 = arith.constant 504 : i32
    %sub3A_664 = vector.broadcast %sub3A_663 : i32 to vector<16xi32>
    %sub3A_665 = arith.subi %get3A_656, %sub3A_664 : vector<16xi32>
    tpu.vector_store_idx %arg5[%sub3A_665, %add3A_659], %broadcast_in_dim3A_6 masked %ge3A_662 : memref<496x128xf32, #tpu.memory_space<vmem>>[vector<16xi32>, vector<16xi32>], vector<16xf32>, vector<16xi1>
    %get3A_666 = arith.constant 144 : index
    %get3A_667 = tpu.vector_load %arg6[%get3A_666] {strides = array<i32>} : memref<512xi32, #tpu.memory_space<vmem>>, vector<16xi32>,
    %add3A_668 = arith.constant 16 : i32
    %add3A_669 = vector.broadcast %add3A_668 : i32 to vector<16xi32>
    %add3A_670 = arith.addi %iota3A, %add3A_669 : vector<16xi32>
    %ge3A_671 = arith.constant 504 : i32
    %ge3A_672 = vector.broadcast %ge3A_671 : i32 to vector<16xi32>
    %ge3A_673 = arith.cmpi sge, %get3A_667, %ge3A_672 : vector<16xi32>
    %sub3A_674 = arith.constant 504 : i32
    %sub3A_675 = vector.broadcast %sub3A_674 : i32 to vector<16xi32>
    %sub3A_676 = arith.subi %get3A_667, %sub3A_675 : vector<16xi32>
    tpu.vector_store_idx %arg5[%sub3A_676, %add3A_670], %broadcast_in_dim3A_6 masked %ge3A_673 : memref<496x128xf32, #tpu.memory_space<vmem>>[vector<16xi32>, vector<16xi32>], vector<16xf32>, vector<16xi1>
    %get3A_677 = arith.constant 160 : index
    %get3A_678 = tpu.vector_load %arg6[%get3A_677] {strides = array<i32>} : memref<512xi32, #tpu.memory_space<vmem>>, vector<16xi32>,
    %add3A_679 = arith.constant 32 : i32
    %add3A_680 = vector.broadcast %add3A_679 : i32 to vector<16xi32>
    %add3A_681 = arith.addi %iota3A, %add3A_680 : vector<16xi32>
    %ge3A_682 = arith.constant 504 : i32
    %ge3A_683 = vector.broadcast %ge3A_682 : i32 to vector<16xi32>
    %ge3A_684 = arith.cmpi sge, %get3A_678, %ge3A_683 : vector<16xi32>
    %sub3A_685 = arith.constant 504 : i32
    %sub3A_686 = vector.broadcast %sub3A_685 : i32 to vector<16xi32>
    %sub3A_687 = arith.subi %get3A_678, %sub3A_686 : vector<16xi32>
    tpu.vector_store_idx %arg5[%sub3A_687, %add3A_681], %broadcast_in_dim3A_6 masked %ge3A_684 : memref<496x128xf32, #tpu.memory_space<vmem>>[vector<16xi32>, vector<16xi32>], vector<16xf32>, vector<16xi1>
    %get3A_688 = arith.constant 176 : index
    %get3A_689 = tpu.vector_load %arg6[%get3A_688] {strides = array<i32>} : memref<512xi32, #tpu.memory_space<vmem>>, vector<16xi32>,
    %add3A_690 = arith.constant 48 : i32
    %add3A_691 = vector.broadcast %add3A_690 : i32 to vector<16xi32>
    %add3A_692 = arith.addi %iota3A, %add3A_691 : vector<16xi32>
    %ge3A_693 = arith.constant 504 : i32
    %ge3A_694 = vector.broadcast %ge3A_693 : i32 to vector<16xi32>
    %ge3A_695 = arith.cmpi sge, %get3A_689, %ge3A_694 : vector<16xi32>
    %sub3A_696 = arith.constant 504 : i32
    %sub3A_697 = vector.broadcast %sub3A_696 : i32 to vector<16xi32>
    %sub3A_698 = arith.subi %get3A_689, %sub3A_697 : vector<16xi32>
    tpu.vector_store_idx %arg5[%sub3A_698, %add3A_692], %broadcast_in_dim3A_6 masked %ge3A_695 : memref<496x128xf32, #tpu.memory_space<vmem>>[vector<16xi32>, vector<16xi32>], vector<16xf32>, vector<16xi1>
    %get3A_699 = arith.constant 192 : index
    %get3A_700 = tpu.vector_load %arg6[%get3A_699] {strides = array<i32>} : memref<512xi32, #tpu.memory_space<vmem>>, vector<16xi32>,
    %add3A_701 = arith.constant 64 : i32
    %add3A_702 = vector.broadcast %add3A_701 : i32 to vector<16xi32>
    %add3A_703 = arith.addi %iota3A, %add3A_702 : vector<16xi32>
    %ge3A_704 = arith.constant 504 : i32
    %ge3A_705 = vector.broadcast %ge3A_704 : i32 to vector<16xi32>
    %ge3A_706 = arith.cmpi sge, %get3A_700, %ge3A_705 : vector<16xi32>
    %sub3A_707 = arith.constant 504 : i32
    %sub3A_708 = vector.broadcast %sub3A_707 : i32 to vector<16xi32>
    %sub3A_709 = arith.subi %get3A_700, %sub3A_708 : vector<16xi32>
    tpu.vector_store_idx %arg5[%sub3A_709, %add3A_703], %broadcast_in_dim3A_6 masked %ge3A_706 : memref<496x128xf32, #tpu.memory_space<vmem>>[vector<16xi32>, vector<16xi32>], vector<16xf32>, vector<16xi1>
    %get3A_710 = arith.constant 208 : index
    %get3A_711 = tpu.vector_load %arg6[%get3A_710] {strides = array<i32>} : memref<512xi32, #tpu.memory_space<vmem>>, vector<16xi32>,
    %add3A_712 = arith.constant 80 : i32
    %add3A_713 = vector.broadcast %add3A_712 : i32 to vector<16xi32>
    %add3A_714 = arith.addi %iota3A, %add3A_713 : vector<16xi32>
    %ge3A_715 = arith.constant 504 : i32
    %ge3A_716 = vector.broadcast %ge3A_715 : i32 to vector<16xi32>
    %ge3A_717 = arith.cmpi sge, %get3A_711, %ge3A_716 : vector<16xi32>
    %sub3A_718 = arith.constant 504 : i32
    %sub3A_719 = vector.broadcast %sub3A_718 : i32 to vector<16xi32>
    %sub3A_720 = arith.subi %get3A_711, %sub3A_719 : vector<16xi32>
    tpu.vector_store_idx %arg5[%sub3A_720, %add3A_714], %broadcast_in_dim3A_6 masked %ge3A_717 : memref<496x128xf32, #tpu.memory_space<vmem>>[vector<16xi32>, vector<16xi32>], vector<16xf32>, vector<16xi1>
    %get3A_721 = arith.constant 224 : index
    %get3A_722 = tpu.vector_load %arg6[%get3A_721] {strides = array<i32>} : memref<512xi32, #tpu.memory_space<vmem>>, vector<16xi32>,
    %add3A_723 = arith.constant 96 : i32
    %add3A_724 = vector.broadcast %add3A_723 : i32 to vector<16xi32>
    %add3A_725 = arith.addi %iota3A, %add3A_724 : vector<16xi32>
    %ge3A_726 = arith.constant 504 : i32
    %ge3A_727 = vector.broadcast %ge3A_726 : i32 to vector<16xi32>
    %ge3A_728 = arith.cmpi sge, %get3A_722, %ge3A_727 : vector<16xi32>
    %sub3A_729 = arith.constant 504 : i32
    %sub3A_730 = vector.broadcast %sub3A_729 : i32 to vector<16xi32>
    %sub3A_731 = arith.subi %get3A_722, %sub3A_730 : vector<16xi32>
    tpu.vector_store_idx %arg5[%sub3A_731, %add3A_725], %broadcast_in_dim3A_6 masked %ge3A_728 : memref<496x128xf32, #tpu.memory_space<vmem>>[vector<16xi32>, vector<16xi32>], vector<16xf32>, vector<16xi1>
    %get3A_732 = arith.constant 240 : index
    %get3A_733 = tpu.vector_load %arg6[%get3A_732] {strides = array<i32>} : memref<512xi32, #tpu.memory_space<vmem>>, vector<16xi32>,
    %add3A_734 = arith.constant 112 : i32
    %add3A_735 = vector.broadcast %add3A_734 : i32 to vector<16xi32>
    %add3A_736 = arith.addi %iota3A, %add3A_735 : vector<16xi32>
    %ge3A_737 = arith.constant 504 : i32
    %ge3A_738 = vector.broadcast %ge3A_737 : i32 to vector<16xi32>
    %ge3A_739 = arith.cmpi sge, %get3A_733, %ge3A_738 : vector<16xi32>
    %sub3A_740 = arith.constant 504 : i32
    %sub3A_741 = vector.broadcast %sub3A_740 : i32 to vector<16xi32>
    %sub3A_742 = arith.subi %get3A_733, %sub3A_741 : vector<16xi32>
    tpu.vector_store_idx %arg5[%sub3A_742, %add3A_736], %broadcast_in_dim3A_6 masked %ge3A_739 : memref<496x128xf32, #tpu.memory_space<vmem>>[vector<16xi32>, vector<16xi32>], vector<16xf32>, vector<16xi1>
    %get3A_743 = arith.constant 256 : index
    %get3A_744 = tpu.vector_load %arg6[%get3A_743] {strides = array<i32>} : memref<512xi32, #tpu.memory_space<vmem>>, vector<16xi32>,
    %add3A_745 = arith.constant 0 : i32
    %add3A_746 = vector.broadcast %add3A_745 : i32 to vector<16xi32>
    %add3A_747 = arith.addi %iota3A, %add3A_746 : vector<16xi32>
    %ge3A_748 = arith.constant 504 : i32
    %ge3A_749 = vector.broadcast %ge3A_748 : i32 to vector<16xi32>
    %ge3A_750 = arith.cmpi sge, %get3A_744, %ge3A_749 : vector<16xi32>
    %sub3A_751 = arith.constant 504 : i32
    %sub3A_752 = vector.broadcast %sub3A_751 : i32 to vector<16xi32>
    %sub3A_753 = arith.subi %get3A_744, %sub3A_752 : vector<16xi32>
    tpu.vector_store_idx %arg5[%sub3A_753, %add3A_747], %broadcast_in_dim3A_8 masked %ge3A_750 : memref<496x128xf32, #tpu.memory_space<vmem>>[vector<16xi32>, vector<16xi32>], vector<16xf32>, vector<16xi1>
    %get3A_754 = arith.constant 272 : index
    %get3A_755 = tpu.vector_load %arg6[%get3A_754] {strides = array<i32>} : memref<512xi32, #tpu.memory_space<vmem>>, vector<16xi32>,
    %add3A_756 = arith.constant 16 : i32
    %add3A_757 = vector.broadcast %add3A_756 : i32 to vector<16xi32>
    %add3A_758 = arith.addi %iota3A, %add3A_757 : vector<16xi32>
    %ge3A_759 = arith.constant 504 : i32
    %ge3A_760 = vector.broadcast %ge3A_759 : i32 to vector<16xi32>
    %ge3A_761 = arith.cmpi sge, %get3A_755, %ge3A_760 : vector<16xi32>
    %sub3A_762 = arith.constant 504 : i32
    %sub3A_763 = vector.broadcast %sub3A_762 : i32 to vector<16xi32>
    %sub3A_764 = arith.subi %get3A_755, %sub3A_763 : vector<16xi32>
    tpu.vector_store_idx %arg5[%sub3A_764, %add3A_758], %broadcast_in_dim3A_8 masked %ge3A_761 : memref<496x128xf32, #tpu.memory_space<vmem>>[vector<16xi32>, vector<16xi32>], vector<16xf32>, vector<16xi1>
    %get3A_765 = arith.constant 288 : index
    %get3A_766 = tpu.vector_load %arg6[%get3A_765] {strides = array<i32>} : memref<512xi32, #tpu.memory_space<vmem>>, vector<16xi32>,
    %add3A_767 = arith.constant 32 : i32
    %add3A_768 = vector.broadcast %add3A_767 : i32 to vector<16xi32>
    %add3A_769 = arith.addi %iota3A, %add3A_768 : vector<16xi32>
    %ge3A_770 = arith.constant 504 : i32
    %ge3A_771 = vector.broadcast %ge3A_770 : i32 to vector<16xi32>
    %ge3A_772 = arith.cmpi sge, %get3A_766, %ge3A_771 : vector<16xi32>
    %sub3A_773 = arith.constant 504 : i32
    %sub3A_774 = vector.broadcast %sub3A_773 : i32 to vector<16xi32>
    %sub3A_775 = arith.subi %get3A_766, %sub3A_774 : vector<16xi32>
    tpu.vector_store_idx %arg5[%sub3A_775, %add3A_769], %broadcast_in_dim3A_8 masked %ge3A_772 : memref<496x128xf32, #tpu.memory_space<vmem>>[vector<16xi32>, vector<16xi32>], vector<16xf32>, vector<16xi1>
    %get3A_776 = arith.constant 304 : index
    %get3A_777 = tpu.vector_load %arg6[%get3A_776] {strides = array<i32>} : memref<512xi32, #tpu.memory_space<vmem>>, vector<16xi32>,
    %add3A_778 = arith.constant 48 : i32
    %add3A_779 = vector.broadcast %add3A_778 : i32 to vector<16xi32>
    %add3A_780 = arith.addi %iota3A, %add3A_779 : vector<16xi32>
    %ge3A_781 = arith.constant 504 : i32
    %ge3A_782 = vector.broadcast %ge3A_781 : i32 to vector<16xi32>
    %ge3A_783 = arith.cmpi sge, %get3A_777, %ge3A_782 : vector<16xi32>
    %sub3A_784 = arith.constant 504 : i32
    %sub3A_785 = vector.broadcast %sub3A_784 : i32 to vector<16xi32>
    %sub3A_786 = arith.subi %get3A_777, %sub3A_785 : vector<16xi32>
    tpu.vector_store_idx %arg5[%sub3A_786, %add3A_780], %broadcast_in_dim3A_8 masked %ge3A_783 : memref<496x128xf32, #tpu.memory_space<vmem>>[vector<16xi32>, vector<16xi32>], vector<16xf32>, vector<16xi1>
    %get3A_787 = arith.constant 320 : index
    %get3A_788 = tpu.vector_load %arg6[%get3A_787] {strides = array<i32>} : memref<512xi32, #tpu.memory_space<vmem>>, vector<16xi32>,
    %add3A_789 = arith.constant 64 : i32
    %add3A_790 = vector.broadcast %add3A_789 : i32 to vector<16xi32>
    %add3A_791 = arith.addi %iota3A, %add3A_790 : vector<16xi32>
    %ge3A_792 = arith.constant 504 : i32
    %ge3A_793 = vector.broadcast %ge3A_792 : i32 to vector<16xi32>
    %ge3A_794 = arith.cmpi sge, %get3A_788, %ge3A_793 : vector<16xi32>
    %sub3A_795 = arith.constant 504 : i32
    %sub3A_796 = vector.broadcast %sub3A_795 : i32 to vector<16xi32>
    %sub3A_797 = arith.subi %get3A_788, %sub3A_796 : vector<16xi32>
    tpu.vector_store_idx %arg5[%sub3A_797, %add3A_791], %broadcast_in_dim3A_8 masked %ge3A_794 : memref<496x128xf32, #tpu.memory_space<vmem>>[vector<16xi32>, vector<16xi32>], vector<16xf32>, vector<16xi1>
    %get3A_798 = arith.constant 336 : index
    %get3A_799 = tpu.vector_load %arg6[%get3A_798] {strides = array<i32>} : memref<512xi32, #tpu.memory_space<vmem>>, vector<16xi32>,
    %add3A_800 = arith.constant 80 : i32
    %add3A_801 = vector.broadcast %add3A_800 : i32 to vector<16xi32>
    %add3A_802 = arith.addi %iota3A, %add3A_801 : vector<16xi32>
    %ge3A_803 = arith.constant 504 : i32
    %ge3A_804 = vector.broadcast %ge3A_803 : i32 to vector<16xi32>
    %ge3A_805 = arith.cmpi sge, %get3A_799, %ge3A_804 : vector<16xi32>
    %sub3A_806 = arith.constant 504 : i32
    %sub3A_807 = vector.broadcast %sub3A_806 : i32 to vector<16xi32>
    %sub3A_808 = arith.subi %get3A_799, %sub3A_807 : vector<16xi32>
    tpu.vector_store_idx %arg5[%sub3A_808, %add3A_802], %broadcast_in_dim3A_8 masked %ge3A_805 : memref<496x128xf32, #tpu.memory_space<vmem>>[vector<16xi32>, vector<16xi32>], vector<16xf32>, vector<16xi1>
    %get3A_809 = arith.constant 352 : index
    %get3A_810 = tpu.vector_load %arg6[%get3A_809] {strides = array<i32>} : memref<512xi32, #tpu.memory_space<vmem>>, vector<16xi32>,
    %add3A_811 = arith.constant 96 : i32
    %add3A_812 = vector.broadcast %add3A_811 : i32 to vector<16xi32>
    %add3A_813 = arith.addi %iota3A, %add3A_812 : vector<16xi32>
    %ge3A_814 = arith.constant 504 : i32
    %ge3A_815 = vector.broadcast %ge3A_814 : i32 to vector<16xi32>
    %ge3A_816 = arith.cmpi sge, %get3A_810, %ge3A_815 : vector<16xi32>
    %sub3A_817 = arith.constant 504 : i32
    %sub3A_818 = vector.broadcast %sub3A_817 : i32 to vector<16xi32>
    %sub3A_819 = arith.subi %get3A_810, %sub3A_818 : vector<16xi32>
    tpu.vector_store_idx %arg5[%sub3A_819, %add3A_813], %broadcast_in_dim3A_8 masked %ge3A_816 : memref<496x128xf32, #tpu.memory_space<vmem>>[vector<16xi32>, vector<16xi32>], vector<16xf32>, vector<16xi1>
    %get3A_820 = arith.constant 368 : index
    %get3A_821 = tpu.vector_load %arg6[%get3A_820] {strides = array<i32>} : memref<512xi32, #tpu.memory_space<vmem>>, vector<16xi32>,
    %add3A_822 = arith.constant 112 : i32
    %add3A_823 = vector.broadcast %add3A_822 : i32 to vector<16xi32>
    %add3A_824 = arith.addi %iota3A, %add3A_823 : vector<16xi32>
    %ge3A_825 = arith.constant 504 : i32
    %ge3A_826 = vector.broadcast %ge3A_825 : i32 to vector<16xi32>
    %ge3A_827 = arith.cmpi sge, %get3A_821, %ge3A_826 : vector<16xi32>
    %sub3A_828 = arith.constant 504 : i32
    %sub3A_829 = vector.broadcast %sub3A_828 : i32 to vector<16xi32>
    %sub3A_830 = arith.subi %get3A_821, %sub3A_829 : vector<16xi32>
    tpu.vector_store_idx %arg5[%sub3A_830, %add3A_824], %broadcast_in_dim3A_8 masked %ge3A_827 : memref<496x128xf32, #tpu.memory_space<vmem>>[vector<16xi32>, vector<16xi32>], vector<16xf32>, vector<16xi1>
    %add3A_831 = arith.constant 256 : i32
    %add3A_832 = arith.addi %mul3A_2, %add3A_831 : i32
    %dma_start3A_833 = arith.constant 504 : i32
    %dma_start3A_834 = tpu.memref_slice %arg3[%dma_start3A_833, %add3A_832] : memref<1000x16384xf32, #tpu.memory_space<hbm>> -> memref<496x128xf32, #tpu.memory_space<hbm>>
    %dma_start3A_835 = arith.constant 504 : i32
    %dma_start3A_836 = tpu.memref_slice %arg3[%dma_start3A_835, %add3A_832] : memref<1000x16384xf32, #tpu.memory_space<hbm>> -> memref<496x128xf32, #tpu.memory_space<hbm>>
    tpu.enqueue_dma source(%arg5 : memref<496x128xf32, #tpu.memory_space<vmem>>) target(%dma_start3A_836 : memref<496x128xf32, #tpu.memory_space<hbm>>) target_semaphore(%arg8 : memref<!tpu.dma_semaphore, #tpu.memory_space<semaphore_mem>>)
    %add3A_837 = arith.constant 256 : i32
    %add3A_838 = arith.addi %mul3A_2, %add3A_837 : i32
    %dma_wait3A_839 = arith.constant 0 : i32
    %dma_wait3A_840 = tpu.memref_slice %arg3[%dma_wait3A_839, %add3A_838] : memref<1000x16384xf32, #tpu.memory_space<hbm>> -> memref<504x128xf32, #tpu.memory_space<hbm>>
    %dma_wait3A_841 = arith.constant 0 : i32
    %dma_wait3A_842 = tpu.memref_slice %arg3[%dma_wait3A_841, %add3A_838] : memref<1000x16384xf32, #tpu.memory_space<hbm>> -> memref<504x128xf32, #tpu.memory_space<hbm>>
    tpu.wait_dma2 semaphore(%arg7 : memref<!tpu.dma_semaphore, #tpu.memory_space<semaphore_mem>>) src(%arg4 : memref<504x128xf32, #tpu.memory_space<vmem>>) dst(%dma_wait3A_842 : memref<504x128xf32, #tpu.memory_space<hbm>>)
    %get3A_843 = arith.constant 256 : index
    %get3A_844 = tpu.vector_load %arg6[%get3A_843] {strides = array<i32>} : memref<512xi32, #tpu.memory_space<vmem>>, vector<16xi32>,
    %add3A_845 = arith.constant 0 : i32
    %add3A_846 = vector.broadcast %add3A_845 : i32 to vector<16xi32>
    %add3A_847 = arith.addi %iota3A, %add3A_846 : vector<16xi32>
    %lt3A_848 = arith.constant 504 : i32
    %lt3A_849 = vector.broadcast %lt3A_848 : i32 to vector<16xi32>
    %lt3A_850 = arith.cmpi slt, %get3A_844, %lt3A_849 : vector<16xi32>
    tpu.vector_store_idx %arg4[%get3A_844, %add3A_847], %broadcast_in_dim3A_6 masked %lt3A_850 : memref<504x128xf32, #tpu.memory_space<vmem>>[vector<16xi32>, vector<16xi32>], vector<16xf32>, vector<16xi1>
    %get3A_851 = arith.constant 272 : index
    %get3A_852 = tpu.vector_load %arg6[%get3A_851] {strides = array<i32>} : memref<512xi32, #tpu.memory_space<vmem>>, vector<16xi32>,
    %add3A_853 = arith.constant 16 : i32
    %add3A_854 = vector.broadcast %add3A_853 : i32 to vector<16xi32>
    %add3A_855 = arith.addi %iota3A, %add3A_854 : vector<16xi32>
    %lt3A_856 = arith.constant 504 : i32
    %lt3A_857 = vector.broadcast %lt3A_856 : i32 to vector<16xi32>
    %lt3A_858 = arith.cmpi slt, %get3A_852, %lt3A_857 : vector<16xi32>
    tpu.vector_store_idx %arg4[%get3A_852, %add3A_855], %broadcast_in_dim3A_6 masked %lt3A_858 : memref<504x128xf32, #tpu.memory_space<vmem>>[vector<16xi32>, vector<16xi32>], vector<16xf32>, vector<16xi1>
    %get3A_859 = arith.constant 288 : index
    %get3A_860 = tpu.vector_load %arg6[%get3A_859] {strides = array<i32>} : memref<512xi32, #tpu.memory_space<vmem>>, vector<16xi32>,
    %add3A_861 = arith.constant 32 : i32
    %add3A_862 = vector.broadcast %add3A_861 : i32 to vector<16xi32>
    %add3A_863 = arith.addi %iota3A, %add3A_862 : vector<16xi32>
    %lt3A_864 = arith.constant 504 : i32
    %lt3A_865 = vector.broadcast %lt3A_864 : i32 to vector<16xi32>
    %lt3A_866 = arith.cmpi slt, %get3A_860, %lt3A_865 : vector<16xi32>
    tpu.vector_store_idx %arg4[%get3A_860, %add3A_863], %broadcast_in_dim3A_6 masked %lt3A_866 : memref<504x128xf32, #tpu.memory_space<vmem>>[vector<16xi32>, vector<16xi32>], vector<16xf32>, vector<16xi1>
    %get3A_867 = arith.constant 304 : index
    %get3A_868 = tpu.vector_load %arg6[%get3A_867] {strides = array<i32>} : memref<512xi32, #tpu.memory_space<vmem>>, vector<16xi32>,
    %add3A_869 = arith.constant 48 : i32
    %add3A_870 = vector.broadcast %add3A_869 : i32 to vector<16xi32>
    %add3A_871 = arith.addi %iota3A, %add3A_870 : vector<16xi32>
    %lt3A_872 = arith.constant 504 : i32
    %lt3A_873 = vector.broadcast %lt3A_872 : i32 to vector<16xi32>
    %lt3A_874 = arith.cmpi slt, %get3A_868, %lt3A_873 : vector<16xi32>
    tpu.vector_store_idx %arg4[%get3A_868, %add3A_871], %broadcast_in_dim3A_6 masked %lt3A_874 : memref<504x128xf32, #tpu.memory_space<vmem>>[vector<16xi32>, vector<16xi32>], vector<16xf32>, vector<16xi1>
    %get3A_875 = arith.constant 320 : index
    %get3A_876 = tpu.vector_load %arg6[%get3A_875] {strides = array<i32>} : memref<512xi32, #tpu.memory_space<vmem>>, vector<16xi32>,
    %add3A_877 = arith.constant 64 : i32
    %add3A_878 = vector.broadcast %add3A_877 : i32 to vector<16xi32>
    %add3A_879 = arith.addi %iota3A, %add3A_878 : vector<16xi32>
    %lt3A_880 = arith.constant 504 : i32
    %lt3A_881 = vector.broadcast %lt3A_880 : i32 to vector<16xi32>
    %lt3A_882 = arith.cmpi slt, %get3A_876, %lt3A_881 : vector<16xi32>
    tpu.vector_store_idx %arg4[%get3A_876, %add3A_879], %broadcast_in_dim3A_6 masked %lt3A_882 : memref<504x128xf32, #tpu.memory_space<vmem>>[vector<16xi32>, vector<16xi32>], vector<16xf32>, vector<16xi1>
    %get3A_883 = arith.constant 336 : index
    %get3A_884 = tpu.vector_load %arg6[%get3A_883] {strides = array<i32>} : memref<512xi32, #tpu.memory_space<vmem>>, vector<16xi32>,
    %add3A_885 = arith.constant 80 : i32
    %add3A_886 = vector.broadcast %add3A_885 : i32 to vector<16xi32>
    %add3A_887 = arith.addi %iota3A, %add3A_886 : vector<16xi32>
    %lt3A_888 = arith.constant 504 : i32
    %lt3A_889 = vector.broadcast %lt3A_888 : i32 to vector<16xi32>
    %lt3A_890 = arith.cmpi slt, %get3A_884, %lt3A_889 : vector<16xi32>
    tpu.vector_store_idx %arg4[%get3A_884, %add3A_887], %broadcast_in_dim3A_6 masked %lt3A_890 : memref<504x128xf32, #tpu.memory_space<vmem>>[vector<16xi32>, vector<16xi32>], vector<16xf32>, vector<16xi1>
    %get3A_891 = arith.constant 352 : index
    %get3A_892 = tpu.vector_load %arg6[%get3A_891] {strides = array<i32>} : memref<512xi32, #tpu.memory_space<vmem>>, vector<16xi32>,
    %add3A_893 = arith.constant 96 : i32
    %add3A_894 = vector.broadcast %add3A_893 : i32 to vector<16xi32>
    %add3A_895 = arith.addi %iota3A, %add3A_894 : vector<16xi32>
    %lt3A_896 = arith.constant 504 : i32
    %lt3A_897 = vector.broadcast %lt3A_896 : i32 to vector<16xi32>
    %lt3A_898 = arith.cmpi slt, %get3A_892, %lt3A_897 : vector<16xi32>
    tpu.vector_store_idx %arg4[%get3A_892, %add3A_895], %broadcast_in_dim3A_6 masked %lt3A_898 : memref<504x128xf32, #tpu.memory_space<vmem>>[vector<16xi32>, vector<16xi32>], vector<16xf32>, vector<16xi1>
    %get3A_899 = arith.constant 368 : index
    %get3A_900 = tpu.vector_load %arg6[%get3A_899] {strides = array<i32>} : memref<512xi32, #tpu.memory_space<vmem>>, vector<16xi32>,
    %add3A_901 = arith.constant 112 : i32
    %add3A_902 = vector.broadcast %add3A_901 : i32 to vector<16xi32>
    %add3A_903 = arith.addi %iota3A, %add3A_902 : vector<16xi32>
    %lt3A_904 = arith.constant 504 : i32
    %lt3A_905 = vector.broadcast %lt3A_904 : i32 to vector<16xi32>
    %lt3A_906 = arith.cmpi slt, %get3A_900, %lt3A_905 : vector<16xi32>
    tpu.vector_store_idx %arg4[%get3A_900, %add3A_903], %broadcast_in_dim3A_6 masked %lt3A_906 : memref<504x128xf32, #tpu.memory_space<vmem>>[vector<16xi32>, vector<16xi32>], vector<16xf32>, vector<16xi1>
    %get3A_907 = arith.constant 384 : index
    %get3A_908 = tpu.vector_load %arg6[%get3A_907] {strides = array<i32>} : memref<512xi32, #tpu.memory_space<vmem>>, vector<16xi32>,
    %add3A_909 = arith.constant 0 : i32
    %add3A_910 = vector.broadcast %add3A_909 : i32 to vector<16xi32>
    %add3A_911 = arith.addi %iota3A, %add3A_910 : vector<16xi32>
    %lt3A_912 = arith.constant 504 : i32
    %lt3A_913 = vector.broadcast %lt3A_912 : i32 to vector<16xi32>
    %lt3A_914 = arith.cmpi slt, %get3A_908, %lt3A_913 : vector<16xi32>
    tpu.vector_store_idx %arg4[%get3A_908, %add3A_911], %broadcast_in_dim3A_8 masked %lt3A_914 : memref<504x128xf32, #tpu.memory_space<vmem>>[vector<16xi32>, vector<16xi32>], vector<16xf32>, vector<16xi1>
    %get3A_915 = arith.constant 400 : index
    %get3A_916 = tpu.vector_load %arg6[%get3A_915] {strides = array<i32>} : memref<512xi32, #tpu.memory_space<vmem>>, vector<16xi32>,
    %add3A_917 = arith.constant 16 : i32
    %add3A_918 = vector.broadcast %add3A_917 : i32 to vector<16xi32>
    %add3A_919 = arith.addi %iota3A, %add3A_918 : vector<16xi32>
    %lt3A_920 = arith.constant 504 : i32
    %lt3A_921 = vector.broadcast %lt3A_920 : i32 to vector<16xi32>
    %lt3A_922 = arith.cmpi slt, %get3A_916, %lt3A_921 : vector<16xi32>
    tpu.vector_store_idx %arg4[%get3A_916, %add3A_919], %broadcast_in_dim3A_8 masked %lt3A_922 : memref<504x128xf32, #tpu.memory_space<vmem>>[vector<16xi32>, vector<16xi32>], vector<16xf32>, vector<16xi1>
    %get3A_923 = arith.constant 416 : index
    %get3A_924 = tpu.vector_load %arg6[%get3A_923] {strides = array<i32>} : memref<512xi32, #tpu.memory_space<vmem>>, vector<16xi32>,
    %add3A_925 = arith.constant 32 : i32
    %add3A_926 = vector.broadcast %add3A_925 : i32 to vector<16xi32>
    %add3A_927 = arith.addi %iota3A, %add3A_926 : vector<16xi32>
    %lt3A_928 = arith.constant 504 : i32
    %lt3A_929 = vector.broadcast %lt3A_928 : i32 to vector<16xi32>
    %lt3A_930 = arith.cmpi slt, %get3A_924, %lt3A_929 : vector<16xi32>
    tpu.vector_store_idx %arg4[%get3A_924, %add3A_927], %broadcast_in_dim3A_8 masked %lt3A_930 : memref<504x128xf32, #tpu.memory_space<vmem>>[vector<16xi32>, vector<16xi32>], vector<16xf32>, vector<16xi1>
    %get3A_931 = arith.constant 432 : index
    %get3A_932 = tpu.vector_load %arg6[%get3A_931] {strides = array<i32>} : memref<512xi32, #tpu.memory_space<vmem>>, vector<16xi32>,
    %add3A_933 = arith.constant 48 : i32
    %add3A_934 = vector.broadcast %add3A_933 : i32 to vector<16xi32>
    %add3A_935 = arith.addi %iota3A, %add3A_934 : vector<16xi32>
    %lt3A_936 = arith.constant 504 : i32
    %lt3A_937 = vector.broadcast %lt3A_936 : i32 to vector<16xi32>
    %lt3A_938 = arith.cmpi slt, %get3A_932, %lt3A_937 : vector<16xi32>
    tpu.vector_store_idx %arg4[%get3A_932, %add3A_935], %broadcast_in_dim3A_8 masked %lt3A_938 : memref<504x128xf32, #tpu.memory_space<vmem>>[vector<16xi32>, vector<16xi32>], vector<16xf32>, vector<16xi1>
    %get3A_939 = arith.constant 448 : index
    %get3A_940 = tpu.vector_load %arg6[%get3A_939] {strides = array<i32>} : memref<512xi32, #tpu.memory_space<vmem>>, vector<16xi32>,
    %add3A_941 = arith.constant 64 : i32
    %add3A_942 = vector.broadcast %add3A_941 : i32 to vector<16xi32>
    %add3A_943 = arith.addi %iota3A, %add3A_942 : vector<16xi32>
    %lt3A_944 = arith.constant 504 : i32
    %lt3A_945 = vector.broadcast %lt3A_944 : i32 to vector<16xi32>
    %lt3A_946 = arith.cmpi slt, %get3A_940, %lt3A_945 : vector<16xi32>
    tpu.vector_store_idx %arg4[%get3A_940, %add3A_943], %broadcast_in_dim3A_8 masked %lt3A_946 : memref<504x128xf32, #tpu.memory_space<vmem>>[vector<16xi32>, vector<16xi32>], vector<16xf32>, vector<16xi1>
    %get3A_947 = arith.constant 464 : index
    %get3A_948 = tpu.vector_load %arg6[%get3A_947] {strides = array<i32>} : memref<512xi32, #tpu.memory_space<vmem>>, vector<16xi32>,
    %add3A_949 = arith.constant 80 : i32
    %add3A_950 = vector.broadcast %add3A_949 : i32 to vector<16xi32>
    %add3A_951 = arith.addi %iota3A, %add3A_950 : vector<16xi32>
    %lt3A_952 = arith.constant 504 : i32
    %lt3A_953 = vector.broadcast %lt3A_952 : i32 to vector<16xi32>
    %lt3A_954 = arith.cmpi slt, %get3A_948, %lt3A_953 : vector<16xi32>
    tpu.vector_store_idx %arg4[%get3A_948, %add3A_951], %broadcast_in_dim3A_8 masked %lt3A_954 : memref<504x128xf32, #tpu.memory_space<vmem>>[vector<16xi32>, vector<16xi32>], vector<16xf32>, vector<16xi1>
    %get3A_955 = arith.constant 480 : index
    %get3A_956 = tpu.vector_load %arg6[%get3A_955] {strides = array<i32>} : memref<512xi32, #tpu.memory_space<vmem>>, vector<16xi32>,
    %add3A_957 = arith.constant 96 : i32
    %add3A_958 = vector.broadcast %add3A_957 : i32 to vector<16xi32>
    %add3A_959 = arith.addi %iota3A, %add3A_958 : vector<16xi32>
    %lt3A_960 = arith.constant 504 : i32
    %lt3A_961 = vector.broadcast %lt3A_960 : i32 to vector<16xi32>
    %lt3A_962 = arith.cmpi slt, %get3A_956, %lt3A_961 : vector<16xi32>
    tpu.vector_store_idx %arg4[%get3A_956, %add3A_959], %broadcast_in_dim3A_8 masked %lt3A_962 : memref<504x128xf32, #tpu.memory_space<vmem>>[vector<16xi32>, vector<16xi32>], vector<16xf32>, vector<16xi1>
    %get3A_963 = arith.constant 496 : index
    %get3A_964 = tpu.vector_load %arg6[%get3A_963] {strides = array<i32>} : memref<512xi32, #tpu.memory_space<vmem>>, vector<16xi32>,
    %add3A_965 = arith.constant 112 : i32
    %add3A_966 = vector.broadcast %add3A_965 : i32 to vector<16xi32>
    %add3A_967 = arith.addi %iota3A, %add3A_966 : vector<16xi32>
    %lt3A_968 = arith.constant 504 : i32
    %lt3A_969 = vector.broadcast %lt3A_968 : i32 to vector<16xi32>
    %lt3A_970 = arith.cmpi slt, %get3A_964, %lt3A_969 : vector<16xi32>
    tpu.vector_store_idx %arg4[%get3A_964, %add3A_967], %broadcast_in_dim3A_8 masked %lt3A_970 : memref<504x128xf32, #tpu.memory_space<vmem>>[vector<16xi32>, vector<16xi32>], vector<16xf32>, vector<16xi1>
    %add3A_971 = arith.constant 384 : i32
    %add3A_972 = arith.addi %mul3A_2, %add3A_971 : i32
    %dma_start3A_973 = arith.constant 0 : i32
    %dma_start3A_974 = tpu.memref_slice %arg3[%dma_start3A_973, %add3A_972] : memref<1000x16384xf32, #tpu.memory_space<hbm>> -> memref<504x128xf32, #tpu.memory_space<hbm>>
    %dma_start3A_975 = arith.constant 0 : i32
    %dma_start3A_976 = tpu.memref_slice %arg3[%dma_start3A_975, %add3A_972] : memref<1000x16384xf32, #tpu.memory_space<hbm>> -> memref<504x128xf32, #tpu.memory_space<hbm>>
    tpu.enqueue_dma source(%arg4 : memref<504x128xf32, #tpu.memory_space<vmem>>) target(%dma_start3A_976 : memref<504x128xf32, #tpu.memory_space<hbm>>) target_semaphore(%arg7 : memref<!tpu.dma_semaphore, #tpu.memory_space<semaphore_mem>>)
    %add3A_977 = arith.constant 256 : i32
    %add3A_978 = arith.addi %mul3A_2, %add3A_977 : i32
    %dma_wait3A_979 = arith.constant 504 : i32
    %dma_wait3A_980 = tpu.memref_slice %arg3[%dma_wait3A_979, %add3A_978] : memref<1000x16384xf32, #tpu.memory_space<hbm>> -> memref<496x128xf32, #tpu.memory_space<hbm>>
    %dma_wait3A_981 = arith.constant 504 : i32
    %dma_wait3A_982 = tpu.memref_slice %arg3[%dma_wait3A_981, %add3A_978] : memref<1000x16384xf32, #tpu.memory_space<hbm>> -> memref<496x128xf32, #tpu.memory_space<hbm>>
    tpu.wait_dma2 semaphore(%arg8 : memref<!tpu.dma_semaphore, #tpu.memory_space<semaphore_mem>>) src(%arg5 : memref<496x128xf32, #tpu.memory_space<vmem>>) dst(%dma_wait3A_982 : memref<496x128xf32, #tpu.memory_space<hbm>>)
    %get3A_983 = arith.constant 256 : index
    %get3A_984 = tpu.vector_load %arg6[%get3A_983] {strides = array<i32>} : memref<512xi32, #tpu.memory_space<vmem>>, vector<16xi32>,
    %add3A_985 = arith.constant 0 : i32
    %add3A_986 = vector.broadcast %add3A_985 : i32 to vector<16xi32>
    %add3A_987 = arith.addi %iota3A, %add3A_986 : vector<16xi32>
    %ge3A_988 = arith.constant 504 : i32
    %ge3A_989 = vector.broadcast %ge3A_988 : i32 to vector<16xi32>
    %ge3A_990 = arith.cmpi sge, %get3A_984, %ge3A_989 : vector<16xi32>
    %sub3A_991 = arith.constant 504 : i32
    %sub3A_992 = vector.broadcast %sub3A_991 : i32 to vector<16xi32>
    %sub3A_993 = arith.subi %get3A_984, %sub3A_992 : vector<16xi32>
    tpu.vector_store_idx %arg5[%sub3A_993, %add3A_987], %broadcast_in_dim3A_6 masked %ge3A_990 : memref<496x128xf32, #tpu.memory_space<vmem>>[vector<16xi32>, vector<16xi32>], vector<16xf32>, vector<16xi1>
    %get3A_994 = arith.constant 272 : index
    %get3A_995 = tpu.vector_load %arg6[%get3A_994] {strides = array<i32>} : memref<512xi32, #tpu.memory_space<vmem>>, vector<16xi32>,
    %add3A_996 = arith.constant 16 : i32
    %add3A_997 = vector.broadcast %add3A_996 : i32 to vector<16xi32>
    %add3A_998 = arith.addi %iota3A, %add3A_997 : vector<16xi32>
    %ge3A_999 = arith.constant 504 : i32
    %ge3A_1000 = vector.broadcast %ge3A_999 : i32 to vector<16xi32>
    %ge3A_1001 = arith.cmpi sge, %get3A_995, %ge3A_1000 : vector<16xi32>
    %sub3A_1002 = arith.constant 504 : i32
    %sub3A_1003 = vector.broadcast %sub3A_1002 : i32 to vector<16xi32>
    %sub3A_1004 = arith.subi %get3A_995, %sub3A_1003 : vector<16xi32>
    tpu.vector_store_idx %arg5[%sub3A_1004, %add3A_998], %broadcast_in_dim3A_6 masked %ge3A_1001 : memref<496x128xf32, #tpu.memory_space<vmem>>[vector<16xi32>, vector<16xi32>], vector<16xf32>, vector<16xi1>
    %get3A_1005 = arith.constant 288 : index
    %get3A_1006 = tpu.vector_load %arg6[%get3A_1005] {strides = array<i32>} : memref<512xi32, #tpu.memory_space<vmem>>, vector<16xi32>,
    %add3A_1007 = arith.constant 32 : i32
    %add3A_1008 = vector.broadcast %add3A_1007 : i32 to vector<16xi32>
    %add3A_1009 = arith.addi %iota3A, %add3A_1008 : vector<16xi32>
    %ge3A_1010 = arith.constant 504 : i32
    %ge3A_1011 = vector.broadcast %ge3A_1010 : i32 to vector<16xi32>
    %ge3A_1012 = arith.cmpi sge, %get3A_1006, %ge3A_1011 : vector<16xi32>
    %sub3A_1013 = arith.constant 504 : i32
    %sub3A_1014 = vector.broadcast %sub3A_1013 : i32 to vector<16xi32>
    %sub3A_1015 = arith.subi %get3A_1006, %sub3A_1014 : vector<16xi32>
    tpu.vector_store_idx %arg5[%sub3A_1015, %add3A_1009], %broadcast_in_dim3A_6 masked %ge3A_1012 : memref<496x128xf32, #tpu.memory_space<vmem>>[vector<16xi32>, vector<16xi32>], vector<16xf32>, vector<16xi1>
    %get3A_1016 = arith.constant 304 : index
    %get3A_1017 = tpu.vector_load %arg6[%get3A_1016] {strides = array<i32>} : memref<512xi32, #tpu.memory_space<vmem>>, vector<16xi32>,
    %add3A_1018 = arith.constant 48 : i32
    %add3A_1019 = vector.broadcast %add3A_1018 : i32 to vector<16xi32>
    %add3A_1020 = arith.addi %iota3A, %add3A_1019 : vector<16xi32>
    %ge3A_1021 = arith.constant 504 : i32
    %ge3A_1022 = vector.broadcast %ge3A_1021 : i32 to vector<16xi32>
    %ge3A_1023 = arith.cmpi sge, %get3A_1017, %ge3A_1022 : vector<16xi32>
    %sub3A_1024 = arith.constant 504 : i32
    %sub3A_1025 = vector.broadcast %sub3A_1024 : i32 to vector<16xi32>
    %sub3A_1026 = arith.subi %get3A_1017, %sub3A_1025 : vector<16xi32>
    tpu.vector_store_idx %arg5[%sub3A_1026, %add3A_1020], %broadcast_in_dim3A_6 masked %ge3A_1023 : memref<496x128xf32, #tpu.memory_space<vmem>>[vector<16xi32>, vector<16xi32>], vector<16xf32>, vector<16xi1>
    %get3A_1027 = arith.constant 320 : index
    %get3A_1028 = tpu.vector_load %arg6[%get3A_1027] {strides = array<i32>} : memref<512xi32, #tpu.memory_space<vmem>>, vector<16xi32>,
    %add3A_1029 = arith.constant 64 : i32
    %add3A_1030 = vector.broadcast %add3A_1029 : i32 to vector<16xi32>
    %add3A_1031 = arith.addi %iota3A, %add3A_1030 : vector<16xi32>
    %ge3A_1032 = arith.constant 504 : i32
    %ge3A_1033 = vector.broadcast %ge3A_1032 : i32 to vector<16xi32>
    %ge3A_1034 = arith.cmpi sge, %get3A_1028, %ge3A_1033 : vector<16xi32>
    %sub3A_1035 = arith.constant 504 : i32
    %sub3A_1036 = vector.broadcast %sub3A_1035 : i32 to vector<16xi32>
    %sub3A_1037 = arith.subi %get3A_1028, %sub3A_1036 : vector<16xi32>
    tpu.vector_store_idx %arg5[%sub3A_1037, %add3A_1031], %broadcast_in_dim3A_6 masked %ge3A_1034 : memref<496x128xf32, #tpu.memory_space<vmem>>[vector<16xi32>, vector<16xi32>], vector<16xf32>, vector<16xi1>
    %get3A_1038 = arith.constant 336 : index
    %get3A_1039 = tpu.vector_load %arg6[%get3A_1038] {strides = array<i32>} : memref<512xi32, #tpu.memory_space<vmem>>, vector<16xi32>,
    %add3A_1040 = arith.constant 80 : i32
    %add3A_1041 = vector.broadcast %add3A_1040 : i32 to vector<16xi32>
    %add3A_1042 = arith.addi %iota3A, %add3A_1041 : vector<16xi32>
    %ge3A_1043 = arith.constant 504 : i32
    %ge3A_1044 = vector.broadcast %ge3A_1043 : i32 to vector<16xi32>
    %ge3A_1045 = arith.cmpi sge, %get3A_1039, %ge3A_1044 : vector<16xi32>
    %sub3A_1046 = arith.constant 504 : i32
    %sub3A_1047 = vector.broadcast %sub3A_1046 : i32 to vector<16xi32>
    %sub3A_1048 = arith.subi %get3A_1039, %sub3A_1047 : vector<16xi32>
    tpu.vector_store_idx %arg5[%sub3A_1048, %add3A_1042], %broadcast_in_dim3A_6 masked %ge3A_1045 : memref<496x128xf32, #tpu.memory_space<vmem>>[vector<16xi32>, vector<16xi32>], vector<16xf32>, vector<16xi1>
    %get3A_1049 = arith.constant 352 : index
    %get3A_1050 = tpu.vector_load %arg6[%get3A_1049] {strides = array<i32>} : memref<512xi32, #tpu.memory_space<vmem>>, vector<16xi32>,
    %add3A_1051 = arith.constant 96 : i32
    %add3A_1052 = vector.broadcast %add3A_1051 : i32 to vector<16xi32>
    %add3A_1053 = arith.addi %iota3A, %add3A_1052 : vector<16xi32>
    %ge3A_1054 = arith.constant 504 : i32
    %ge3A_1055 = vector.broadcast %ge3A_1054 : i32 to vector<16xi32>
    %ge3A_1056 = arith.cmpi sge, %get3A_1050, %ge3A_1055 : vector<16xi32>
    %sub3A_1057 = arith.constant 504 : i32
    %sub3A_1058 = vector.broadcast %sub3A_1057 : i32 to vector<16xi32>
    %sub3A_1059 = arith.subi %get3A_1050, %sub3A_1058 : vector<16xi32>
    tpu.vector_store_idx %arg5[%sub3A_1059, %add3A_1053], %broadcast_in_dim3A_6 masked %ge3A_1056 : memref<496x128xf32, #tpu.memory_space<vmem>>[vector<16xi32>, vector<16xi32>], vector<16xf32>, vector<16xi1>
    %get3A_1060 = arith.constant 368 : index
    %get3A_1061 = tpu.vector_load %arg6[%get3A_1060] {strides = array<i32>} : memref<512xi32, #tpu.memory_space<vmem>>, vector<16xi32>,
    %add3A_1062 = arith.constant 112 : i32
    %add3A_1063 = vector.broadcast %add3A_1062 : i32 to vector<16xi32>
    %add3A_1064 = arith.addi %iota3A, %add3A_1063 : vector<16xi32>
    %ge3A_1065 = arith.constant 504 : i32
    %ge3A_1066 = vector.broadcast %ge3A_1065 : i32 to vector<16xi32>
    %ge3A_1067 = arith.cmpi sge, %get3A_1061, %ge3A_1066 : vector<16xi32>
    %sub3A_1068 = arith.constant 504 : i32
    %sub3A_1069 = vector.broadcast %sub3A_1068 : i32 to vector<16xi32>
    %sub3A_1070 = arith.subi %get3A_1061, %sub3A_1069 : vector<16xi32>
    tpu.vector_store_idx %arg5[%sub3A_1070, %add3A_1064], %broadcast_in_dim3A_6 masked %ge3A_1067 : memref<496x128xf32, #tpu.memory_space<vmem>>[vector<16xi32>, vector<16xi32>], vector<16xf32>, vector<16xi1>
    %get3A_1071 = arith.constant 384 : index
    %get3A_1072 = tpu.vector_load %arg6[%get3A_1071] {strides = array<i32>} : memref<512xi32, #tpu.memory_space<vmem>>, vector<16xi32>,
    %add3A_1073 = arith.constant 0 : i32
    %add3A_1074 = vector.broadcast %add3A_1073 : i32 to vector<16xi32>
    %add3A_1075 = arith.addi %iota3A, %add3A_1074 : vector<16xi32>
    %ge3A_1076 = arith.constant 504 : i32
    %ge3A_1077 = vector.broadcast %ge3A_1076 : i32 to vector<16xi32>
    %ge3A_1078 = arith.cmpi sge, %get3A_1072, %ge3A_1077 : vector<16xi32>
    %sub3A_1079 = arith.constant 504 : i32
    %sub3A_1080 = vector.broadcast %sub3A_1079 : i32 to vector<16xi32>
    %sub3A_1081 = arith.subi %get3A_1072, %sub3A_1080 : vector<16xi32>
    tpu.vector_store_idx %arg5[%sub3A_1081, %add3A_1075], %broadcast_in_dim3A_8 masked %ge3A_1078 : memref<496x128xf32, #tpu.memory_space<vmem>>[vector<16xi32>, vector<16xi32>], vector<16xf32>, vector<16xi1>
    %get3A_1082 = arith.constant 400 : index
    %get3A_1083 = tpu.vector_load %arg6[%get3A_1082] {strides = array<i32>} : memref<512xi32, #tpu.memory_space<vmem>>, vector<16xi32>,
    %add3A_1084 = arith.constant 16 : i32
    %add3A_1085 = vector.broadcast %add3A_1084 : i32 to vector<16xi32>
    %add3A_1086 = arith.addi %iota3A, %add3A_1085 : vector<16xi32>
    %ge3A_1087 = arith.constant 504 : i32
    %ge3A_1088 = vector.broadcast %ge3A_1087 : i32 to vector<16xi32>
    %ge3A_1089 = arith.cmpi sge, %get3A_1083, %ge3A_1088 : vector<16xi32>
    %sub3A_1090 = arith.constant 504 : i32
    %sub3A_1091 = vector.broadcast %sub3A_1090 : i32 to vector<16xi32>
    %sub3A_1092 = arith.subi %get3A_1083, %sub3A_1091 : vector<16xi32>
    tpu.vector_store_idx %arg5[%sub3A_1092, %add3A_1086], %broadcast_in_dim3A_8 masked %ge3A_1089 : memref<496x128xf32, #tpu.memory_space<vmem>>[vector<16xi32>, vector<16xi32>], vector<16xf32>, vector<16xi1>
    %get3A_1093 = arith.constant 416 : index
    %get3A_1094 = tpu.vector_load %arg6[%get3A_1093] {strides = array<i32>} : memref<512xi32, #tpu.memory_space<vmem>>, vector<16xi32>,
    %add3A_1095 = arith.constant 32 : i32
    %add3A_1096 = vector.broadcast %add3A_1095 : i32 to vector<16xi32>
    %add3A_1097 = arith.addi %iota3A, %add3A_1096 : vector<16xi32>
    %ge3A_1098 = arith.constant 504 : i32
    %ge3A_1099 = vector.broadcast %ge3A_1098 : i32 to vector<16xi32>
    %ge3A_1100 = arith.cmpi sge, %get3A_1094, %ge3A_1099 : vector<16xi32>
    %sub3A_1101 = arith.constant 504 : i32
    %sub3A_1102 = vector.broadcast %sub3A_1101 : i32 to vector<16xi32>
    %sub3A_1103 = arith.subi %get3A_1094, %sub3A_1102 : vector<16xi32>
    tpu.vector_store_idx %arg5[%sub3A_1103, %add3A_1097], %broadcast_in_dim3A_8 masked %ge3A_1100 : memref<496x128xf32, #tpu.memory_space<vmem>>[vector<16xi32>, vector<16xi32>], vector<16xf32>, vector<16xi1>
    %get3A_1104 = arith.constant 432 : index
    %get3A_1105 = tpu.vector_load %arg6[%get3A_1104] {strides = array<i32>} : memref<512xi32, #tpu.memory_space<vmem>>, vector<16xi32>,
    %add3A_1106 = arith.constant 48 : i32
    %add3A_1107 = vector.broadcast %add3A_1106 : i32 to vector<16xi32>
    %add3A_1108 = arith.addi %iota3A, %add3A_1107 : vector<16xi32>
    %ge3A_1109 = arith.constant 504 : i32
    %ge3A_1110 = vector.broadcast %ge3A_1109 : i32 to vector<16xi32>
    %ge3A_1111 = arith.cmpi sge, %get3A_1105, %ge3A_1110 : vector<16xi32>
    %sub3A_1112 = arith.constant 504 : i32
    %sub3A_1113 = vector.broadcast %sub3A_1112 : i32 to vector<16xi32>
    %sub3A_1114 = arith.subi %get3A_1105, %sub3A_1113 : vector<16xi32>
    tpu.vector_store_idx %arg5[%sub3A_1114, %add3A_1108], %broadcast_in_dim3A_8 masked %ge3A_1111 : memref<496x128xf32, #tpu.memory_space<vmem>>[vector<16xi32>, vector<16xi32>], vector<16xf32>, vector<16xi1>
    %get3A_1115 = arith.constant 448 : index
    %get3A_1116 = tpu.vector_load %arg6[%get3A_1115] {strides = array<i32>} : memref<512xi32, #tpu.memory_space<vmem>>, vector<16xi32>,
    %add3A_1117 = arith.constant 64 : i32
    %add3A_1118 = vector.broadcast %add3A_1117 : i32 to vector<16xi32>
    %add3A_1119 = arith.addi %iota3A, %add3A_1118 : vector<16xi32>
    %ge3A_1120 = arith.constant 504 : i32
    %ge3A_1121 = vector.broadcast %ge3A_1120 : i32 to vector<16xi32>
    %ge3A_1122 = arith.cmpi sge, %get3A_1116, %ge3A_1121 : vector<16xi32>
    %sub3A_1123 = arith.constant 504 : i32
    %sub3A_1124 = vector.broadcast %sub3A_1123 : i32 to vector<16xi32>
    %sub3A_1125 = arith.subi %get3A_1116, %sub3A_1124 : vector<16xi32>
    tpu.vector_store_idx %arg5[%sub3A_1125, %add3A_1119], %broadcast_in_dim3A_8 masked %ge3A_1122 : memref<496x128xf32, #tpu.memory_space<vmem>>[vector<16xi32>, vector<16xi32>], vector<16xf32>, vector<16xi1>
    %get3A_1126 = arith.constant 464 : index
    %get3A_1127 = tpu.vector_load %arg6[%get3A_1126] {strides = array<i32>} : memref<512xi32, #tpu.memory_space<vmem>>, vector<16xi32>,
    %add3A_1128 = arith.constant 80 : i32
    %add3A_1129 = vector.broadcast %add3A_1128 : i32 to vector<16xi32>
    %add3A_1130 = arith.addi %iota3A, %add3A_1129 : vector<16xi32>
    %ge3A_1131 = arith.constant 504 : i32
    %ge3A_1132 = vector.broadcast %ge3A_1131 : i32 to vector<16xi32>
    %ge3A_1133 = arith.cmpi sge, %get3A_1127, %ge3A_1132 : vector<16xi32>
    %sub3A_1134 = arith.constant 504 : i32
    %sub3A_1135 = vector.broadcast %sub3A_1134 : i32 to vector<16xi32>
    %sub3A_1136 = arith.subi %get3A_1127, %sub3A_1135 : vector<16xi32>
    tpu.vector_store_idx %arg5[%sub3A_1136, %add3A_1130], %broadcast_in_dim3A_8 masked %ge3A_1133 : memref<496x128xf32, #tpu.memory_space<vmem>>[vector<16xi32>, vector<16xi32>], vector<16xf32>, vector<16xi1>
    %get3A_1137 = arith.constant 480 : index
    %get3A_1138 = tpu.vector_load %arg6[%get3A_1137] {strides = array<i32>} : memref<512xi32, #tpu.memory_space<vmem>>, vector<16xi32>,
    %add3A_1139 = arith.constant 96 : i32
    %add3A_1140 = vector.broadcast %add3A_1139 : i32 to vector<16xi32>
    %add3A_1141 = arith.addi %iota3A, %add3A_1140 : vector<16xi32>
    %ge3A_1142 = arith.constant 504 : i32
    %ge3A_1143 = vector.broadcast %ge3A_1142 : i32 to vector<16xi32>
    %ge3A_1144 = arith.cmpi sge, %get3A_1138, %ge3A_1143 : vector<16xi32>
    %sub3A_1145 = arith.constant 504 : i32
    %sub3A_1146 = vector.broadcast %sub3A_1145 : i32 to vector<16xi32>
    %sub3A_1147 = arith.subi %get3A_1138, %sub3A_1146 : vector<16xi32>
    tpu.vector_store_idx %arg5[%sub3A_1147, %add3A_1141], %broadcast_in_dim3A_8 masked %ge3A_1144 : memref<496x128xf32, #tpu.memory_space<vmem>>[vector<16xi32>, vector<16xi32>], vector<16xf32>, vector<16xi1>
    %get3A_1148 = arith.constant 496 : index
    %get3A_1149 = tpu.vector_load %arg6[%get3A_1148] {strides = array<i32>} : memref<512xi32, #tpu.memory_space<vmem>>, vector<16xi32>,
    %add3A_1150 = arith.constant 112 : i32
    %add3A_1151 = vector.broadcast %add3A_1150 : i32 to vector<16xi32>
    %add3A_1152 = arith.addi %iota3A, %add3A_1151 : vector<16xi32>
    %ge3A_1153 = arith.constant 504 : i32
    %ge3A_1154 = vector.broadcast %ge3A_1153 : i32 to vector<16xi32>
    %ge3A_1155 = arith.cmpi sge, %get3A_1149, %ge3A_1154 : vector<16xi32>
    %sub3A_1156 = arith.constant 504 : i32
    %sub3A_1157 = vector.broadcast %sub3A_1156 : i32 to vector<16xi32>
    %sub3A_1158 = arith.subi %get3A_1149, %sub3A_1157 : vector<16xi32>
    tpu.vector_store_idx %arg5[%sub3A_1158, %add3A_1152], %broadcast_in_dim3A_8 masked %ge3A_1155 : memref<496x128xf32, #tpu.memory_space<vmem>>[vector<16xi32>, vector<16xi32>], vector<16xf32>, vector<16xi1>
    %add3A_1159 = arith.constant 384 : i32
    %add3A_1160 = arith.addi %mul3A_2, %add3A_1159 : i32
    %dma_start3A_1161 = arith.constant 504 : i32
    %dma_start3A_1162 = tpu.memref_slice %arg3[%dma_start3A_1161, %add3A_1160] : memref<1000x16384xf32, #tpu.memory_space<hbm>> -> memref<496x128xf32, #tpu.memory_space<hbm>>
    %dma_start3A_1163 = arith.constant 504 : i32
    %dma_start3A_1164 = tpu.memref_slice %arg3[%dma_start3A_1163, %add3A_1160] : memref<1000x16384xf32, #tpu.memory_space<hbm>> -> memref<496x128xf32, #tpu.memory_space<hbm>>
    tpu.enqueue_dma source(%arg5 : memref<496x128xf32, #tpu.memory_space<vmem>>) target(%dma_start3A_1164 : memref<496x128xf32, #tpu.memory_space<hbm>>) target_semaphore(%arg8 : memref<!tpu.dma_semaphore, #tpu.memory_space<semaphore_mem>>)
    %add3A_1165 = arith.constant 384 : i32
    %add3A_1166 = arith.addi %mul3A_2, %add3A_1165 : i32
    %dma_wait3A_1167 = arith.constant 0 : i32
    %dma_wait3A_1168 = tpu.memref_slice %arg3[%dma_wait3A_1167, %add3A_1166] : memref<1000x16384xf32, #tpu.memory_space<hbm>> -> memref<504x128xf32, #tpu.memory_space<hbm>>
    %dma_wait3A_1169 = arith.constant 0 : i32
    %dma_wait3A_1170 = tpu.memref_slice %arg3[%dma_wait3A_1169, %add3A_1166] : memref<1000x16384xf32, #tpu.memory_space<hbm>> -> memref<504x128xf32, #tpu.memory_space<hbm>>
    tpu.wait_dma2 semaphore(%arg7 : memref<!tpu.dma_semaphore, #tpu.memory_space<semaphore_mem>>) src(%arg4 : memref<504x128xf32, #tpu.memory_space<vmem>>) dst(%dma_wait3A_1170 : memref<504x128xf32, #tpu.memory_space<hbm>>)
    %add3A_1171 = arith.constant 384 : i32
    %add3A_1172 = arith.addi %mul3A_2, %add3A_1171 : i32
    %dma_wait3A_1173 = arith.constant 504 : i32
    %dma_wait3A_1174 = tpu.memref_slice %arg3[%dma_wait3A_1173, %add3A_1172] : memref<1000x16384xf32, #tpu.memory_space<hbm>> -> memref<496x128xf32, #tpu.memory_space<hbm>>
    %dma_wait3A_1175 = arith.constant 504 : i32
    %dma_wait3A_1176 = tpu.memref_slice %arg3[%dma_wait3A_1175, %add3A_1172] : memref<1000x16384xf32, #tpu.memory_space<hbm>> -> memref<496x128xf32, #tpu.memory_space<hbm>>
    tpu.wait_dma2 semaphore(%arg8 : memref<!tpu.dma_semaphore, #tpu.memory_space<semaphore_mem>>) src(%arg5 : memref<496x128xf32, #tpu.memory_space<vmem>>) dst(%dma_wait3A_1176 : memref<496x128xf32, #tpu.memory_space<hbm>>)
    return
  }
}

</mosaic_0001>

<sc_bundles>
// kernel: kernel.3.cloned.1.call-start
scs
__scs_entry_jumppad:
0x0: {  	(pc) =	sbr.rel $0x88, $3  }
0x1: {  	(tag) =	ssettag $0x0;
	lr =	simm.s32 $0x1  }
0x2: {  	[smem:$0x3FA0] =	sst lr;
	_ =	strace $0xD0000000  }
0x3: {  	_ = 	snop  }
0x4: {  	_ = 	snop  }
0x5: {  	_ = 	snop  }
0x6: {  	_ = 	snop  }
0x7: {  	_ = 	snop  }
__scs_overlays_trampoline_lowered:
0x8: {  	[smem:$0x3FAF] =	sst s0  }
0x9: {  	[smem:$0x3FB0] =	sst s1  }
0xa: {  	[smem:$0x3FB1] =	sst s2  }
0xb: {  	[smem:$0x3FB2] =	sst s3  }
0xc: {  	[smem:$0x3FB3] =	sst s4  }
0xd: {  	[smem:$0x3FB4] =	sst s5  }
0xe: {  	[smem:$0x3FB5] =	sst s6  }
0xf: {  	[smem:$0x3FB6] =	sst s7  }
0x10: {  	[smem:$0x3FB7] =	sst s8  }
0x11: {  	[smem:$0x3FB8] =	sst s9;
	s0 =	simm.s32 @!p0 $0x0  }
0x12: {  	s1 =	sld [smem:$0x3F9E];
	s0 =	simm.s32 @p0 $0x1  }
0x13: {  	[smem:$0x3FB9] =	sst s0;
	s0 =	simm.s32 @!p1 $0x0  }
0x14: {  	s2 =	sld [smem:$0x3F9D];
	s0 =	simm.s32 @p1 $0x1  }
0x15: {  	[smem:$0x3FBA] =	sst s0;
	s0 =	simm.s32 @!p2 $0x0  }
0x16: {  	s3 =	sld [smem:$0x3FDB];
	s0 =	simm.s32 @p2 $0x1  }
0x17: {  	s4 =	simm.s32 $0x1BF5;
	[smem:$0x3FBC] =	sst s0  }
0x18: {  	s0 =	sld [smem:$0x3F9F];
	_ =	swait.ge [sflag:s4], $0x0  }
0x19: {  	s7 =	sld [smem:$0x3FA0]  }
0x1a: {  	s8 =	sadd.s32 $0xFFFFE003, lr  }
0x1b: {  	s9 =	sadd.s32 $0xFFFFFEF7, lr;
	s5 =	simm.s32 $0xFFFFFFFF;
	p2 =	slt.u32 s8, $0xFFFFF086  }
0x1c: {  	p1 =	slt.u32 s9, $0xF7A;
	s5 =	simm.s32 @!p2 $0x0  }
0x1d: {  	s5 =	simm.s32 @p1 $0x1;
	p0 =	seq.s32 s7, s2  }
0x1e: {  	s7 =	smul.u32 @!p0 $0xF7A, s2;
	p2 =	seq.s32 @!p0 s5, $0x0  }
0x1f: {  	s9 =	smul.u32 $0xF7A, s1;
	s8 =	simm.s32 @!p0 $0x1BF5;
	p2 =	por !p2, p0  }
0x20: {  	[sflag:s8] =	ssyncset.s32 @!p0 $0xFFFFF086;
	s6 =	sadd.s32 @!p0 s3, s7;
	s7 =	simm.s32 @!p0 $0x108  }
0x21: {  	s3 =	sadd.s32 s3, s9;
	s6 =	sadd.s32 @!p0 $0x88, s6;
	s7 =	simm.s32 @p2 $0x1082  }
0x22: {  	[simem:s7], [sflag:s8] =	dma.local @!p0 [hbm:s6], $0xF7A  }
0x23: {  	s9 =	sor.u32 $0xD0000000, s2;
	s6 =	simm.s32 $0x108;
	_ =	swait.ge @!p0 [sflag:s8], $0x0  }
0x24: {  	s3 =	sadd.s32 $0x88, s3;
	s6 =	simm.s32 @!p1 $0x1082;
	[sflag:s4] =	ssyncset.s32 $0xFFFFF086  }
0x25: {  	[simem:s6], [sflag:s4] =	dma.local [hbm:s3], $0xF7A  }
0x26: {  	[smem:$0x3FA0] =	sst s1;
	(tag) =	ssettag s2;
	_ =	strace s9  }
0x27: {  	s1 =	sld [smem:$0x3FB0]  }
0x28: {  	s2 =	sld [smem:$0x3FB1]  }
0x29: {  	s4 =	sld [smem:$0x3FB3]  }
0x2a: {  	p0 =	seq.s32 s5, $0x0;
	s5 =	sld [smem:$0x3FB4]  }
0x2b: {  	s6 =	sld [smem:$0x3FB5]  }
0x2c: {  	s7 =	sld [smem:$0x3FB6]  }
0x2d: {  	s3 =	simm.s32 $0x108;
	s8 =	sld [smem:$0x3FB7]  }
0x2e: {  	s3 =	simm.s32 @!p0 $0x1082;
	s9 =	sld [smem:$0x3FB8]  }
0x2f: {  	lr =	sadd.s32 s0, s3;
	s0 =	sld [smem:$0x3FAF]  }
0x30: {  	s3 =	sld [smem:$0x3FB2]  }
0x31: {  	[smem:$0x3FBB] =	sst s10  }
0x32: {  	s10 =	sld [smem:$0x3FB9];
	_ =	sdelay $0x3  }
0x33: {  	p0 =	seq.s32 s10, $0x1;
	s10 =	sld [smem:$0x3FBB];
	_ =	sdelay $0x3  }
0x34: {  	[smem:$0x3FBB] =	sst s10  }
0x35: {  	s10 =	sld [smem:$0x3FBA];
	_ =	sdelay $0x3  }
0x36: {  	p1 =	seq.s32 s10, $0x1;
	s10 =	sld [smem:$0x3FBB];
	_ =	sdelay $0x3  }
0x37: {  	[smem:$0x3FBB] =	sst s10  }
0x38: {  	s10 =	sld [smem:$0x3FBC]  }
0x39: {  	_ = 	snop;
	(pc) =	sbr.ind lr, $3  }
0x3a: {  	_ = 	snop  }
0x3b: {  	_ = 	snop  }
0x3c: {  	p2 =	seq.s32 s10, $0x1;
	s10 =	sld [smem:$0x3FBB]  }
0x3d: {  	_ =	shalt  }
0x3e: {  	_ =	shalt  }
0x3f: {  	_ =	shalt  }
0x40: {  	_ =	shalt  }
0x41: {  	_ =	shalt  }
0x42: {  	_ =	shalt  }
0x43: {  	_ =	shalt  }
0x44: {  	_ =	shalt  }
0x45: {  	_ =	shalt  }
0x46: {  	_ =	shalt  }
0x47: {  	_ =	shalt  }
0x48: {  	_ =	shalt  }
0x49: {  	_ =	shalt  }
0x4a: {  	_ =	shalt  }
0x4b: {  	_ =	shalt  }
0x4c: {  	_ =	shalt  }
0x4d: {  	_ =	shalt  }
0x4e: {  	_ =	shalt  }
0x4f: {  	_ =	shalt  }
0x50: {  	_ =	shalt  }
0x51: {  	_ =	shalt  }
0x52: {  	_ =	shalt  }
0x53: {  	_ =	shalt  }
0x54: {  	_ =	shalt  }
0x55: {  	_ =	shalt  }
0x56: {  	_ =	shalt  }
0x57: {  	_ =	shalt  }
0x58: {  	_ =	shalt  }
0x59: {  	_ =	shalt  }
0x5a: {  	_ =	shalt  }
0x5b: {  	_ =	shalt  }
0x5c: {  	_ =	shalt  }
0x5d: {  	_ =	shalt  }
0x5e: {  	_ =	shalt  }
0x5f: {  	_ =	shalt  }
0x60: {  	_ =	shalt  }
0x61: {  	_ =	shalt  }
0x62: {  	_ =	shalt  }
0x63: {  	_ =	shalt  }
0x64: {  	_ =	shalt  }
0x65: {  	_ =	shalt  }
0x66: {  	_ =	shalt  }
0x67: {  	_ =	shalt  }
0x68: {  	_ =	shalt  }
0x69: {  	_ =	shalt  }
0x6a: {  	_ =	shalt  }
0x6b: {  	_ =	shalt  }
0x6c: {  	_ =	shalt  }
0x6d: {  	_ =	shalt  }
0x6e: {  	_ =	shalt  }
0x6f: {  	_ =	shalt  }
0x70: {  	_ =	shalt  }
0x71: {  	_ =	shalt  }
0x72: {  	_ =	shalt  }
0x73: {  	_ =	shalt  }
0x74: {  	_ =	shalt  }
0x75: {  	_ =	shalt  }
0x76: {  	_ =	shalt  }
0x77: {  	_ =	shalt  }
0x78: {  	_ =	shalt  }
0x79: {  	_ =	shalt  }
0x7a: {  	_ =	shalt  }
0x7b: {  	_ =	shalt  }
0x7c: {  	_ =	shalt  }
0x7d: {  	_ =	shalt  }
0x7e: {  	_ =	shalt  }
0x7f: {  	_ =	shalt  }
0x80: {  	_ =	shalt  }
0x81: {  	_ =	shalt  }
0x82: {  	_ =	shalt  }
0x83: {  	_ =	shalt  }
0x84: {  	_ =	shalt  }
0x85: {  	_ =	shalt  }
0x86: {  	_ =	shalt  }
0x87: {  	_ =	shalt  }
.Lfunc_end0:
.L_simem_size_0:
called_computation_lowered:
.L_overlay_start_0:
0x88: {  	s2 =	sld [smem:$0x3FD9]  }
0x89: {  	s3 =	sld [smem:$0x3FFE];
	_ =	sdelay $0x1  }
0x8a: {  	s1 =	srdreg.scid  }
0x8b: {  	s0 =	sand.u32 $0x1, s1  }
0x8c: {  	s18 =	sshll.u32 s0, $0xA;
	s2 =	sadd.s32 s3, s2  }
0x8d: {  	s2 =	sadd.s32 s2, s18  }
0x8e: {  	[smem:$0x3FC7] =	sst s2  }
0x8f: {  	_ = 	snop  }
0x90: {  	s2 =	sld [smem:$0x3FC9]  }
0x91: {  	s19 =	sld [smem:$0x3FD0];
	(tm) =	ssettm $0x1  }
0x92: {  	s4 =	sld [smem:$0x3FFB];
	_ =	sdelay $0x3  }
0x93: {  	_ =	strace s4  }
0x94: {  	s4 =	sld [smem:$0x3FFC];
	_ =	sdelay $0x3  }
0x95: {  	_ =	strace s4  }
0x96: {  	s4 =	sld [smem:$0x3FFD];
	_ =	sdelay $0x3  }
0x97: {  	_ =	strace s4  }
0x98: {  	_ =	strace $0x8FFFFFFF  }
0x99: {  	s20 =	sld [smem:$0x3FDB];
	_ =	sdelay $0x1  }
0x9a: {  	s5 =	simm.s32 $_scs_section_size  }
0x9b: {  	s6 =	simm.s32 $_size__tile_overlayer_lowered;
	s7 =	simm.s32 $_tile_overlayer_lowered  }
0x9c: {  	s23 =	simm.s32 $0x1BFF;
	s22 =	sshll.u32 s7, $0x1;
	s4 =	sadd.s32 s5, s20  }
0x9d: {  	s8 =	simm.s32 $0x0;
	s21 =	sshll.u32 s6, $0x1;
	s6 =	sadd.s32 s22, s4  }
0x9e: {  	[timem:s8], [sflag:s23] =	dma.local [hbm:s6], s21  }
0x9f: {  	_ =	swait.ge [sflag:s23], s21  }
0xa0: {  	s5 =	ssub.s32 $0x0, s21;
	[sflag:s23] =	ssyncset.done $0x0  }
0xa1: {  	[sflag:s23] =	ssyncadd.s32 s5;
	_ =	sdelay $0x1  }
0xa2: {  	s24 =	simm.s32 $0x1B8B  }
0xa3: {  	_ =	swait.ge [sflag:s24], $0x1  }
0xa4: {  	[sflag:s24] =	ssyncset.done $0x0  }
0xa5: {  	s25 =	simm.s32 $0x1B8E;
	[sflag:s24] =	ssyncadd.s32 $0xFFFFFFFF  }
0xa6: {  	s26 =	simm.s32 $execute0_lowered;
	[smem:$0x3FD2] =	sst s25  }
0xa7: {  	s5 =	sshll.u32 s26, $0x1;
	_ =	strace $0x80000046;
	[dreg:$0x1] =	wrdreg $0xFFFFFFFF  }
0xa8: {  	s28 =	simm.s32 $_size_execute0_lowered;
	s4 =	sadd.s32 s4, s5;
	[dreg:$0x0] =	wrdreg $0x0  }
0xa9: {  	s5 =	sshll.u32 s28, $0x1;
	[dreg:$0x2] =	wrdreg s4  }
0xaa: {  	[dreg:$0x3] =	wrdreg s5  }
0xab: {  	[dreg:$0x4] =	wrdreg $0xC0  }
0xac: {  	_ =	task [dreg:s8], $0x5FFFF  }
0xad: {  	[dreg:$0x1] =	wrdreg $0xFFFFFFFF  }
0xae: {  	[dreg:$0x0] =	wrdreg $0x60  }
0xaf: {  	[dreg:$0x2] =	wrdreg s2  }
0xb0: {  	[dreg:$0x3] =	wrdreg s19  }
0xb1: {  	[dreg:$0x4] =	wrdreg $0x9  }
0xb2: {  	_ =	task.clear_ibuf [dreg:s8], $0x5FFFF;
	_ =	strace $0x90000046  }
0xb3: {  	s29 =	simm.s32 $0x9;
	_ =	strace $0x80000048  }
0xb4: {  	_ =	swait.ge [sflag:s29], $0x1  }
0xb5: {  	[sflag:s29] =	ssyncadd.s32 $0xFFFFFFFF  }
0xb6: {  	_ =	strace $0x90000048  }
0xb7: {  	_ =	sfence  }
0xb8: {  	s30 =	sld [smem:$0x0];
	_ =	sdelay $0x2  }
0xb9: {  	s31 =	sshll.u32 s1, $0xD;
	s1 =	sshrl.u32 s1, $0x2  }
0xba: {  	s3 =	sand.u32 $0x4000, s31;
	s1 =	sadd.s32 s1, s30  }
0xbb: {  	s0 =	sor.u32 s3, s0;
	s1 =	sshll.u32 s1, $0x11  }
0xbc: {  	s0 =	sor.u32 s1, s0  }
0xbd: {  	s0 =	sadd.s32 $0x8F2B, s0  }
0xbe: {  	[sflag:s0] =	ssyncadd.remote.s32 $0x1  }
0xbf: {  	_ =	sfence.sel $0xFFFF  }
0xc0: {  	[dreg:$0x0] =	wrdreg $0xFFFFFFFF;
	(pc) =	sbr.abs _section_cstart, $3  }
0xc1: {  	[dreg:$0x1] =	wrdreg $0xFFFFFFFF  }
0xc2: {  	_ =	task.clear_ibuf [dreg:s8], $0x2FFFF;
	_ =	strace $0x9FFFFFFF  }
0xc3: {  	(tm) =	ssettm $0x7FFFFFFF  }
tec
execute0_lowered:
.L_overlay_start_1:
0x0: {  	(tag) =	ssettag $0x1  }
0x1: {  	s3 =	rddreg [dreg:$0x0]  }
0x2: {  	s4 =	rddreg [dreg:$0x1];
	s2 =	srdreg.scid  }
0x3: {  	s0 =	rddreg [dreg:$0x2];
	s1 =	stileid.u32;
	s13 =	simm.s32 $0x1F400  }
0x4: {  	s14 =	simm.s32 $0x1;
	s15 =	simm.s32 $0x400;
	s16 =	simm.s32 $0x20000  }
0x5: {  	s17 =	simm.s32 $0xFC00;
	s18 =	simm.s32 $0x2;
	s19 =	simm.s32 $0x0  }
0x6: {  	s5 =	sand.u32 $0x1, s2;
	s2 =	simm.s32 $0x0;
	s6 =	sshll.u32 s1, $0xA  }
0x7: {  	v0 =	vimm.f32 $0.0e+00;
	v1 =	vlaneseq.u32;
	v2 =	vimm.f32 $1.000000000e+00;
	s7 =	sshll.u32 s5, $0x9;
	[smem:$0x7FF] =	sst s2;
	s5 =	ssub.s32 $0x2, s5  }
0x8: {  	v3 =	vor.u32 $0x10, v1;
	v4 =	vor.u32 $0x20, v1;
	v5 =	vor.u32 $0x30, v1;
	s6 =	sor.u32 s7, s6;
	_ =	strace $0x80000047;
	s31 =	sshrl.u32 s5, $0x1  }
0x9: {  	v6 =	vor.u32 $0x40, v1;
	v7 =	vor.u32 $0x50, v1;
	v8 =	vor.u32 $0x60, v1;
	s8 =	sshrl.u32 s6, $0x3;
	s12 =	ssub.s32 s5, s31;
	s4 =	sadd.s32 s4, s6  }
0xa: {  	v9 =	vor.u32 $0x70, v1;
	v10 =	vor.u32 $0xFFFF0400, v1;
	v11 =	vor.u32 $0xFFFF0410, v1;
	s3 =	sadd.s32 s3, s8;
	s5 =	sadd.s32 $0xFC000, s4;
	s6 =	sadd.s32 $0x80, s4  }
0xb: {  	v12 =	vor.u32 $0xFFFF0420, v1;
	v13 =	vor.u32 $0xFFFF0430, v1;
	v14 =	vor.u32 $0xFFFF0440, v1;
	s7 =	sadd.s32 $0xFC080, s4;
	s8 =	sadd.s32 $0x100, s4;
	s9 =	sadd.s32 $0xFC100, s4  }
0xc: {  	v15 =	vor.u32 $0xFFFF0450, v1;
	v16 =	vor.u32 $0xFFFF0460, v1;
	v17 =	vor.u32 $0xFFFF0470, v1;
	s10 =	sadd.s32 $0x180, s4;
	s11 =	sadd.s32 $0xFC180, s4;
	s12 =	smax.u32 s12, $0x1  }
.LBB2_1:
0xd: {  	[tilespmem:s13], [sflag:$0x1] =	stream.linear.gather [hbm4b:s3+s2], $0x200, $0x38;
	[tilespmem:$0x1F600] =	vst v63  }
0xe: {  	s20 =	simm.s32 $0x0;
	s21 =	simm.s32 $0x1000  }
.LBB2_2:
0xf: {  	p0 =	sne.s32 s21, $0x3E000;
	[tilespmem:s20+$0x3F0] =	vst v0  }
0x10: {  	[tilespmem:s20+$0x0] =	vst v0  }
0x11: {  	[tilespmem:s20+$0x10] =	vst v0  }
0x12: {  	[tilespmem:s20+$0x20] =	vst v0  }
0x13: {  	[tilespmem:s20+$0x30] =	vst v0  }
0x14: {  	[tilespmem:s20+$0x40] =	vst v0  }
0x15: {  	[tilespmem:s20+$0x50] =	vst v0  }
0x16: {  	[tilespmem:s20+$0x60] =	vst v0  }
0x17: {  	[tilespmem:s20+$0x70] =	vst v0  }
0x18: {  	[tilespmem:s20+$0x80] =	vst v0  }
0x19: {  	[tilespmem:s20+$0x90] =	vst v0  }
0x1a: {  	[tilespmem:s20+$0xA0] =	vst v0  }
0x1b: {  	[tilespmem:s20+$0xB0] =	vst v0  }
0x1c: {  	[tilespmem:s20+$0xC0] =	vst v0  }
0x1d: {  	[tilespmem:s20+$0xD0] =	vst v0  }
0x1e: {  	[tilespmem:s20+$0xE0] =	vst v0  }
0x1f: {  	[tilespmem:s20+$0xF0] =	vst v0  }
0x20: {  	[tilespmem:s20+$0x100] =	vst v0  }
0x21: {  	[tilespmem:s20+$0x110] =	vst v0  }
0x22: {  	[tilespmem:s20+$0x120] =	vst v0  }
0x23: {  	[tilespmem:s20+$0x130] =	vst v0  }
0x24: {  	[tilespmem:s20+$0x140] =	vst v0  }
0x25: {  	[tilespmem:s20+$0x150] =	vst v0  }
0x26: {  	[tilespmem:s20+$0x160] =	vst v0  }
0x27: {  	[tilespmem:s20+$0x170] =	vst v0  }
0x28: {  	[tilespmem:s20+$0x180] =	vst v0  }
0x29: {  	[tilespmem:s20+$0x190] =	vst v0  }
0x2a: {  	[tilespmem:s20+$0x1A0] =	vst v0  }
0x2b: {  	[tilespmem:s20+$0x1B0] =	vst v0  }
0x2c: {  	[tilespmem:s20+$0x1C0] =	vst v0  }
0x2d: {  	[tilespmem:s20+$0x1D0] =	vst v0  }
0x2e: {  	[tilespmem:s20+$0x1E0] =	vst v0  }
0x2f: {  	[tilespmem:s20+$0x1F0] =	vst v0  }
0x30: {  	[tilespmem:s20+$0x200] =	vst v0  }
0x31: {  	[tilespmem:s20+$0x210] =	vst v0  }
0x32: {  	[tilespmem:s20+$0x220] =	vst v0  }
0x33: {  	[tilespmem:s20+$0x230] =	vst v0  }
0x34: {  	[tilespmem:s20+$0x240] =	vst v0  }
0x35: {  	[tilespmem:s20+$0x250] =	vst v0  }
0x36: {  	[tilespmem:s20+$0x260] =	vst v0  }
0x37: {  	[tilespmem:s20+$0x270] =	vst v0  }
0x38: {  	[tilespmem:s20+$0x280] =	vst v0  }
0x39: {  	[tilespmem:s20+$0x290] =	vst v0  }
0x3a: {  	[tilespmem:s20+$0x2A0] =	vst v0  }
0x3b: {  	[tilespmem:s20+$0x2B0] =	vst v0  }
0x3c: {  	[tilespmem:s20+$0x2C0] =	vst v0  }
0x3d: {  	[tilespmem:s20+$0x2D0] =	vst v0  }
0x3e: {  	[tilespmem:s20+$0x2E0] =	vst v0  }
0x3f: {  	[tilespmem:s20+$0x2F0] =	vst v0  }
0x40: {  	[tilespmem:s20+$0x300] =	vst v0  }
0x41: {  	[tilespmem:s20+$0x310] =	vst v0  }
0x42: {  	[tilespmem:s20+$0x320] =	vst v0  }
0x43: {  	[tilespmem:s20+$0x330] =	vst v0  }
0x44: {  	[tilespmem:s20+$0x340] =	vst v0  }
0x45: {  	[tilespmem:s20+$0x350] =	vst v0  }
0x46: {  	[tilespmem:s20+$0x360] =	vst v0  }
0x47: {  	[tilespmem:s20+$0x370] =	vst v0  }
0x48: {  	[tilespmem:s20+$0x380] =	vst v0  }
0x49: {  	[tilespmem:s20+$0x390] =	vst v0  }
.Ltmp0:
0x4a: {  	[tilespmem:s20+$0x3A0] =	vst v0;
	(pc) =	sbr.rel @p0 .LBB2_2-.Ltmp0, $4  }
0x4b: {  	[tilespmem:s20+$0x3B0] =	vst v0  }
0x4c: {  	[tilespmem:s20+$0x3C0] =	vst v0  }
0x4d: {  	[tilespmem:s20+$0x3D0] =	vst v0  }
0x4e: {  	[tilespmem:s20+$0x3E0] =	vst v0;
	s20 =	sshra.s32 s21, $0x2;
	s21 =	sadd.s32 $0x1000, s21  }
0x4f: {  	[tilespmem:s20+$0x3F0] =	vst v0  }
0x50: {  	[tilespmem:s20+$0x0] =	vst v0  }
0x51: {  	[tilespmem:s20+$0x10] =	vst v0  }
0x52: {  	[tilespmem:s20+$0x20] =	vst v0  }
0x53: {  	[tilespmem:s20+$0x30] =	vst v0  }
0x54: {  	[tilespmem:s20+$0x40] =	vst v0  }
0x55: {  	[tilespmem:s20+$0x50] =	vst v0  }
0x56: {  	[tilespmem:s20+$0x60] =	vst v0  }
0x57: {  	[tilespmem:s20+$0x70] =	vst v0  }
0x58: {  	[tilespmem:s20+$0x80] =	vst v0  }
0x59: {  	[tilespmem:s20+$0x90] =	vst v0  }
0x5a: {  	[tilespmem:s20+$0xA0] =	vst v0  }
0x5b: {  	[tilespmem:s20+$0xB0] =	vst v0  }
0x5c: {  	[tilespmem:s20+$0xC0] =	vst v0  }
0x5d: {  	[tilespmem:s20+$0xD0] =	vst v0  }
0x5e: {  	[tilespmem:s20+$0xE0] =	vst v0  }
0x5f: {  	[tilespmem:s20+$0xF0] =	vst v0  }
0x60: {  	[tilespmem:s20+$0x100] =	vst v0  }
0x61: {  	[tilespmem:s20+$0x110] =	vst v0  }
0x62: {  	[tilespmem:s20+$0x120] =	vst v0  }
0x63: {  	[tilespmem:s20+$0x130] =	vst v0  }
0x64: {  	[tilespmem:s20+$0x140] =	vst v0  }
0x65: {  	[tilespmem:s20+$0x150] =	vst v0  }
0x66: {  	[tilespmem:s20+$0x160] =	vst v0  }
0x67: {  	[tilespmem:s20+$0x170] =	vst v0  }
0x68: {  	[tilespmem:s20+$0x180] =	vst v0  }
0x69: {  	[tilespmem:s20+$0x190] =	vst v0  }
0x6a: {  	[tilespmem:s20+$0x1A0] =	vst v0  }
0x6b: {  	[tilespmem:s20+$0x1B0] =	vst v0  }
0x6c: {  	[tilespmem:s20+$0x1C0] =	vst v0  }
0x6d: {  	[tilespmem:s20+$0x1D0] =	vst v0  }
0x6e: {  	[tilespmem:s20+$0x1E0] =	vst v0  }
0x6f: {  	[tilespmem:s20+$0x1F0] =	vst v0  }
0x70: {  	[tilespmem:s20+$0x200] =	vst v0  }
0x71: {  	[tilespmem:s20+$0x210] =	vst v0  }
0x72: {  	[tilespmem:s20+$0x220] =	vst v0  }
0x73: {  	[tilespmem:s20+$0x230] =	vst v0  }
0x74: {  	[tilespmem:s20+$0x240] =	vst v0  }
0x75: {  	[tilespmem:s20+$0x250] =	vst v0  }
0x76: {  	[tilespmem:s20+$0x260] =	vst v0  }
0x77: {  	[tilespmem:s20+$0x270] =	vst v0  }
0x78: {  	[tilespmem:s20+$0x280] =	vst v0  }
0x79: {  	[tilespmem:s20+$0x290] =	vst v0  }
0x7a: {  	[tilespmem:s20+$0x2A0] =	vst v0  }
0x7b: {  	[tilespmem:s20+$0x2B0] =	vst v0  }
0x7c: {  	[tilespmem:s20+$0x2C0] =	vst v0  }
0x7d: {  	[tilespmem:s20+$0x2D0] =	vst v0  }
0x7e: {  	[tilespmem:s20+$0x2E0] =	vst v0  }
0x7f: {  	[tilespmem:s20+$0x2F0] =	vst v0  }
0x80: {  	[tilespmem:s20+$0x300] =	vst v0  }
0x81: {  	[tilespmem:s20+$0x310] =	vst v0  }
0x82: {  	[tilespmem:s20+$0x320] =	vst v0  }
0x83: {  	[tilespmem:s20+$0x330] =	vst v0  }
0x84: {  	[tilespmem:s20+$0x340] =	vst v0  }
0x85: {  	[tilespmem:s20+$0x350] =	vst v0  }
0x86: {  	[tilespmem:s20+$0x360] =	vst v0  }
0x87: {  	[tilespmem:s20+$0x370] =	vst v0  }
0x88: {  	[tilespmem:s20+$0x380] =	vst v0  }
0x89: {  	[tilespmem:s20+$0x390] =	vst v0  }
0x8a: {  	[tilespmem:s20+$0x3A0] =	vst v0  }
0x8b: {  	[tilespmem:s20+$0x3B0] =	vst v0  }
0x8c: {  	[tilespmem:s20+$0x3C0] =	vst v0  }
0x8d: {  	[tilespmem:s20+$0x3D0] =	vst v0  }
0x8e: {  	[tilespmem:s20+$0x3E0] =	vst v0  }
0x8f: {  	_ =	swait.ge [sflag:s14], $0x200  }
0x90: {  	[sflag:s14] =	ssyncset.done $0x0  }
0x91: {  	[sflag:s14] =	ssyncadd.s32 $0xFFFFFE00  }
0x92: {  	v18 =	vld [tilespmem:$0x1F400];
	_ =	sdelay $0x4  }
0x93: {  	vm0 =	vlt.s32 v18, $0x1F8;
	v18 =	vshll.u32 v18, $0x7  }
0x94: {  	v18 =	vor.u32 v1, v18;
	_ =	sdelay $0x3  }
0x95: {  	s31 =	simm.s32 $0x0  }
0x96: {  	[tilespmem:v18+s31+$0x0] =	vst.idx.msk vm0, v2  }
0x97: {  	v18 =	vld [tilespmem:$0x1F410];
	_ =	sdelay $0x4  }
0x98: {  	vm9 =	vlt.s32 v18, $0x1F8;
	v18 =	vshll.u32 v18, $0x7  }
0x99: {  	v18 =	vor.u32 v3, v18;
	_ =	sdelay $0x4  }
0x9a: {  	[tilespmem:v18+s31+$0x0] =	vst.idx.msk vm9, v2  }
0x9b: {  	v18 =	vld [tilespmem:$0x1F420];
	_ =	sdelay $0x4  }
0x9c: {  	vm10 =	vlt.s32 v18, $0x1F8;
	v18 =	vshll.u32 v18, $0x7  }
0x9d: {  	v18 =	vor.u32 v4, v18;
	_ =	sdelay $0x4  }
0x9e: {  	[tilespmem:v18+s31+$0x0] =	vst.idx.msk vm10, v2  }
0x9f: {  	v18 =	vld [tilespmem:$0x1F430];
	_ =	sdelay $0x4  }
0xa0: {  	vm11 =	vlt.s32 v18, $0x1F8;
	v18 =	vshll.u32 v18, $0x7  }
0xa1: {  	v18 =	vor.u32 v5, v18;
	_ =	sdelay $0x4  }
0xa2: {  	[tilespmem:v18+s31+$0x0] =	vst.idx.msk vm11, v2  }
0xa3: {  	v18 =	vld [tilespmem:$0x1F440];
	_ =	sdelay $0x4  }
0xa4: {  	vm12 =	vlt.s32 v18, $0x1F8;
	v18 =	vshll.u32 v18, $0x7  }
0xa5: {  	v18 =	vor.u32 v6, v18;
	_ =	sdelay $0x4  }
0xa6: {  	[tilespmem:v18+s31+$0x0] =	vst.idx.msk vm12, v2  }
0xa7: {  	v18 =	vld [tilespmem:$0x1F450];
	_ =	sdelay $0x4  }
0xa8: {  	vm13 =	vlt.s32 v18, $0x1F8;
	v18 =	vshll.u32 v18, $0x7  }
0xa9: {  	v18 =	vor.u32 v7, v18;
	_ =	sdelay $0x4  }
0xaa: {  	[tilespmem:v18+s31+$0x0] =	vst.idx.msk vm13, v2  }
0xab: {  	v18 =	vld [tilespmem:$0x1F460];
	_ =	sdelay $0x4  }
0xac: {  	vm14 =	vlt.s32 v18, $0x1F8;
	v18 =	vshll.u32 v18, $0x7  }
0xad: {  	v18 =	vor.u32 v8, v18;
	_ =	sdelay $0x4  }
0xae: {  	[tilespmem:v18+s31+$0x0] =	vst.idx.msk vm14, v2  }
0xaf: {  	v18 =	vld [tilespmem:$0x1F470];
	_ =	sdelay $0x4  }
0xb0: {  	vm15 =	vlt.s32 v18, $0x1F8;
	v18 =	vshll.u32 v18, $0x7  }
0xb1: {  	v18 =	vor.u32 v9, v18;
	_ =	sdelay $0x4  }
0xb2: {  	s20 =	simm.s32 $0x0;
	s21 =	simm.s32 $0x1000;
	[tilespmem:v18+s31+$0x0] =	vst.idx.msk vm15, v2  }
0xb3: {  	[hbm4b:s4+s15] =	stream.strided.scatter [tilespmem:s31], [sflag:$0x1], $0xFC00, s16, s15, $0x38;
	[tilespmem:$0x1F600] =	vst v63  }
.LBB2_4:
0xb4: {  	p0 =	sne.s32 s21, $0x3D000;
	[tilespmem:s20+$0xFFF0] =	vst v0  }
0xb5: {  	[tilespmem:s20+$0xFC00] =	vst v0  }
0xb6: {  	[tilespmem:s20+$0xFC10] =	vst v0  }
0xb7: {  	[tilespmem:s20+$0xFC20] =	vst v0  }
0xb8: {  	[tilespmem:s20+$0xFC30] =	vst v0  }
0xb9: {  	[tilespmem:s20+$0xFC40] =	vst v0  }
0xba: {  	[tilespmem:s20+$0xFC50] =	vst v0  }
0xbb: {  	[tilespmem:s20+$0xFC60] =	vst v0  }
0xbc: {  	[tilespmem:s20+$0xFC70] =	vst v0  }
0xbd: {  	[tilespmem:s20+$0xFC80] =	vst v0  }
0xbe: {  	[tilespmem:s20+$0xFC90] =	vst v0  }
0xbf: {  	[tilespmem:s20+$0xFCA0] =	vst v0  }
0xc0: {  	[tilespmem:s20+$0xFCB0] =	vst v0  }
0xc1: {  	[tilespmem:s20+$0xFCC0] =	vst v0  }
0xc2: {  	[tilespmem:s20+$0xFCD0] =	vst v0  }
0xc3: {  	[tilespmem:s20+$0xFCE0] =	vst v0  }
0xc4: {  	[tilespmem:s20+$0xFCF0] =	vst v0  }
0xc5: {  	[tilespmem:s20+$0xFD00] =	vst v0  }
0xc6: {  	[tilespmem:s20+$0xFD10] =	vst v0  }
0xc7: {  	[tilespmem:s20+$0xFD20] =	vst v0  }
0xc8: {  	[tilespmem:s20+$0xFD30] =	vst v0  }
0xc9: {  	[tilespmem:s20+$0xFD40] =	vst v0  }
0xca: {  	[tilespmem:s20+$0xFD50] =	vst v0  }
0xcb: {  	[tilespmem:s20+$0xFD60] =	vst v0  }
0xcc: {  	[tilespmem:s20+$0xFD70] =	vst v0  }
0xcd: {  	[tilespmem:s20+$0xFD80] =	vst v0  }
0xce: {  	[tilespmem:s20+$0xFD90] =	vst v0  }
0xcf: {  	[tilespmem:s20+$0xFDA0] =	vst v0  }
0xd0: {  	[tilespmem:s20+$0xFDB0] =	vst v0  }
0xd1: {  	[tilespmem:s20+$0xFDC0] =	vst v0  }
0xd2: {  	[tilespmem:s20+$0xFDD0] =	vst v0  }
0xd3: {  	[tilespmem:s20+$0xFDE0] =	vst v0  }
0xd4: {  	[tilespmem:s20+$0xFDF0] =	vst v0  }
0xd5: {  	[tilespmem:s20+$0xFE00] =	vst v0  }
0xd6: {  	[tilespmem:s20+$0xFE10] =	vst v0  }
0xd7: {  	[tilespmem:s20+$0xFE20] =	vst v0  }
0xd8: {  	[tilespmem:s20+$0xFE30] =	vst v0  }
0xd9: {  	[tilespmem:s20+$0xFE40] =	vst v0  }
0xda: {  	[tilespmem:s20+$0xFE50] =	vst v0  }
0xdb: {  	[tilespmem:s20+$0xFE60] =	vst v0  }
0xdc: {  	[tilespmem:s20+$0xFE70] =	vst v0  }
0xdd: {  	[tilespmem:s20+$0xFE80] =	vst v0  }
0xde: {  	[tilespmem:s20+$0xFE90] =	vst v0  }
0xdf: {  	[tilespmem:s20+$0xFEA0] =	vst v0  }
0xe0: {  	[tilespmem:s20+$0xFEB0] =	vst v0  }
0xe1: {  	[tilespmem:s20+$0xFEC0] =	vst v0  }
0xe2: {  	[tilespmem:s20+$0xFED0] =	vst v0  }
0xe3: {  	[tilespmem:s20+$0xFEE0] =	vst v0  }
0xe4: {  	[tilespmem:s20+$0xFEF0] =	vst v0  }
0xe5: {  	[tilespmem:s20+$0xFF00] =	vst v0  }
0xe6: {  	[tilespmem:s20+$0xFF10] =	vst v0  }
0xe7: {  	[tilespmem:s20+$0xFF20] =	vst v0  }
0xe8: {  	[tilespmem:s20+$0xFF30] =	vst v0  }
0xe9: {  	[tilespmem:s20+$0xFF40] =	vst v0  }
0xea: {  	[tilespmem:s20+$0xFF50] =	vst v0  }
0xeb: {  	[tilespmem:s20+$0xFF60] =	vst v0  }
0xec: {  	[tilespmem:s20+$0xFF70] =	vst v0  }
0xed: {  	[tilespmem:s20+$0xFF80] =	vst v0  }
0xee: {  	[tilespmem:s20+$0xFF90] =	vst v0  }
.Ltmp1:
0xef: {  	[tilespmem:s20+$0xFFA0] =	vst v0;
	(pc) =	sbr.rel @p0 .LBB2_4-.Ltmp1, $4  }
0xf0: {  	[tilespmem:s20+$0xFFB0] =	vst v0  }
0xf1: {  	[tilespmem:s20+$0xFFC0] =	vst v0  }
0xf2: {  	[tilespmem:s20+$0xFFD0] =	vst v0  }
0xf3: {  	[tilespmem:s20+$0xFFE0] =	vst v0;
	s20 =	sshra.s32 s21, $0x2;
	s21 =	sadd.s32 $0x1000, s21  }
0xf4: {  	[tilespmem:s20+$0xFFF0] =	vst v0  }
0xf5: {  	[tilespmem:s20+$0xFC00] =	vst v0  }
0xf6: {  	[tilespmem:s20+$0xFC10] =	vst v0  }
0xf7: {  	[tilespmem:s20+$0xFC20] =	vst v0  }
0xf8: {  	[tilespmem:s20+$0xFC30] =	vst v0  }
0xf9: {  	[tilespmem:s20+$0xFC40] =	vst v0  }
0xfa: {  	[tilespmem:s20+$0xFC50] =	vst v0  }
0xfb: {  	[tilespmem:s20+$0xFC60] =	vst v0  }
0xfc: {  	[tilespmem:s20+$0xFC70] =	vst v0  }
0xfd: {  	[tilespmem:s20+$0xFC80] =	vst v0  }
0xfe: {  	[tilespmem:s20+$0xFC90] =	vst v0  }
0xff: {  	[tilespmem:s20+$0xFCA0] =	vst v0  }
0x100: {  	[tilespmem:s20+$0xFCB0] =	vst v0  }
0x101: {  	[tilespmem:s20+$0xFCC0] =	vst v0  }
0x102: {  	[tilespmem:s20+$0xFCD0] =	vst v0  }
0x103: {  	[tilespmem:s20+$0xFCE0] =	vst v0  }
0x104: {  	[tilespmem:s20+$0xFCF0] =	vst v0  }
0x105: {  	[tilespmem:s20+$0xFD00] =	vst v0  }
0x106: {  	[tilespmem:s20+$0xFD10] =	vst v0  }
0x107: {  	[tilespmem:s20+$0xFD20] =	vst v0  }
0x108: {  	[tilespmem:s20+$0xFD30] =	vst v0  }
0x109: {  	[tilespmem:s20+$0xFD40] =	vst v0  }
0x10a: {  	[tilespmem:s20+$0xFD50] =	vst v0  }
0x10b: {  	[tilespmem:s20+$0xFD60] =	vst v0  }
0x10c: {  	[tilespmem:s20+$0xFD70] =	vst v0  }
0x10d: {  	[tilespmem:s20+$0xFD80] =	vst v0  }
0x10e: {  	[tilespmem:s20+$0xFD90] =	vst v0  }
0x10f: {  	[tilespmem:s20+$0xFDA0] =	vst v0  }
0x110: {  	[tilespmem:s20+$0xFDB0] =	vst v0  }
0x111: {  	[tilespmem:s20+$0xFDC0] =	vst v0  }
0x112: {  	[tilespmem:s20+$0xFDD0] =	vst v0  }
0x113: {  	[tilespmem:s20+$0xFDE0] =	vst v0  }
0x114: {  	[tilespmem:s20+$0xFDF0] =	vst v0  }
0x115: {  	[tilespmem:s20+$0xFE00] =	vst v0  }
0x116: {  	[tilespmem:s20+$0xFE10] =	vst v0  }
0x117: {  	[tilespmem:s20+$0xFE20] =	vst v0  }
0x118: {  	[tilespmem:s20+$0xFE30] =	vst v0  }
0x119: {  	[tilespmem:s20+$0xFE40] =	vst v0  }
0x11a: {  	[tilespmem:s20+$0xFE50] =	vst v0  }
0x11b: {  	[tilespmem:s20+$0xFE60] =	vst v0  }
0x11c: {  	[tilespmem:s20+$0xFE70] =	vst v0  }
0x11d: {  	[tilespmem:s20+$0xFE80] =	vst v0  }
0x11e: {  	[tilespmem:s20+$0xFE90] =	vst v0  }
0x11f: {  	[tilespmem:s20+$0xFEA0] =	vst v0  }
0x120: {  	[tilespmem:s20+$0xFEB0] =	vst v0  }
0x121: {  	[tilespmem:s20+$0xFEC0] =	vst v0  }
0x122: {  	[tilespmem:s20+$0xFED0] =	vst v0  }
0x123: {  	[tilespmem:s20+$0xFEE0] =	vst v0  }
0x124: {  	[tilespmem:s20+$0xFEF0] =	vst v0  }
0x125: {  	[tilespmem:s20+$0xFF00] =	vst v0  }
0x126: {  	[tilespmem:s20+$0xFF10] =	vst v0  }
0x127: {  	[tilespmem:s20+$0xFF20] =	vst v0  }
0x128: {  	[tilespmem:s20+$0xFF30] =	vst v0  }
0x129: {  	[tilespmem:s20+$0xFF40] =	vst v0  }
0x12a: {  	[tilespmem:s20+$0xFF50] =	vst v0  }
0x12b: {  	[tilespmem:s20+$0xFF60] =	vst v0  }
0x12c: {  	[tilespmem:s20+$0xFF70] =	vst v0  }
0x12d: {  	[tilespmem:s20+$0xFF80] =	vst v0  }
0x12e: {  	[tilespmem:s20+$0xFF90] =	vst v0  }
0x12f: {  	[tilespmem:s20+$0xFFA0] =	vst v0  }
0x130: {  	[tilespmem:s20+$0xFFB0] =	vst v0  }
0x131: {  	[tilespmem:s20+$0xFFC0] =	vst v0  }
0x132: {  	[tilespmem:s20+$0xFFD0] =	vst v0  }
0x133: {  	[tilespmem:s20+$0xFFE0] =	vst v0  }
0x134: {  	v18 =	vld [tilespmem:$0x1F400];
	_ =	sdelay $0x4  }
0x135: {  	vm0 =	vgt.s32 v18, $0x1F7;
	v18 =	vshll.u32 v18, $0x7  }
0x136: {  	v18 =	vadd.s32 v10, v18;
	_ =	sdelay $0x4  }
0x137: {  	[tilespmem:v18+s17+$0x0] =	vst.idx.msk vm0, v2  }
0x138: {  	v18 =	vld [tilespmem:$0x1F410];
	_ =	sdelay $0x4  }
0x139: {  	vm9 =	vgt.s32 v18, $0x1F7;
	v18 =	vshll.u32 v18, $0x7  }
0x13a: {  	v18 =	vadd.s32 v11, v18;
	_ =	sdelay $0x4  }
0x13b: {  	[tilespmem:v18+s17+$0x0] =	vst.idx.msk vm9, v2  }
0x13c: {  	v18 =	vld [tilespmem:$0x1F420];
	_ =	sdelay $0x4  }
0x13d: {  	vm10 =	vgt.s32 v18, $0x1F7;
	v18 =	vshll.u32 v18, $0x7  }
0x13e: {  	v18 =	vadd.s32 v12, v18;
	_ =	sdelay $0x4  }
0x13f: {  	[tilespmem:v18+s17+$0x0] =	vst.idx.msk vm10, v2  }
0x140: {  	v18 =	vld [tilespmem:$0x1F430];
	_ =	sdelay $0x4  }
0x141: {  	vm11 =	vgt.s32 v18, $0x1F7;
	v18 =	vshll.u32 v18, $0x7  }
0x142: {  	v18 =	vadd.s32 v13, v18;
	_ =	sdelay $0x4  }
0x143: {  	[tilespmem:v18+s17+$0x0] =	vst.idx.msk vm11, v2  }
0x144: {  	v18 =	vld [tilespmem:$0x1F440];
	_ =	sdelay $0x4  }
0x145: {  	vm12 =	vgt.s32 v18, $0x1F7;
	v18 =	vshll.u32 v18, $0x7  }
0x146: {  	v18 =	vadd.s32 v14, v18;
	_ =	sdelay $0x4  }
0x147: {  	[tilespmem:v18+s17+$0x0] =	vst.idx.msk vm12, v2  }
0x148: {  	v18 =	vld [tilespmem:$0x1F450];
	_ =	sdelay $0x4  }
0x149: {  	vm13 =	vgt.s32 v18, $0x1F7;
	v18 =	vshll.u32 v18, $0x7  }
0x14a: {  	v18 =	vadd.s32 v15, v18;
	_ =	sdelay $0x4  }
0x14b: {  	[tilespmem:v18+s17+$0x0] =	vst.idx.msk vm13, v2  }
0x14c: {  	v18 =	vld [tilespmem:$0x1F460];
	_ =	sdelay $0x4  }
0x14d: {  	vm14 =	vgt.s32 v18, $0x1F7;
	v18 =	vshll.u32 v18, $0x7  }
0x14e: {  	v18 =	vadd.s32 v16, v18;
	_ =	sdelay $0x4  }
0x14f: {  	[tilespmem:v18+s17+$0x0] =	vst.idx.msk vm14, v2  }
0x150: {  	v18 =	vld [tilespmem:$0x1F470];
	_ =	sdelay $0x4  }
0x151: {  	vm15 =	vgt.s32 v18, $0x1F7;
	v18 =	vshll.u32 v18, $0x7  }
0x152: {  	v18 =	vadd.s32 v17, v18;
	_ =	sdelay $0x4  }
0x153: {  	[tilespmem:v18+s17+$0x0] =	vst.idx.msk vm15, v2  }
0x154: {  	[hbm4b:s5+s15] =	stream.strided.scatter [tilespmem:s17], [sflag:$0x2], $0xF800, s16, s15, $0x38;
	[tilespmem:$0x1F600] =	vst v63  }
0x155: {  	_ =	swait.ge [sflag:s14], $0xFC00  }
0x156: {  	[sflag:s14] =	ssyncset.done $0x0  }
0x157: {  	[sflag:s14] =	ssyncadd.s32 $0xFFFF0400  }
0x158: {  	v18 =	vld [tilespmem:$0x1F400];
	_ =	sdelay $0x4  }
0x159: {  	vm4 =	vlt.s32 v18, $0x1F8;
	v18 =	vshll.u32 v18, $0x7  }
0x15a: {  	v18 =	vor.u32 v1, v18;
	_ =	sdelay $0x4  }
0x15b: {  	[tilespmem:v18+s2+$0x0] =	vst.idx.msk vm4, v0  }
0x15c: {  	v18 =	vld [tilespmem:$0x1F410];
	_ =	sdelay $0x4  }
0x15d: {  	vm5 =	vlt.s32 v18, $0x1F8;
	v18 =	vshll.u32 v18, $0x7  }
0x15e: {  	v18 =	vor.u32 v3, v18;
	_ =	sdelay $0x4  }
0x15f: {  	[tilespmem:v18+s2+$0x0] =	vst.idx.msk vm5, v0  }
0x160: {  	v18 =	vld [tilespmem:$0x1F420];
	_ =	sdelay $0x4  }
0x161: {  	vm6 =	vlt.s32 v18, $0x1F8;
	v18 =	vshll.u32 v18, $0x7  }
0x162: {  	v18 =	vor.u32 v4, v18;
	_ =	sdelay $0x4  }
0x163: {  	[tilespmem:v18+s2+$0x0] =	vst.idx.msk vm6, v0  }
0x164: {  	v18 =	vld [tilespmem:$0x1F430];
	_ =	sdelay $0x4  }
0x165: {  	vm7 =	vlt.s32 v18, $0x1F8;
	v18 =	vshll.u32 v18, $0x7  }
0x166: {  	v18 =	vor.u32 v5, v18;
	_ =	sdelay $0x4  }
0x167: {  	[tilespmem:v18+s2+$0x0] =	vst.idx.msk vm7, v0  }
0x168: {  	v18 =	vld [tilespmem:$0x1F440];
	_ =	sdelay $0x4  }
0x169: {  	vm8 =	vlt.s32 v18, $0x1F8;
	v18 =	vshll.u32 v18, $0x7  }
0x16a: {  	v18 =	vor.u32 v6, v18;
	_ =	sdelay $0x4  }
0x16b: {  	[tilespmem:v18+s2+$0x0] =	vst.idx.msk vm8, v0  }
0x16c: {  	v18 =	vld [tilespmem:$0x1F450];
	_ =	sdelay $0x4  }
0x16d: {  	vm9 =	vlt.s32 v18, $0x1F8;
	v18 =	vshll.u32 v18, $0x7  }
0x16e: {  	v18 =	vor.u32 v7, v18;
	_ =	sdelay $0x4  }
0x16f: {  	[tilespmem:v18+s2+$0x0] =	vst.idx.msk vm9, v0  }
0x170: {  	v18 =	vld [tilespmem:$0x1F460];
	_ =	sdelay $0x4  }
0x171: {  	vm10 =	vlt.s32 v18, $0x1F8;
	v18 =	vshll.u32 v18, $0x7  }
0x172: {  	v18 =	vor.u32 v8, v18;
	_ =	sdelay $0x4  }
0x173: {  	[tilespmem:v18+s2+$0x0] =	vst.idx.msk vm10, v0  }
0x174: {  	v18 =	vld [tilespmem:$0x1F470];
	_ =	sdelay $0x4  }
0x175: {  	vm11 =	vlt.s32 v18, $0x1F8;
	v18 =	vshll.u32 v18, $0x7  }
0x176: {  	v18 =	vor.u32 v9, v18;
	_ =	sdelay $0x4  }
0x177: {  	[tilespmem:v18+s2+$0x0] =	vst.idx.msk vm11, v0  }
0x178: {  	v18 =	vld [tilespmem:$0x1F480];
	_ =	sdelay $0x4  }
0x179: {  	vm12 =	vlt.s32 v18, $0x1F8;
	v18 =	vshll.u32 v18, $0x7  }
0x17a: {  	v18 =	vor.u32 v1, v18;
	_ =	sdelay $0x4  }
0x17b: {  	[tilespmem:v18+s2+$0x0] =	vst.idx.msk vm12, v2  }
0x17c: {  	v18 =	vld [tilespmem:$0x1F490];
	_ =	sdelay $0x4  }
0x17d: {  	vm13 =	vlt.s32 v18, $0x1F8;
	v18 =	vshll.u32 v18, $0x7  }
0x17e: {  	v18 =	vor.u32 v3, v18;
	_ =	sdelay $0x4  }
0x17f: {  	[tilespmem:v18+s2+$0x0] =	vst.idx.msk vm13, v2  }
0x180: {  	v18 =	vld [tilespmem:$0x1F4A0];
	_ =	sdelay $0x4  }
0x181: {  	vm14 =	vlt.s32 v18, $0x1F8;
	v18 =	vshll.u32 v18, $0x7  }
0x182: {  	v18 =	vor.u32 v4, v18;
	_ =	sdelay $0x4  }
0x183: {  	[tilespmem:v18+s2+$0x0] =	vst.idx.msk vm14, v2  }
0x184: {  	v18 =	vld [tilespmem:$0x1F4B0];
	_ =	sdelay $0x4  }
0x185: {  	vm15 =	vlt.s32 v18, $0x1F8;
	v18 =	vshll.u32 v18, $0x7  }
0x186: {  	v18 =	vor.u32 v5, v18;
	_ =	sdelay $0x4  }
0x187: {  	[tilespmem:v18+s2+$0x0] =	vst.idx.msk vm15, v2  }
0x188: {  	v18 =	vld [tilespmem:$0x1F4C0];
	_ =	sdelay $0x4  }
0x189: {  	vm4 =	vlt.s32 v18, $0x1F8;
	v18 =	vshll.u32 v18, $0x7  }
0x18a: {  	v18 =	vor.u32 v6, v18;
	_ =	sdelay $0x4  }
0x18b: {  	[tilespmem:v18+s2+$0x0] =	vst.idx.msk vm4, v2  }
0x18c: {  	v18 =	vld [tilespmem:$0x1F4D0];
	_ =	sdelay $0x4  }
0x18d: {  	vm5 =	vlt.s32 v18, $0x1F8;
	v18 =	vshll.u32 v18, $0x7  }
0x18e: {  	v18 =	vor.u32 v7, v18;
	_ =	sdelay $0x4  }
0x18f: {  	[tilespmem:v18+s2+$0x0] =	vst.idx.msk vm5, v2  }
0x190: {  	v18 =	vld [tilespmem:$0x1F4E0];
	_ =	sdelay $0x4  }
0x191: {  	vm6 =	vlt.s32 v18, $0x1F8;
	v18 =	vshll.u32 v18, $0x7  }
0x192: {  	v18 =	vor.u32 v8, v18;
	_ =	sdelay $0x4  }
0x193: {  	[tilespmem:v18+s2+$0x0] =	vst.idx.msk vm6, v2  }
0x194: {  	v18 =	vld [tilespmem:$0x1F4F0];
	_ =	sdelay $0x4  }
0x195: {  	vm7 =	vlt.s32 v18, $0x1F8;
	v18 =	vshll.u32 v18, $0x7  }
0x196: {  	v18 =	vor.u32 v9, v18;
	_ =	sdelay $0x4  }
0x197: {  	[tilespmem:v18+s2+$0x0] =	vst.idx.msk vm7, v2  }
0x198: {  	[hbm4b:s6+s15] =	stream.strided.scatter [tilespmem:s2], [sflag:$0x1], $0xFC00, s16, s15, $0x38;
	[tilespmem:$0x1F600] =	vst v63  }
0x199: {  	_ =	swait.ge [sflag:s18], $0xF800  }
0x19a: {  	[sflag:s18] =	ssyncset.done $0x0  }
0x19b: {  	[sflag:s18] =	ssyncadd.s32 $0xFFFF0800  }
0x19c: {  	v18 =	vld [tilespmem:$0x1F400];
	_ =	sdelay $0x4  }
0x19d: {  	vm8 =	vgt.s32 v18, $0x1F7;
	v18 =	vshll.u32 v18, $0x7  }
0x19e: {  	v18 =	vadd.s32 v10, v18;
	_ =	sdelay $0x4  }
0x19f: {  	[tilespmem:v18+s17+$0x0] =	vst.idx.msk vm8, v0  }
0x1a0: {  	v18 =	vld [tilespmem:$0x1F410];
	_ =	sdelay $0x4  }
0x1a1: {  	vm9 =	vgt.s32 v18, $0x1F7;
	v18 =	vshll.u32 v18, $0x7  }
0x1a2: {  	v18 =	vadd.s32 v11, v18;
	_ =	sdelay $0x4  }
0x1a3: {  	[tilespmem:v18+s17+$0x0] =	vst.idx.msk vm9, v0  }
0x1a4: {  	v18 =	vld [tilespmem:$0x1F420];
	_ =	sdelay $0x4  }
0x1a5: {  	vm10 =	vgt.s32 v18, $0x1F7;
	v18 =	vshll.u32 v18, $0x7  }
0x1a6: {  	v18 =	vadd.s32 v12, v18;
	_ =	sdelay $0x4  }
0x1a7: {  	[tilespmem:v18+s17+$0x0] =	vst.idx.msk vm10, v0  }
0x1a8: {  	v18 =	vld [tilespmem:$0x1F430];
	_ =	sdelay $0x4  }
0x1a9: {  	vm11 =	vgt.s32 v18, $0x1F7;
	v18 =	vshll.u32 v18, $0x7  }
0x1aa: {  	v18 =	vadd.s32 v13, v18;
	_ =	sdelay $0x4  }
0x1ab: {  	[tilespmem:v18+s17+$0x0] =	vst.idx.msk vm11, v0  }
0x1ac: {  	v18 =	vld [tilespmem:$0x1F440];
	_ =	sdelay $0x4  }
0x1ad: {  	vm12 =	vgt.s32 v18, $0x1F7;
	v18 =	vshll.u32 v18, $0x7  }
0x1ae: {  	v18 =	vadd.s32 v14, v18;
	_ =	sdelay $0x4  }
0x1af: {  	[tilespmem:v18+s17+$0x0] =	vst.idx.msk vm12, v0  }
0x1b0: {  	v18 =	vld [tilespmem:$0x1F450];
	_ =	sdelay $0x4  }
0x1b1: {  	vm13 =	vgt.s32 v18, $0x1F7;
	v18 =	vshll.u32 v18, $0x7  }
0x1b2: {  	v18 =	vadd.s32 v15, v18;
	_ =	sdelay $0x4  }
0x1b3: {  	[tilespmem:v18+s17+$0x0] =	vst.idx.msk vm13, v0  }
0x1b4: {  	v18 =	vld [tilespmem:$0x1F460];
	_ =	sdelay $0x4  }
0x1b5: {  	vm14 =	vgt.s32 v18, $0x1F7;
	v18 =	vshll.u32 v18, $0x7  }
0x1b6: {  	v18 =	vadd.s32 v16, v18;
	_ =	sdelay $0x4  }
0x1b7: {  	[tilespmem:v18+s17+$0x0] =	vst.idx.msk vm14, v0  }
0x1b8: {  	v18 =	vld [tilespmem:$0x1F470];
	_ =	sdelay $0x4  }
0x1b9: {  	vm15 =	vgt.s32 v18, $0x1F7;
	v18 =	vshll.u32 v18, $0x7  }
0x1ba: {  	v18 =	vadd.s32 v17, v18;
	_ =	sdelay $0x4  }
0x1bb: {  	[tilespmem:v18+s17+$0x0] =	vst.idx.msk vm15, v0  }
0x1bc: {  	v18 =	vld [tilespmem:$0x1F480];
	_ =	sdelay $0x4  }
0x1bd: {  	vm4 =	vgt.s32 v18, $0x1F7;
	v18 =	vshll.u32 v18, $0x7  }
0x1be: {  	v18 =	vadd.s32 v10, v18;
	_ =	sdelay $0x4  }
0x1bf: {  	[tilespmem:v18+s17+$0x0] =	vst.idx.msk vm4, v2  }
0x1c0: {  	v18 =	vld [tilespmem:$0x1F490];
	_ =	sdelay $0x4  }
0x1c1: {  	vm5 =	vgt.s32 v18, $0x1F7;
	v18 =	vshll.u32 v18, $0x7  }
0x1c2: {  	v18 =	vadd.s32 v11, v18;
	_ =	sdelay $0x4  }
0x1c3: {  	[tilespmem:v18+s17+$0x0] =	vst.idx.msk vm5, v2  }
0x1c4: {  	v18 =	vld [tilespmem:$0x1F4A0];
	_ =	sdelay $0x4  }
0x1c5: {  	vm6 =	vgt.s32 v18, $0x1F7;
	v18 =	vshll.u32 v18, $0x7  }
0x1c6: {  	v18 =	vadd.s32 v12, v18;
	_ =	sdelay $0x4  }
0x1c7: {  	[tilespmem:v18+s17+$0x0] =	vst.idx.msk vm6, v2  }
0x1c8: {  	v18 =	vld [tilespmem:$0x1F4B0];
	_ =	sdelay $0x4  }
0x1c9: {  	vm7 =	vgt.s32 v18, $0x1F7;
	v18 =	vshll.u32 v18, $0x7  }
0x1ca: {  	v18 =	vadd.s32 v13, v18;
	_ =	sdelay $0x4  }
0x1cb: {  	[tilespmem:v18+s17+$0x0] =	vst.idx.msk vm7, v2  }
0x1cc: {  	v18 =	vld [tilespmem:$0x1F4C0];
	_ =	sdelay $0x4  }
0x1cd: {  	vm8 =	vgt.s32 v18, $0x1F7;
	v18 =	vshll.u32 v18, $0x7  }
0x1ce: {  	v18 =	vadd.s32 v14, v18;
	_ =	sdelay $0x4  }
0x1cf: {  	[tilespmem:v18+s17+$0x0] =	vst.idx.msk vm8, v2  }
0x1d0: {  	v18 =	vld [tilespmem:$0x1F4D0];
	_ =	sdelay $0x4  }
0x1d1: {  	vm9 =	vgt.s32 v18, $0x1F7;
	v18 =	vshll.u32 v18, $0x7  }
0x1d2: {  	v18 =	vadd.s32 v15, v18;
	_ =	sdelay $0x4  }
0x1d3: {  	[tilespmem:v18+s17+$0x0] =	vst.idx.msk vm9, v2  }
0x1d4: {  	v18 =	vld [tilespmem:$0x1F4E0];
	_ =	sdelay $0x4  }
0x1d5: {  	vm10 =	vgt.s32 v18, $0x1F7;
	v18 =	vshll.u32 v18, $0x7  }
0x1d6: {  	v18 =	vadd.s32 v16, v18;
	_ =	sdelay $0x4  }
0x1d7: {  	[tilespmem:v18+s17+$0x0] =	vst.idx.msk vm10, v2  }
0x1d8: {  	v18 =	vld [tilespmem:$0x1F4F0];
	_ =	sdelay $0x4  }
0x1d9: {  	vm11 =	vgt.s32 v18, $0x1F7;
	v18 =	vshll.u32 v18, $0x7  }
0x1da: {  	v18 =	vadd.s32 v17, v18;
	_ =	sdelay $0x4  }
0x1db: {  	[tilespmem:v18+s17+$0x0] =	vst.idx.msk vm11, v2  }
0x1dc: {  	[hbm4b:s7+s15] =	stream.strided.scatter [tilespmem:s17], [sflag:$0x2], $0xF800, s16, s15, $0x38;
	[tilespmem:$0x1F600] =	vst v63  }
0x1dd: {  	_ =	swait.ge [sflag:s14], $0xFC00  }
0x1de: {  	[sflag:s14] =	ssyncset.done $0x0  }
0x1df: {  	[sflag:s14] =	ssyncadd.s32 $0xFFFF0400  }
0x1e0: {  	v18 =	vld [tilespmem:$0x1F480];
	_ =	sdelay $0x4  }
0x1e1: {  	vm12 =	vlt.s32 v18, $0x1F8;
	v18 =	vshll.u32 v18, $0x7  }
0x1e2: {  	v18 =	vor.u32 v1, v18;
	_ =	sdelay $0x4  }
0x1e3: {  	[tilespmem:v18+s2+$0x0] =	vst.idx.msk vm12, v0  }
0x1e4: {  	v18 =	vld [tilespmem:$0x1F490];
	_ =	sdelay $0x4  }
0x1e5: {  	vm13 =	vlt.s32 v18, $0x1F8;
	v18 =	vshll.u32 v18, $0x7  }
0x1e6: {  	v18 =	vor.u32 v3, v18;
	_ =	sdelay $0x4  }
0x1e7: {  	[tilespmem:v18+s2+$0x0] =	vst.idx.msk vm13, v0  }
0x1e8: {  	v18 =	vld [tilespmem:$0x1F4A0];
	_ =	sdelay $0x4  }
0x1e9: {  	vm14 =	vlt.s32 v18, $0x1F8;
	v18 =	vshll.u32 v18, $0x7  }
0x1ea: {  	v18 =	vor.u32 v4, v18;
	_ =	sdelay $0x4  }
0x1eb: {  	[tilespmem:v18+s2+$0x0] =	vst.idx.msk vm14, v0  }
0x1ec: {  	v18 =	vld [tilespmem:$0x1F4B0];
	_ =	sdelay $0x4  }
0x1ed: {  	vm15 =	vlt.s32 v18, $0x1F8;
	v18 =	vshll.u32 v18, $0x7  }
0x1ee: {  	v18 =	vor.u32 v5, v18;
	_ =	sdelay $0x4  }
0x1ef: {  	[tilespmem:v18+s2+$0x0] =	vst.idx.msk vm15, v0  }
0x1f0: {  	v18 =	vld [tilespmem:$0x1F4C0];
	_ =	sdelay $0x4  }
0x1f1: {  	vm4 =	vlt.s32 v18, $0x1F8;
	v18 =	vshll.u32 v18, $0x7  }
0x1f2: {  	v18 =	vor.u32 v6, v18;
	_ =	sdelay $0x4  }
0x1f3: {  	[tilespmem:v18+s2+$0x0] =	vst.idx.msk vm4, v0  }
0x1f4: {  	v18 =	vld [tilespmem:$0x1F4D0];
	_ =	sdelay $0x4  }
0x1f5: {  	vm5 =	vlt.s32 v18, $0x1F8;
	v18 =	vshll.u32 v18, $0x7  }
0x1f6: {  	v18 =	vor.u32 v7, v18;
	_ =	sdelay $0x4  }
0x1f7: {  	[tilespmem:v18+s2+$0x0] =	vst.idx.msk vm5, v0  }
0x1f8: {  	v18 =	vld [tilespmem:$0x1F4E0];
	_ =	sdelay $0x4  }
0x1f9: {  	vm6 =	vlt.s32 v18, $0x1F8;
	v18 =	vshll.u32 v18, $0x7  }
0x1fa: {  	v18 =	vor.u32 v8, v18;
	_ =	sdelay $0x4  }
0x1fb: {  	[tilespmem:v18+s2+$0x0] =	vst.idx.msk vm6, v0  }
0x1fc: {  	v18 =	vld [tilespmem:$0x1F4F0];
	_ =	sdelay $0x4  }
0x1fd: {  	vm7 =	vlt.s32 v18, $0x1F8;
	v18 =	vshll.u32 v18, $0x7  }
0x1fe: {  	v18 =	vor.u32 v9, v18;
	_ =	sdelay $0x4  }
0x1ff: {  	[tilespmem:v18+s2+$0x0] =	vst.idx.msk vm7, v0  }
0x200: {  	v18 =	vld [tilespmem:$0x1F500];
	_ =	sdelay $0x4  }
0x201: {  	vm8 =	vlt.s32 v18, $0x1F8;
	v18 =	vshll.u32 v18, $0x7  }
0x202: {  	v18 =	vor.u32 v1, v18;
	_ =	sdelay $0x4  }
0x203: {  	[tilespmem:v18+s2+$0x0] =	vst.idx.msk vm8, v2  }
0x204: {  	v18 =	vld [tilespmem:$0x1F510];
	_ =	sdelay $0x4  }
0x205: {  	vm9 =	vlt.s32 v18, $0x1F8;
	v18 =	vshll.u32 v18, $0x7  }
0x206: {  	v18 =	vor.u32 v3, v18;
	_ =	sdelay $0x4  }
0x207: {  	[tilespmem:v18+s2+$0x0] =	vst.idx.msk vm9, v2  }
0x208: {  	v18 =	vld [tilespmem:$0x1F520];
	_ =	sdelay $0x4  }
0x209: {  	vm10 =	vlt.s32 v18, $0x1F8;
	v18 =	vshll.u32 v18, $0x7  }
0x20a: {  	v18 =	vor.u32 v4, v18;
	_ =	sdelay $0x4  }
0x20b: {  	[tilespmem:v18+s2+$0x0] =	vst.idx.msk vm10, v2  }
0x20c: {  	v18 =	vld [tilespmem:$0x1F530];
	_ =	sdelay $0x4  }
0x20d: {  	vm11 =	vlt.s32 v18, $0x1F8;
	v18 =	vshll.u32 v18, $0x7  }
0x20e: {  	v18 =	vor.u32 v5, v18;
	_ =	sdelay $0x4  }
0x20f: {  	[tilespmem:v18+s2+$0x0] =	vst.idx.msk vm11, v2  }
0x210: {  	v18 =	vld [tilespmem:$0x1F540];
	_ =	sdelay $0x4  }
0x211: {  	vm12 =	vlt.s32 v18, $0x1F8;
	v18 =	vshll.u32 v18, $0x7  }
0x212: {  	v18 =	vor.u32 v6, v18;
	_ =	sdelay $0x4  }
0x213: {  	[tilespmem:v18+s2+$0x0] =	vst.idx.msk vm12, v2  }
0x214: {  	v18 =	vld [tilespmem:$0x1F550];
	_ =	sdelay $0x4  }
0x215: {  	vm13 =	vlt.s32 v18, $0x1F8;
	v18 =	vshll.u32 v18, $0x7  }
0x216: {  	v18 =	vor.u32 v7, v18;
	_ =	sdelay $0x4  }
0x217: {  	[tilespmem:v18+s2+$0x0] =	vst.idx.msk vm13, v2  }
0x218: {  	v18 =	vld [tilespmem:$0x1F560];
	_ =	sdelay $0x4  }
0x219: {  	vm14 =	vlt.s32 v18, $0x1F8;
	v18 =	vshll.u32 v18, $0x7  }
0x21a: {  	v18 =	vor.u32 v8, v18;
	_ =	sdelay $0x4  }
0x21b: {  	[tilespmem:v18+s2+$0x0] =	vst.idx.msk vm14, v2  }
0x21c: {  	v18 =	vld [tilespmem:$0x1F570];
	_ =	sdelay $0x4  }
0x21d: {  	vm15 =	vlt.s32 v18, $0x1F8;
	v18 =	vshll.u32 v18, $0x7  }
0x21e: {  	v18 =	vor.u32 v9, v18;
	_ =	sdelay $0x4  }
0x21f: {  	[tilespmem:v18+s2+$0x0] =	vst.idx.msk vm15, v2  }
0x220: {  	[hbm4b:s8+s15] =	stream.strided.scatter [tilespmem:s2], [sflag:$0x1], $0xFC00, s16, s15, $0x38;
	[tilespmem:$0x1F600] =	vst v63  }
0x221: {  	_ =	swait.ge [sflag:s18], $0xF800  }
0x222: {  	[sflag:s18] =	ssyncset.done $0x0  }
0x223: {  	[sflag:s18] =	ssyncadd.s32 $0xFFFF0800  }
0x224: {  	v18 =	vld [tilespmem:$0x1F480];
	_ =	sdelay $0x4  }
0x225: {  	vm4 =	vgt.s32 v18, $0x1F7;
	v18 =	vshll.u32 v18, $0x7  }
0x226: {  	v18 =	vadd.s32 v10, v18;
	_ =	sdelay $0x4  }
0x227: {  	[tilespmem:v18+s17+$0x0] =	vst.idx.msk vm4, v0  }
0x228: {  	v18 =	vld [tilespmem:$0x1F490];
	_ =	sdelay $0x4  }
0x229: {  	vm5 =	vgt.s32 v18, $0x1F7;
	v18 =	vshll.u32 v18, $0x7  }
0x22a: {  	v18 =	vadd.s32 v11, v18;
	_ =	sdelay $0x4  }
0x22b: {  	[tilespmem:v18+s17+$0x0] =	vst.idx.msk vm5, v0  }
0x22c: {  	v18 =	vld [tilespmem:$0x1F4A0];
	_ =	sdelay $0x4  }
0x22d: {  	vm6 =	vgt.s32 v18, $0x1F7;
	v18 =	vshll.u32 v18, $0x7  }
0x22e: {  	v18 =	vadd.s32 v12, v18;
	_ =	sdelay $0x4  }
0x22f: {  	[tilespmem:v18+s17+$0x0] =	vst.idx.msk vm6, v0  }
0x230: {  	v18 =	vld [tilespmem:$0x1F4B0];
	_ =	sdelay $0x4  }
0x231: {  	vm7 =	vgt.s32 v18, $0x1F7;
	v18 =	vshll.u32 v18, $0x7  }
0x232: {  	v18 =	vadd.s32 v13, v18;
	_ =	sdelay $0x4  }
0x233: {  	[tilespmem:v18+s17+$0x0] =	vst.idx.msk vm7, v0  }
0x234: {  	v18 =	vld [tilespmem:$0x1F4C0];
	_ =	sdelay $0x4  }
0x235: {  	vm8 =	vgt.s32 v18, $0x1F7;
	v18 =	vshll.u32 v18, $0x7  }
0x236: {  	v18 =	vadd.s32 v14, v18;
	_ =	sdelay $0x4  }
0x237: {  	[tilespmem:v18+s17+$0x0] =	vst.idx.msk vm8, v0  }
0x238: {  	v18 =	vld [tilespmem:$0x1F4D0];
	_ =	sdelay $0x4  }
0x239: {  	vm9 =	vgt.s32 v18, $0x1F7;
	v18 =	vshll.u32 v18, $0x7  }
0x23a: {  	v18 =	vadd.s32 v15, v18;
	_ =	sdelay $0x4  }
0x23b: {  	[tilespmem:v18+s17+$0x0] =	vst.idx.msk vm9, v0  }
0x23c: {  	v18 =	vld [tilespmem:$0x1F4E0];
	_ =	sdelay $0x4  }
0x23d: {  	vm10 =	vgt.s32 v18, $0x1F7;
	v18 =	vshll.u32 v18, $0x7  }
0x23e: {  	v18 =	vadd.s32 v16, v18;
	_ =	sdelay $0x4  }
0x23f: {  	[tilespmem:v18+s17+$0x0] =	vst.idx.msk vm10, v0  }
0x240: {  	v18 =	vld [tilespmem:$0x1F4F0];
	_ =	sdelay $0x4  }
0x241: {  	vm11 =	vgt.s32 v18, $0x1F7;
	v18 =	vshll.u32 v18, $0x7  }
0x242: {  	v18 =	vadd.s32 v17, v18;
	_ =	sdelay $0x4  }
0x243: {  	[tilespmem:v18+s17+$0x0] =	vst.idx.msk vm11, v0  }
0x244: {  	v18 =	vld [tilespmem:$0x1F500];
	_ =	sdelay $0x4  }
0x245: {  	vm12 =	vgt.s32 v18, $0x1F7;
	v18 =	vshll.u32 v18, $0x7  }
0x246: {  	v18 =	vadd.s32 v10, v18;
	_ =	sdelay $0x4  }
0x247: {  	[tilespmem:v18+s17+$0x0] =	vst.idx.msk vm12, v2  }
0x248: {  	v18 =	vld [tilespmem:$0x1F510];
	_ =	sdelay $0x4  }
0x249: {  	vm13 =	vgt.s32 v18, $0x1F7;
	v18 =	vshll.u32 v18, $0x7  }
0x24a: {  	v18 =	vadd.s32 v11, v18;
	_ =	sdelay $0x4  }
0x24b: {  	[tilespmem:v18+s17+$0x0] =	vst.idx.msk vm13, v2  }
0x24c: {  	v18 =	vld [tilespmem:$0x1F520];
	_ =	sdelay $0x4  }
0x24d: {  	vm14 =	vgt.s32 v18, $0x1F7;
	v18 =	vshll.u32 v18, $0x7  }
0x24e: {  	v18 =	vadd.s32 v12, v18;
	_ =	sdelay $0x4  }
0x24f: {  	[tilespmem:v18+s17+$0x0] =	vst.idx.msk vm14, v2  }
0x250: {  	v18 =	vld [tilespmem:$0x1F530];
	_ =	sdelay $0x4  }
0x251: {  	vm15 =	vgt.s32 v18, $0x1F7;
	v18 =	vshll.u32 v18, $0x7  }
0x252: {  	v18 =	vadd.s32 v13, v18;
	_ =	sdelay $0x4  }
0x253: {  	[tilespmem:v18+s17+$0x0] =	vst.idx.msk vm15, v2  }
0x254: {  	v18 =	vld [tilespmem:$0x1F540];
	_ =	sdelay $0x4  }
0x255: {  	vm4 =	vgt.s32 v18, $0x1F7;
	v18 =	vshll.u32 v18, $0x7  }
0x256: {  	v18 =	vadd.s32 v14, v18;
	_ =	sdelay $0x4  }
0x257: {  	[tilespmem:v18+s17+$0x0] =	vst.idx.msk vm4, v2  }
0x258: {  	v18 =	vld [tilespmem:$0x1F550];
	_ =	sdelay $0x4  }
0x259: {  	vm5 =	vgt.s32 v18, $0x1F7;
	v18 =	vshll.u32 v18, $0x7  }
0x25a: {  	v18 =	vadd.s32 v15, v18;
	_ =	sdelay $0x4  }
0x25b: {  	[tilespmem:v18+s17+$0x0] =	vst.idx.msk vm5, v2  }
0x25c: {  	v18 =	vld [tilespmem:$0x1F560];
	_ =	sdelay $0x4  }
0x25d: {  	vm6 =	vgt.s32 v18, $0x1F7;
	v18 =	vshll.u32 v18, $0x7  }
0x25e: {  	v18 =	vadd.s32 v16, v18;
	_ =	sdelay $0x4  }
0x25f: {  	[tilespmem:v18+s17+$0x0] =	vst.idx.msk vm6, v2  }
0x260: {  	v18 =	vld [tilespmem:$0x1F570];
	_ =	sdelay $0x4  }
0x261: {  	vm7 =	vgt.s32 v18, $0x1F7;
	v18 =	vshll.u32 v18, $0x7  }
0x262: {  	v18 =	vadd.s32 v17, v18;
	_ =	sdelay $0x4  }
0x263: {  	[tilespmem:v18+s17+$0x0] =	vst.idx.msk vm7, v2  }
0x264: {  	[hbm4b:s9+s15] =	stream.strided.scatter [tilespmem:s17], [sflag:$0x2], $0xF800, s16, s15, $0x38;
	[tilespmem:$0x1F600] =	vst v63  }
0x265: {  	_ =	swait.ge [sflag:s14], $0xFC00  }
0x266: {  	[sflag:s14] =	ssyncset.done $0x0  }
0x267: {  	[sflag:s14] =	ssyncadd.s32 $0xFFFF0400  }
0x268: {  	v18 =	vld [tilespmem:$0x1F500];
	_ =	sdelay $0x4  }
0x269: {  	vm8 =	vlt.s32 v18, $0x1F8;
	v18 =	vshll.u32 v18, $0x7  }
0x26a: {  	v18 =	vor.u32 v1, v18;
	_ =	sdelay $0x4  }
0x26b: {  	[tilespmem:v18+s2+$0x0] =	vst.idx.msk vm8, v0  }
0x26c: {  	v18 =	vld [tilespmem:$0x1F510];
	_ =	sdelay $0x4  }
0x26d: {  	vm9 =	vlt.s32 v18, $0x1F8;
	v18 =	vshll.u32 v18, $0x7  }
0x26e: {  	v18 =	vor.u32 v3, v18;
	_ =	sdelay $0x4  }
0x26f: {  	[tilespmem:v18+s2+$0x0] =	vst.idx.msk vm9, v0  }
0x270: {  	v18 =	vld [tilespmem:$0x1F520];
	_ =	sdelay $0x4  }
0x271: {  	vm10 =	vlt.s32 v18, $0x1F8;
	v18 =	vshll.u32 v18, $0x7  }
0x272: {  	v18 =	vor.u32 v4, v18;
	_ =	sdelay $0x4  }
0x273: {  	[tilespmem:v18+s2+$0x0] =	vst.idx.msk vm10, v0  }
0x274: {  	v18 =	vld [tilespmem:$0x1F530];
	_ =	sdelay $0x4  }
0x275: {  	vm11 =	vlt.s32 v18, $0x1F8;
	v18 =	vshll.u32 v18, $0x7  }
0x276: {  	v18 =	vor.u32 v5, v18;
	_ =	sdelay $0x4  }
0x277: {  	[tilespmem:v18+s2+$0x0] =	vst.idx.msk vm11, v0  }
0x278: {  	v18 =	vld [tilespmem:$0x1F540];
	_ =	sdelay $0x4  }
0x279: {  	vm12 =	vlt.s32 v18, $0x1F8;
	v18 =	vshll.u32 v18, $0x7  }
0x27a: {  	v18 =	vor.u32 v6, v18;
	_ =	sdelay $0x4  }
0x27b: {  	[tilespmem:v18+s2+$0x0] =	vst.idx.msk vm12, v0  }
0x27c: {  	v18 =	vld [tilespmem:$0x1F550];
	_ =	sdelay $0x4  }
0x27d: {  	vm13 =	vlt.s32 v18, $0x1F8;
	v18 =	vshll.u32 v18, $0x7  }
0x27e: {  	v18 =	vor.u32 v7, v18;
	_ =	sdelay $0x4  }
0x27f: {  	[tilespmem:v18+s2+$0x0] =	vst.idx.msk vm13, v0  }
0x280: {  	v18 =	vld [tilespmem:$0x1F560];
	_ =	sdelay $0x4  }
0x281: {  	vm14 =	vlt.s32 v18, $0x1F8;
	v18 =	vshll.u32 v18, $0x7  }
0x282: {  	v18 =	vor.u32 v8, v18;
	_ =	sdelay $0x4  }
0x283: {  	[tilespmem:v18+s2+$0x0] =	vst.idx.msk vm14, v0  }
0x284: {  	v18 =	vld [tilespmem:$0x1F570];
	_ =	sdelay $0x4  }
0x285: {  	vm15 =	vlt.s32 v18, $0x1F8;
	v18 =	vshll.u32 v18, $0x7  }
0x286: {  	v18 =	vor.u32 v9, v18;
	_ =	sdelay $0x4  }
0x287: {  	[tilespmem:v18+s2+$0x0] =	vst.idx.msk vm15, v0  }
0x288: {  	v18 =	vld [tilespmem:$0x1F580];
	_ =	sdelay $0x4  }
0x289: {  	vm4 =	vlt.s32 v18, $0x1F8;
	v18 =	vshll.u32 v18, $0x7  }
0x28a: {  	v18 =	vor.u32 v1, v18;
	_ =	sdelay $0x4  }
0x28b: {  	[tilespmem:v18+s2+$0x0] =	vst.idx.msk vm4, v2  }
0x28c: {  	v18 =	vld [tilespmem:$0x1F590];
	_ =	sdelay $0x4  }
0x28d: {  	vm5 =	vlt.s32 v18, $0x1F8;
	v18 =	vshll.u32 v18, $0x7  }
0x28e: {  	v18 =	vor.u32 v3, v18;
	_ =	sdelay $0x4  }
0x28f: {  	[tilespmem:v18+s2+$0x0] =	vst.idx.msk vm5, v2  }
0x290: {  	v18 =	vld [tilespmem:$0x1F5A0];
	_ =	sdelay $0x4  }
0x291: {  	vm6 =	vlt.s32 v18, $0x1F8;
	v18 =	vshll.u32 v18, $0x7  }
0x292: {  	v18 =	vor.u32 v4, v18;
	_ =	sdelay $0x4  }
0x293: {  	[tilespmem:v18+s2+$0x0] =	vst.idx.msk vm6, v2  }
0x294: {  	v18 =	vld [tilespmem:$0x1F5B0];
	_ =	sdelay $0x4  }
0x295: {  	vm7 =	vlt.s32 v18, $0x1F8;
	v18 =	vshll.u32 v18, $0x7  }
0x296: {  	v18 =	vor.u32 v5, v18;
	_ =	sdelay $0x4  }
0x297: {  	[tilespmem:v18+s2+$0x0] =	vst.idx.msk vm7, v2  }
0x298: {  	v18 =	vld [tilespmem:$0x1F5C0];
	_ =	sdelay $0x4  }
0x299: {  	vm8 =	vlt.s32 v18, $0x1F8;
	v18 =	vshll.u32 v18, $0x7  }
0x29a: {  	v18 =	vor.u32 v6, v18;
	_ =	sdelay $0x4  }
0x29b: {  	[tilespmem:v18+s2+$0x0] =	vst.idx.msk vm8, v2  }
0x29c: {  	v18 =	vld [tilespmem:$0x1F5D0];
	_ =	sdelay $0x4  }
0x29d: {  	vm9 =	vlt.s32 v18, $0x1F8;
	v18 =	vshll.u32 v18, $0x7  }
0x29e: {  	v18 =	vor.u32 v7, v18;
	_ =	sdelay $0x4  }
0x29f: {  	[tilespmem:v18+s2+$0x0] =	vst.idx.msk vm9, v2  }
0x2a0: {  	v18 =	vld [tilespmem:$0x1F5E0];
	_ =	sdelay $0x4  }
0x2a1: {  	vm10 =	vlt.s32 v18, $0x1F8;
	v18 =	vshll.u32 v18, $0x7  }
0x2a2: {  	v18 =	vor.u32 v8, v18;
	_ =	sdelay $0x4  }
0x2a3: {  	[tilespmem:v18+s2+$0x0] =	vst.idx.msk vm10, v2  }
0x2a4: {  	v18 =	vld [tilespmem:$0x1F5F0];
	_ =	sdelay $0x4  }
0x2a5: {  	vm11 =	vlt.s32 v18, $0x1F8;
	v18 =	vshll.u32 v18, $0x7  }
0x2a6: {  	v18 =	vor.u32 v9, v18;
	_ =	sdelay $0x4  }
0x2a7: {  	[tilespmem:v18+s2+$0x0] =	vst.idx.msk vm11, v2  }
0x2a8: {  	[hbm4b:s10+s15] =	stream.strided.scatter [tilespmem:s2], [sflag:$0x1], $0xFC00, s16, s15, $0x38;
	[tilespmem:$0x1F600] =	vst v63  }
0x2a9: {  	_ =	swait.ge [sflag:s18], $0xF800  }
0x2aa: {  	[sflag:s18] =	ssyncset.done $0x0  }
0x2ab: {  	[sflag:s18] =	ssyncadd.s32 $0xFFFF0800  }
0x2ac: {  	v18 =	vld [tilespmem:$0x1F500];
	_ =	sdelay $0x4  }
0x2ad: {  	vm12 =	vgt.s32 v18, $0x1F7;
	v18 =	vshll.u32 v18, $0x7  }
0x2ae: {  	v18 =	vadd.s32 v10, v18;
	_ =	sdelay $0x4  }
0x2af: {  	[tilespmem:v18+s17+$0x0] =	vst.idx.msk vm12, v0  }
0x2b0: {  	v18 =	vld [tilespmem:$0x1F510];
	_ =	sdelay $0x4  }
0x2b1: {  	vm13 =	vgt.s32 v18, $0x1F7;
	v18 =	vshll.u32 v18, $0x7  }
0x2b2: {  	v18 =	vadd.s32 v11, v18;
	_ =	sdelay $0x4  }
0x2b3: {  	[tilespmem:v18+s17+$0x0] =	vst.idx.msk vm13, v0  }
0x2b4: {  	v18 =	vld [tilespmem:$0x1F520];
	_ =	sdelay $0x4  }
0x2b5: {  	vm14 =	vgt.s32 v18, $0x1F7;
	v18 =	vshll.u32 v18, $0x7  }
0x2b6: {  	v18 =	vadd.s32 v12, v18;
	_ =	sdelay $0x4  }
0x2b7: {  	[tilespmem:v18+s17+$0x0] =	vst.idx.msk vm14, v0  }
0x2b8: {  	v18 =	vld [tilespmem:$0x1F530];
	_ =	sdelay $0x4  }
0x2b9: {  	vm15 =	vgt.s32 v18, $0x1F7;
	v18 =	vshll.u32 v18, $0x7  }
0x2ba: {  	v18 =	vadd.s32 v13, v18;
	_ =	sdelay $0x4  }
0x2bb: {  	[tilespmem:v18+s17+$0x0] =	vst.idx.msk vm15, v0  }
0x2bc: {  	v18 =	vld [tilespmem:$0x1F540];
	_ =	sdelay $0x4  }
0x2bd: {  	vm4 =	vgt.s32 v18, $0x1F7;
	v18 =	vshll.u32 v18, $0x7  }
0x2be: {  	v18 =	vadd.s32 v14, v18;
	_ =	sdelay $0x4  }
0x2bf: {  	[tilespmem:v18+s17+$0x0] =	vst.idx.msk vm4, v0  }
0x2c0: {  	v18 =	vld [tilespmem:$0x1F550];
	_ =	sdelay $0x4  }
0x2c1: {  	vm5 =	vgt.s32 v18, $0x1F7;
	v18 =	vshll.u32 v18, $0x7  }
0x2c2: {  	v18 =	vadd.s32 v15, v18;
	_ =	sdelay $0x4  }
0x2c3: {  	[tilespmem:v18+s17+$0x0] =	vst.idx.msk vm5, v0  }
0x2c4: {  	v18 =	vld [tilespmem:$0x1F560];
	_ =	sdelay $0x4  }
0x2c5: {  	vm6 =	vgt.s32 v18, $0x1F7;
	v18 =	vshll.u32 v18, $0x7  }
0x2c6: {  	v18 =	vadd.s32 v16, v18;
	_ =	sdelay $0x4  }
0x2c7: {  	[tilespmem:v18+s17+$0x0] =	vst.idx.msk vm6, v0  }
0x2c8: {  	v18 =	vld [tilespmem:$0x1F570];
	_ =	sdelay $0x4  }
0x2c9: {  	vm7 =	vgt.s32 v18, $0x1F7;
	v18 =	vshll.u32 v18, $0x7  }
0x2ca: {  	v18 =	vadd.s32 v17, v18;
	_ =	sdelay $0x4  }
0x2cb: {  	[tilespmem:v18+s17+$0x0] =	vst.idx.msk vm7, v0  }
0x2cc: {  	v18 =	vld [tilespmem:$0x1F580];
	_ =	sdelay $0x4  }
0x2cd: {  	vm8 =	vgt.s32 v18, $0x1F7;
	v18 =	vshll.u32 v18, $0x7  }
0x2ce: {  	v18 =	vadd.s32 v10, v18;
	_ =	sdelay $0x4  }
0x2cf: {  	[tilespmem:v18+s17+$0x0] =	vst.idx.msk vm8, v2  }
0x2d0: {  	v18 =	vld [tilespmem:$0x1F590];
	_ =	sdelay $0x4  }
0x2d1: {  	vm9 =	vgt.s32 v18, $0x1F7;
	v18 =	vshll.u32 v18, $0x7  }
0x2d2: {  	v18 =	vadd.s32 v11, v18;
	_ =	sdelay $0x4  }
0x2d3: {  	[tilespmem:v18+s17+$0x0] =	vst.idx.msk vm9, v2  }
0x2d4: {  	v18 =	vld [tilespmem:$0x1F5A0];
	_ =	sdelay $0x4  }
0x2d5: {  	vm10 =	vgt.s32 v18, $0x1F7;
	v18 =	vshll.u32 v18, $0x7  }
0x2d6: {  	v18 =	vadd.s32 v12, v18;
	_ =	sdelay $0x4  }
0x2d7: {  	[tilespmem:v18+s17+$0x0] =	vst.idx.msk vm10, v2  }
0x2d8: {  	v18 =	vld [tilespmem:$0x1F5B0];
	_ =	sdelay $0x4  }
0x2d9: {  	vm11 =	vgt.s32 v18, $0x1F7;
	v18 =	vshll.u32 v18, $0x7  }
0x2da: {  	v18 =	vadd.s32 v13, v18;
	_ =	sdelay $0x4  }
0x2db: {  	[tilespmem:v18+s17+$0x0] =	vst.idx.msk vm11, v2  }
0x2dc: {  	v18 =	vld [tilespmem:$0x1F5C0];
	_ =	sdelay $0x4  }
0x2dd: {  	vm12 =	vgt.s32 v18, $0x1F7;
	v18 =	vshll.u32 v18, $0x7  }
0x2de: {  	v18 =	vadd.s32 v14, v18;
	_ =	sdelay $0x4  }
0x2df: {  	[tilespmem:v18+s17+$0x0] =	vst.idx.msk vm12, v2  }
0x2e0: {  	v18 =	vld [tilespmem:$0x1F5D0];
	_ =	sdelay $0x4  }
0x2e1: {  	vm13 =	vgt.s32 v18, $0x1F7;
	v18 =	vshll.u32 v18, $0x7  }
0x2e2: {  	v18 =	vadd.s32 v15, v18;
	_ =	sdelay $0x4  }
0x2e3: {  	[tilespmem:v18+s17+$0x0] =	vst.idx.msk vm13, v2  }
0x2e4: {  	v18 =	vld [tilespmem:$0x1F5E0];
	_ =	sdelay $0x4  }
0x2e5: {  	vm14 =	vgt.s32 v18, $0x1F7;
	v18 =	vshll.u32 v18, $0x7  }
0x2e6: {  	v18 =	vadd.s32 v16, v18;
	_ =	sdelay $0x4  }
0x2e7: {  	[tilespmem:v18+s17+$0x0] =	vst.idx.msk vm14, v2  }
0x2e8: {  	v18 =	vld [tilespmem:$0x1F5F0];
	_ =	sdelay $0x4  }
0x2e9: {  	vm15 =	vgt.s32 v18, $0x1F7;
	v18 =	vshll.u32 v18, $0x7  }
0x2ea: {  	v18 =	vadd.s32 v17, v18;
	_ =	sdelay $0x4  }
0x2eb: {  	s19 =	sadd.s32 $0x1, s19;
	[tilespmem:v18+s17+$0x0] =	vst.idx.msk vm15, v2  }
0x2ec: {  	[hbm4b:s11+s15] =	stream.strided.scatter [tilespmem:s17], [sflag:$0x2], $0xF800, s16, s15, $0x38;
	[tilespmem:$0x1F600] =	vst v63  }
0x2ed: {  	p0 =	sne.s32 s19, s12;
	_ =	swait.ge [sflag:s14], $0xFC00  }
.Ltmp2:
0x2ee: {  	[sflag:s14] =	ssyncset.done $0x0;
	(pc) =	sbr.rel @p0 .LBB2_1-.Ltmp2, $4  }
0x2ef: {  	[sflag:s14] =	ssyncadd.s32 $0xFFFF0400  }
0x2f0: {  	_ =	swait.ge [sflag:s18], $0xF800  }
0x2f1: {  	[sflag:s18] =	ssyncset.done $0x0  }
0x2f2: {  	[sflag:s18] =	ssyncadd.s32 $0xFFFF0800  }
0x2f3: {  	_ =	sfence.sel $0x180000  }
0x2f4: {  	[bflag:$0x0] =	sbarrier.arrive $0xFFFF  }
0x2f5: {  	p0 =	sne.s32 s1, $0x0;
	_ =	strace $0x90000047  }
0x2f6: {  	s0 =	sadd.s32 @!p0 $0x100000, s0;
	[bflag:$0x2] =	sbarrier.arrive $0xFFFF  }
0x2f7: {  	[sflag:s0] =	ssyncadd.tile.s32 @!p0 $0x1;
	_ =	shalt  }
.Lfunc_end2:
_tile_overlayer_lowered:
.L_overlay_start_2:
0x2f8: {  	(tag) =	ssettag $0x2  }
0x2f9: {  	s0 =	rddreg [dreg:$0x0];
	s2 =	stileid.u32  }
0x2fa: {  	s1 =	rddreg [dreg:$0x1];
	p0 =	sne.s32 s2, $0x0  }
0x2fb: {  	s3 =	rddreg [dreg:$0x2];
	[bflag:$0x3] =	sbarrier.arrive $0xFFFF;
	s2 =	simm.s32 @!p0 $0x1C03  }
0x2fc: {  	[timem:s3], [sflag:s2] =	dma.local @!p0 [hbm:s0], s1  }
0x2fd: {  	s0 =	simm.s32 @!p0 $0x3  }
0x2fe: {  	_ =	swait.ge @!p0 [sflag:s0], s1  }
0x2ff: {  	s1 =	ssub.s32 @!p0 $0x0, s1;
	[sflag:s0] =	ssyncset.done @!p0 $0x0  }
0x300: {  	[sflag:s0] =	ssyncadd.s32 @!p0 s1  }
0x301: {  	[bflag:$0x3] =	sbarrier.arrive $0xFFFF  }
0x302: {  	_ =	shalt  }

</sc_bundles>
